<compile_context>
chip_gen: v7x
topology: tpu7x:2x2x1
jax: 0.10.2.dev20260603
libtpu: 0.0.44.dev20260713+nightly
codegen_flags: <defaults>
</compile_context>

<pallas_src>
import functools

import jax
import jax.numpy as jnp
from jax import lax
from jax.experimental import pallas as pl
from jax.experimental.pallas import tpu as pltpu
from jax.experimental.pallas import tpu_sc as plsc

MAXD = 100000
L = 20
BATCH = 5 * MAXD
NW = 32
K = 32
C = 512
NCH = 30
R_MAIN = 15632
R_LAST = BATCH - 31 * R_MAIN
TAIL = R_MAIN - NCH * C

_mesh = plsc.VectorSubcoreMesh(core_axis_name="c", subcore_axis_name="s")


def _iota16():
    return lax.iota(jnp.int32, 16)


def _merge16(tv, ti, th, vals, idx):
    sp, si = plsc.sort_key_val(vals, idx, descending=True)
    v0 = tv[pl.ds(0, 16)]
    v1 = tv[pl.ds(16, 16)]
    i0 = ti[pl.ds(0, 16)]
    i1 = ti[pl.ds(16, 16)]
    rc = lax.rev(sp, (0,))
    rci = lax.rev(si, (0,))
    take = (v1 > rc) | ((v1 == rc) & (i1 < rci))
    a = jnp.where(take, v1, rc)
    ai = jnp.where(take, i1, rci)
    a, ai = plsc.sort_key_val(a, ai, descending=True)
    ra = lax.rev(a, (0,))
    rai = lax.rev(ai, (0,))
    take2 = (v0 > ra) | ((v0 == ra) & (i0 < rai))
    p = jnp.where(take2, v0, ra)
    pi = jnp.where(take2, i0, rai)
    q = jnp.where(take2, ra, v0)
    qi = jnp.where(take2, rai, i0)
    nv0, ni0 = plsc.sort_key_val(p, pi, descending=True)
    nv1, ni1 = plsc.sort_key_val(q, qi, descending=True)
    tv[pl.ds(0, 16)] = nv0
    tv[pl.ds(16, 16)] = nv1
    ti[pl.ds(0, 16)] = ni0
    ti[pl.ds(16, 16)] = ni1
    th[...] = jnp.broadcast_to(jnp.min(nv1), (16,))


def _p1_body(rr_hbm, nm_hbm, sid_hbm, w_hbm, ov_hbm, oi_hbm,
             w_vmem, chunk0, chunk1, nm0, nm1, tchunk, tnm,
             sidb, sfx, tv, ti, th, s0, s1):
    nc = 2
    wid = lax.axis_index("s") * nc + lax.axis_index("c")
    base = wid * R_MAIN
    iota = _iota16()
    iota20 = iota * 20

    pltpu.sync_copy(w_hbm, w_vmem)
    pltpu.sync_copy(sid_hbm, sidb)

    b_lo = plsc.load_gather(w_vmem, [sidb[pl.ds(0, 16)]])
    b_hi = plsc.load_gather(w_vmem, [sidb[pl.ds(16, 16)]])
    b_hi = jnp.where(iota < 4, b_hi, jnp.float32(0.0))
    hi_sum = jnp.sum(b_hi)
    sfx_hi = lax.rev(plsc.cumsum(lax.rev(b_hi, (0,))), (0,))
    sfx_lo = lax.rev(plsc.cumsum(lax.rev(b_lo, (0,))), (0,)) + hi_sum
    sfx[pl.ds(0, 16)] = sfx_lo
    sfx[pl.ds(16, 16)] = sfx_hi

    ninf = jnp.full((16,), -jnp.inf, jnp.float32)
    zero16 = jnp.zeros((16,), jnp.int32)
    tv[pl.ds(0, 16)] = ninf
    tv[pl.ds(16, 16)] = ninf
    ti[pl.ds(0, 16)] = zero16
    ti[pl.ds(16, 16)] = zero16
    th[...] = ninf

    sems = (s0, s1)
    chunks = (chunk0, chunk1)
    nms = (nm0, nm1)

    def fetch(c, b):
        r0 = base + c * C
        pltpu.async_copy(rr_hbm.at[pl.ds(r0 * L, C * L)], chunks[b], sems[b])
        pltpu.async_copy(nm_hbm.at[pl.ds(r0, C)], nms[b], sems[b])

    def wait_buf(b):
        pltpu.make_async_copy(rr_hbm.at[pl.ds(0, C * L)], chunks[b], sems[b]).wait()
        pltpu.make_async_copy(nm_hbm.at[pl.ds(0, C)], nms[b], sems[b]).wait()

    def make_grp(ch, nm_ref, row0, min_row=None):
        def grp(g):
            m = nm_ref[pl.ds(g * 16, 16)]
            fi = g * 320 + iota20
            acc = jnp.zeros((16,), jnp.float32)
            for l in range(L):
                tok = plsc.load_gather(ch, [fi + l])
                wv = plsc.load_gather(w_vmem, [tok])
                acc = acc + jnp.where(l < m, wv, jnp.float32(0.0))
            acc = acc + plsc.load_gather(sfx, [m])
            gidx = row0 + g * 16 + iota
            if min_row is not None:
                acc = jnp.where(gidx >= min_row, acc, -jnp.inf)
            hit = jnp.any(acc > th[...])

            @pl.when(hit)
            def _():
                _merge16(tv, ti, th, acc, gidx)

        return grp

    fetch(0, 0)
    fetch(1, 1)

    def outer(cc):
        for b in range(2):
            c = cc + b
            wait_buf(b)
            pl.loop(0, C // 16)(make_grp(chunks[b], nms[b], base + c * C))
            nxt = c + 2

            @pl.when(nxt < NCH)
            def _():
                fetch(nxt, b)

    pl.loop(0, NCH, step=2)(outer)

    tail0 = base + NCH * C
    tfetch = jnp.minimum(tail0, BATCH - TAIL)
    pltpu.sync_copy(rr_hbm.at[pl.ds(tfetch * L, TAIL * L)], tchunk)
    pltpu.sync_copy(nm_hbm.at[pl.ds(tfetch, TAIL)], tnm)
    pl.loop(0, TAIL // 16)(make_grp(tchunk, tnm, tfetch, min_row=tail0))

    pltpu.sync_copy(tv, ov_hbm.at[wid])
    pltpu.sync_copy(ti, oi_hbm.at[wid])


@jax.jit
def _phase1(rr_flat, nm, sid_pad, w):
    return pl.kernel(
        _p1_body,
        out_type=(
            jax.ShapeDtypeStruct((NW, K), jnp.float32),
            jax.ShapeDtypeStruct((NW, K), jnp.int32),
        ),
        mesh=_mesh,
        compiler_params=pltpu.CompilerParams(needs_layout_passes=False),
        scratch_types=[
            pltpu.VMEM((MAXD,), jnp.float32),
            pltpu.VMEM((C * L,), jnp.int32),
            pltpu.VMEM((C * L,), jnp.int32),
            pltpu.VMEM((C,), jnp.int32),
            pltpu.VMEM((C,), jnp.int32),
            pltpu.VMEM((TAIL * L,), jnp.int32),
            pltpu.VMEM((TAIL,), jnp.int32),
            pltpu.VMEM((32,), jnp.int32),
            pltpu.VMEM((32,), jnp.float32),
            pltpu.VMEM((32,), jnp.float32),
            pltpu.VMEM((32,), jnp.int32),
            pltpu.VMEM((16,), jnp.float32),
            pltpu.SemaphoreType.DMA,
            pltpu.SemaphoreType.DMA,
        ],
    )(rr_flat, nm, sid_pad, w)


def _p2_body(cv_hbm, ci_hbm, rr_hbm, nm_hbm, sid_hbm, oi_hbm, ov_hbm,
             cvb, cib, idxb, rowbuf, nmbuf, sidb, oib, ovb, sem):
    nc = 2
    wid = lax.axis_index("s") * nc + lax.axis_index("c")

    @pl.when(wid == 0)
    def _():
        iota = _iota16()
        pltpu.sync_copy(cv_hbm, cvb)
        pltpu.sync_copy(ci_hbm, cib)
        pltpu.sync_copy(sid_hbm, sidb)
        v0 = cvb[pl.ds(0, 16)]
        v1 = cvb[pl.ds(16, 16)]
        i0 = cib[pl.ds(0, 16)]
        i1 = cib[pl.ds(16, 16)]
        for w in range(1, NW):
            c0 = cvb[pl.ds(32 * w, 16)]
            c1 = cvb[pl.ds(32 * w + 16, 16)]
            d0 = cib[pl.ds(32 * w, 16)]
            d1 = cib[pl.ds(32 * w + 16, 16)]
            rc1 = lax.rev(c1, (0,))
            rd1 = lax.rev(d1, (0,))
            rc0 = lax.rev(c0, (0,))
            rd0 = lax.rev(d0, (0,))
            t1 = (v0 > rc1) | ((v0 == rc1) & (i0 < rd1))
            p1 = jnp.where(t1, v0, rc1)
            p1i = jnp.where(t1, i0, rd1)
            t2 = (v1 > rc0) | ((v1 == rc0) & (i1 < rd0))
            p2 = jnp.where(t2, v1, rc0)
            p2i = jnp.where(t2, i1, rd0)
            t3 = (p1 > p2) | ((p1 == p2) & (p1i < p2i))
            hi = jnp.where(t3, p1, p2)
            hii = jnp.where(t3, p1i, p2i)
            lo = jnp.where(t3, p2, p1)
            loi = jnp.where(t3, p2i, p1i)
            v0, i0 = plsc.sort_key_val(hi, hii, descending=True)
            v1, i1 = plsc.sort_key_val(lo, loi, descending=True)
        ovb[pl.ds(0, 16)] = v0
        ovb[pl.ds(16, 16)] = v1
        idxb[pl.ds(0, 16)] = i0
        idxb[pl.ds(16, 16)] = i1
        pltpu.sync_copy(ovb, ov_hbm)
        cps = []
        ds = []
        dns = []
        for i in range(K):
            idx = i0[i] if i < 16 else i1[i - 16]
            off = idx * L
            a = pl.multiple_of(jnp.minimum(off - (off & 7), BATCH * L - 128), 8)
            an = pl.multiple_of(jnp.minimum(idx - (idx & 7), BATCH - 128), 8)
            ds.append(off - a)
            dns.append(idx - an)
            cps.append(pltpu.async_copy(
                rr_hbm.at[pl.ds(a, 128)],
                rowbuf.at[pl.ds(128 * i, 128)], sem))
            cps.append(pltpu.async_copy(
                nm_hbm.at[pl.ds(an, 128)],
                nmbuf.at[pl.ds(128 * i, 128)], sem))
        for cp in cps:
            cp.wait()
        sid_lo = sidb[pl.ds(0, 16)]
        sid_hi = sidb[pl.ds(16, 16)]
        for i in range(K):
            mi = plsc.load_gather(
                nmbuf, [jnp.broadcast_to(128 * i + dns[i], (16,))])
            rlo = plsc.load_gather(rowbuf, [128 * i + ds[i] + iota])
            out_lo = jnp.where(iota < mi, rlo, sid_lo)
            plsc.store_scatter(oib, [L * i + iota], out_lo)
            chi = 16 + iota
            rhi = plsc.load_gather(
                rowbuf, [jnp.minimum(128 * i + ds[i] + chi, 128 * i + 127)])
            out_hi = jnp.where(chi < mi, rhi, sid_hi)
            plsc.store_scatter(oib, [jnp.minimum(L * i + chi, K * L - 1)],
                               out_hi, mask=iota < 4)
        pltpu.sync_copy(oib, oi_hbm)


@jax.jit
def _phase2(cand_v, cand_i, rr_flat, nm, sid_pad):
    return pl.kernel(
        _p2_body,
        out_type=(
            jax.ShapeDtypeStruct((K * L,), jnp.int32),
            jax.ShapeDtypeStruct((K,), jnp.float32),
        ),
        mesh=_mesh,
        compiler_params=pltpu.CompilerParams(needs_layout_passes=False),
        scratch_types=[
            pltpu.VMEM((NW * K,), jnp.float32),
            pltpu.VMEM((NW * K,), jnp.int32),
            pltpu.VMEM((K,), jnp.int32),
            pltpu.VMEM((K * 128,), jnp.int32),
            pltpu.VMEM((K * 128,), jnp.int32),
            pltpu.VMEM((32,), jnp.int32),
            pltpu.VMEM((K * L,), jnp.int32),
            pltpu.VMEM((K,), jnp.float32),
            pltpu.SemaphoreType.DMA,
        ],
    )(cand_v.reshape(-1), cand_i.reshape(-1), rr_flat, nm, sid_pad)


def kernel(str_id, num_modifications, random_replacements, W, num_samples):
    rr_flat = random_replacements.reshape(-1)
    sid_pad = jnp.zeros((32,), jnp.int32).at[:L].set(str_id[0])
    cand_v, cand_i = _phase1(rr_flat, num_modifications, sid_pad, W)
    top_inputs, top_vals = _phase2(cand_v, cand_i, rr_flat,
                                   num_modifications, sid_pad)
    return top_inputs.reshape(K, L), top_vals

# --- scband reference (transcript-rebuilt; emitter-appended) ---
"""Pipeline reference for scband-acquisition-function-87376814670407 (READ-ONLY COPY).

The authoritative reference and input builder live on the scoring server;
editing this copy changes nothing except your own understanding.
"""

import jax, jax.numpy as jnp
import numpy as np

MAX_DIM = 100000
LEN = 20
BATCH = 5 * MAX_DIM


def setup_inputs(seed: int = 0) -> dict:
    key = jax.random.key(seed)
    k1, k2, k3, k4 = jax.random.split(key, 4)
    # tokenized input string (one row of token ids)
    str_id = jax.random.randint(k1, (1, LEN), 0, MAX_DIM, dtype=jnp.int32)
    # torch.randint(1, len_coordinates + 1, (batch_size,))
    num_modifications = jax.random.randint(k2, (BATCH,), 1, LEN + 1, dtype=jnp.int32)
    # self.indices[randint(0, max_dim, (batch, len))] == randint over vocab ids
    random_replacements = jax.random.randint(k3, (BATCH, LEN), 0, MAX_DIM, dtype=jnp.int32)
    # surrogate model abstracted as a per-token score table (gather + reduce scorer)
    W = jax.random.normal(k4, (MAX_DIM,), dtype=jnp.float32)
    num_samples = 32
    return {
        "str_id": str_id,
        "num_modifications": num_modifications,
        "random_replacements": random_replacements,
        "W": W,
        "num_samples": num_samples,
    }


def reference(str_id, num_modifications, random_replacements, W, num_samples):
    batch = random_replacements.shape[0]
    L = str_id.shape[1]
    # inputs = str_id.repeat(batch_size, 1)
    inputs = jnp.broadcast_to(str_id, (batch, L))
    # modification_mask = arange(L)[None, :] < num_modifications[:, None]
    modification_mask = jnp.arange(L, dtype=jnp.int32)[None, :] < num_modifications[:, None]
    # inputs = where(mask, random_replacements, inputs)
    inputs = jnp.where(modification_mask, random_replacements, inputs)
    # predictions = surrogate_model(inputs): per-token score gather + sum over sequence
    predictions = jnp.take(W, inputs, axis=0).sum(axis=-1)  # [batch]
    # top_indices = topk(predictions, num_samples).indices
    NUM_SAMPLES_STATIC = 32
    top_vals, top_idx = jax.lax.top_k(predictions, NUM_SAMPLES_STATIC)
    top_vals = top_vals + (num_samples - num_samples)
    # top_inputs = inputs[top_indices, :]
    top_inputs = jnp.take(inputs, top_idx, axis=0)
    return top_inputs, top_vals

if __name__ == "__main__":
    import jax
    _d = setup_inputs()
    print(jax.jit(kernel)(*tuple(_d.values())))

</pallas_src>

<mosaic_0001>
#map = affine_map<(d0, d1) -> (0)>
#map1 = affine_map<(d0, d1) -> (0, 0)>
module attributes {stable_mosaic.version = 14 : i64} {
  func.func @_p1_body(%arg0: i32, %arg1: i32, %arg2: memref<10000000xi32, #tpu.memory_space<hbm>>, %arg3: memref<500000xi32, #tpu.memory_space<hbm>>, %arg4: memref<32xi32, #tpu.memory_space<hbm>>, %arg5: memref<100000xf32, #tpu.memory_space<hbm>>, %arg6: memref<32x32xf32, #tpu.memory_space<hbm>>, %arg7: memref<32x32xi32, #tpu.memory_space<hbm>>, %arg8: memref<100000xf32, #tpu.memory_space<vmem>>, %arg9: memref<10240xi32, #tpu.memory_space<vmem>>, %arg10: memref<10240xi32, #tpu.memory_space<vmem>>, %arg11: memref<512xi32, #tpu.memory_space<vmem>>, %arg12: memref<512xi32, #tpu.memory_space<vmem>>, %arg13: memref<5440xi32, #tpu.memory_space<vmem>>, %arg14: memref<272xi32, #tpu.memory_space<vmem>>, %arg15: memref<32xi32, #tpu.memory_space<vmem>>, %arg16: memref<32xf32, #tpu.memory_space<vmem>>, %arg17: memref<32xf32, #tpu.memory_space<vmem>>, %arg18: memref<32xi32, #tpu.memory_space<vmem>>, %arg19: memref<16xf32, #tpu.memory_space<vmem>>, %arg20: memref<!tpu.dma_semaphore, #tpu.memory_space<semaphore_mem>>, %arg21: memref<!tpu.dma_semaphore, #tpu.memory_space<semaphore_mem>>) attributes {dimension_semantics = [#tpu.dimension_semantics<core_parallel>, #tpu.dimension_semantics<subcore_parallel>], iteration_bounds = array<i64: 2, 16>, scalar_prefetch = 0 : i64, scratch_operands = 14 : i64, tpu.core_type = #tpu.core_type<sc_vector_subcore>, window_params = [{transform_indices = #map}, {transform_indices = #map}, {transform_indices = #map}, {transform_indices = #map}, {transform_indices = #map1}, {transform_indices = #map1}]} {
    %mul3A = arith.constant 2 : i32
    %mul3A_0 = arith.muli %arg1, %mul3A : i32
    %add3A = arith.addi %mul3A_0, %arg0 : i32
    %mul3A_1 = arith.constant 15632 : i32
    %mul3A_2 = arith.muli %add3A, %mul3A_1 : i32
    %iota3A = tpu.iota {dimensions = array<i32: 0>} : vector<16xi32>
    %mul3A_3 = arith.constant 20 : i32
    %mul3A_4 = vector.broadcast %mul3A_3 : i32 to vector<16xi32>
    %mul3A_5 = arith.muli %iota3A, %mul3A_4 : vector<16xi32>
    "tpu.region"() ({
      %run_scoped3A = tpu.sem_alloc : memref<!tpu.dma_semaphore, #tpu.memory_space<semaphore_mem>>
      tpu.enqueue_dma source(%arg5 : memref<100000xf32, #tpu.memory_space<hbm>>) target(%arg8 : memref<100000xf32, #tpu.memory_space<vmem>>) target_semaphore(%run_scoped3A : memref<!tpu.dma_semaphore, #tpu.memory_space<semaphore_mem>>)
      tpu.wait_dma2 semaphore(%run_scoped3A : memref<!tpu.dma_semaphore, #tpu.memory_space<semaphore_mem>>) src(%arg5 : memref<100000xf32, #tpu.memory_space<hbm>>) dst(%arg8 : memref<100000xf32, #tpu.memory_space<vmem>>)
      tpu.yield
    }) : () -> ()
    "tpu.region"() ({
      %run_scoped3A = tpu.sem_alloc : memref<!tpu.dma_semaphore, #tpu.memory_space<semaphore_mem>>
      tpu.enqueue_dma source(%arg4 : memref<32xi32, #tpu.memory_space<hbm>>) target(%arg15 : memref<32xi32, #tpu.memory_space<vmem>>) target_semaphore(%run_scoped3A : memref<!tpu.dma_semaphore, #tpu.memory_space<semaphore_mem>>)
      tpu.wait_dma2 semaphore(%run_scoped3A : memref<!tpu.dma_semaphore, #tpu.memory_space<semaphore_mem>>) src(%arg4 : memref<32xi32, #tpu.memory_space<hbm>>) dst(%arg15 : memref<32xi32, #tpu.memory_space<vmem>>)
      tpu.yield
    }) : () -> ()
    %get3A = arith.constant 0 : index
    %get3A_6 = tpu.vector_load %arg15[%get3A] {strides = array<i32>} : memref<32xi32, #tpu.memory_space<vmem>>, vector<16xi32>,
    %gather3A = tpu.vector_load_idx %arg8[%get3A_6] : memref<100000xf32, #tpu.memory_space<vmem>>[vector<16xi32>], vector<16xf32>,
    %get3A_7 = arith.constant 16 : index
    %get3A_8 = tpu.vector_load %arg15[%get3A_7] {strides = array<i32>} : memref<32xi32, #tpu.memory_space<vmem>>, vector<16xi32>,
    %gather3A_9 = tpu.vector_load_idx %arg8[%get3A_8] : memref<100000xf32, #tpu.memory_space<vmem>>[vector<16xi32>], vector<16xf32>,
    %lt3A = arith.constant 4 : i32
    %lt3A_10 = vector.broadcast %lt3A : i32 to vector<16xi32>
    %lt3A_11 = arith.cmpi slt, %iota3A, %lt3A_10 : vector<16xi32>
    %jit3A = arith.constant 0.000000e+00 : f32
    %broadcast_in_dim3A = vector.broadcast %jit3A : f32 to vector<16xf32>
    %select_n3A = arith.select %lt3A_11, %gather3A_9, %broadcast_in_dim3A : vector<16xi1>, vector<16xf32>
    %reduce_sum3A = arith.constant true
    %reduce_sum3A_12 = vector.broadcast %reduce_sum3A : i1 to vector<16xi1>
    %reduce_sum3A_13 = tpu.scan <sum>, %select_n3A masked %reduce_sum3A_12 : vector<16xf32>, vector<16xi1> -> vector<16xf32>
    %reduce_sum3A_14 = vector.extract %reduce_sum3A_13[15] : f32 from vector<16xf32>
    %rev3A = arith.constant 15 : i32
    %rev3A_15 = vector.broadcast %rev3A : i32 to vector<16xi32>
    %rev3A_16 = tpu.iota {dimensions = array<i32: 0>} : vector<16xi32>
    %rev3A_17 = arith.subi %rev3A_15, %rev3A_16 : vector<16xi32>
    %rev3A_18 = tpu.dynamic_gather %select_n3A[%rev3A_17] in [0] : vector<16xf32>, vector<16xi32> -> vector<16xf32>
    %broadcast_in_dim3A_19 = arith.constant true
    %broadcast_in_dim3A_20 = vector.broadcast %broadcast_in_dim3A_19 : i1 to vector<16xi1>
    %masked_cumsum3A = tpu.scan <sum>, %rev3A_18 masked %broadcast_in_dim3A_20 : vector<16xf32>, vector<16xi1> -> vector<16xf32>
    %rev3A_21 = arith.constant 15 : i32
    %rev3A_22 = vector.broadcast %rev3A_21 : i32 to vector<16xi32>
    %rev3A_23 = tpu.iota {dimensions = array<i32: 0>} : vector<16xi32>
    %rev3A_24 = arith.subi %rev3A_22, %rev3A_23 : vector<16xi32>
    %rev3A_25 = tpu.dynamic_gather %masked_cumsum3A[%rev3A_24] in [0] : vector<16xf32>, vector<16xi32> -> vector<16xf32>
    %rev3A_26 = arith.constant 15 : i32
    %rev3A_27 = vector.broadcast %rev3A_26 : i32 to vector<16xi32>
    %rev3A_28 = tpu.iota {dimensions = array<i32: 0>} : vector<16xi32>
    %rev3A_29 = arith.subi %rev3A_27, %rev3A_28 : vector<16xi32>
    %rev3A_30 = tpu.dynamic_gather %gather3A[%rev3A_29] in [0] : vector<16xf32>, vector<16xi32> -> vector<16xf32>
    %broadcast_in_dim3A_31 = arith.constant true
    %broadcast_in_dim3A_32 = vector.broadcast %broadcast_in_dim3A_31 : i1 to vector<16xi1>
    %masked_cumsum3A_33 = tpu.scan <sum>, %rev3A_30 masked %broadcast_in_dim3A_32 : vector<16xf32>, vector<16xi1> -> vector<16xf32>
    %rev3A_34 = arith.constant 15 : i32
    %rev3A_35 = vector.broadcast %rev3A_34 : i32 to vector<16xi32>
    %rev3A_36 = tpu.iota {dimensions = array<i32: 0>} : vector<16xi32>
    %rev3A_37 = arith.subi %rev3A_35, %rev3A_36 : vector<16xi32>
    %rev3A_38 = tpu.dynamic_gather %masked_cumsum3A_33[%rev3A_37] in [0] : vector<16xf32>, vector<16xi32> -> vector<16xf32>
    %add3A_39 = vector.broadcast %reduce_sum3A_14 : f32 to vector<16xf32>
    %add3A_40 = arith.addf %rev3A_38, %add3A_39 : vector<16xf32>
    %swap3A = arith.constant 0 : index
    %swap3A_41 = tpu.vector_load %arg16[%swap3A] {strides = array<i32>} : memref<32xf32, #tpu.memory_space<vmem>>, vector<16xf32>,
    tpu.vector_store %arg16[%swap3A], %add3A_40 {strides = array<i32>} : memref<32xf32, #tpu.memory_space<vmem>>, vector<16xf32>,
    %swap3A_42 = arith.constant 16 : index
    %swap3A_43 = tpu.vector_load %arg16[%swap3A_42] {strides = array<i32>} : memref<32xf32, #tpu.memory_space<vmem>>, vector<16xf32>,
    tpu.vector_store %arg16[%swap3A_42], %rev3A_25 {strides = array<i32>} : memref<32xf32, #tpu.memory_space<vmem>>, vector<16xf32>,
    %broadcast_in_dim3A_44 = arith.constant 0xFF800000 : f32
    %broadcast_in_dim3A_45 = vector.broadcast %broadcast_in_dim3A_44 : f32 to vector<16xf32>
    %broadcast_in_dim3A_46 = arith.constant 0 : i32
    %broadcast_in_dim3A_47 = vector.broadcast %broadcast_in_dim3A_46 : i32 to vector<16xi32>
    %swap3A_48 = arith.constant 0 : index
    %swap3A_49 = tpu.vector_load %arg17[%swap3A_48] {strides = array<i32>} : memref<32xf32, #tpu.memory_space<vmem>>, vector<16xf32>,
    tpu.vector_store %arg17[%swap3A_48], %broadcast_in_dim3A_45 {strides = array<i32>} : memref<32xf32, #tpu.memory_space<vmem>>, vector<16xf32>,
    %swap3A_50 = arith.constant 16 : index
    %swap3A_51 = tpu.vector_load %arg17[%swap3A_50] {strides = array<i32>} : memref<32xf32, #tpu.memory_space<vmem>>, vector<16xf32>,
    tpu.vector_store %arg17[%swap3A_50], %broadcast_in_dim3A_45 {strides = array<i32>} : memref<32xf32, #tpu.memory_space<vmem>>, vector<16xf32>,
    %swap3A_52 = arith.constant 0 : index
    %swap3A_53 = tpu.vector_load %arg18[%swap3A_52] {strides = array<i32>} : memref<32xi32, #tpu.memory_space<vmem>>, vector<16xi32>,
    tpu.vector_store %arg18[%swap3A_52], %broadcast_in_dim3A_47 {strides = array<i32>} : memref<32xi32, #tpu.memory_space<vmem>>, vector<16xi32>,
    %swap3A_54 = arith.constant 16 : index
    %swap3A_55 = tpu.vector_load %arg18[%swap3A_54] {strides = array<i32>} : memref<32xi32, #tpu.memory_space<vmem>>, vector<16xi32>,
    tpu.vector_store %arg18[%swap3A_54], %broadcast_in_dim3A_47 {strides = array<i32>} : memref<32xi32, #tpu.memory_space<vmem>>, vector<16xi32>,
    %swap3A_56 = arith.constant 0 : index
    %swap3A_57 = tpu.vector_load %arg19[%swap3A_56] {strides = array<i32>} : memref<16xf32, #tpu.memory_space<vmem>>, vector<16xf32>,
    tpu.vector_store %arg19[%swap3A_56], %broadcast_in_dim3A_45 {strides = array<i32>} : memref<16xf32, #tpu.memory_space<vmem>>, vector<16xf32>,
    %add3A_58 = arith.constant 0 : i32
    %add3A_59 = arith.addi %mul3A_2, %add3A_58 : i32
    %mul3A_60 = arith.constant 20 : i32
    %mul3A_61 = arith.muli %add3A_59, %mul3A_60 : i32
    %dma_start3A = tpu.memref_slice %arg2[%mul3A_61] : memref<10000000xi32, #tpu.memory_space<hbm>> -> memref<10240xi32, #tpu.memory_space<hbm>>
    %dma_start3A_62 = tpu.memref_slice %arg2[%mul3A_61] : memref<10000000xi32, #tpu.memory_space<hbm>> -> memref<10240xi32, #tpu.memory_space<hbm>>
    tpu.enqueue_dma source(%dma_start3A_62 : memref<10240xi32, #tpu.memory_space<hbm>>) target(%arg9 : memref<10240xi32, #tpu.memory_space<vmem>>) target_semaphore(%arg20 : memref<!tpu.dma_semaphore, #tpu.memory_space<semaphore_mem>>)
    %dma_start3A_63 = tpu.memref_slice %arg3[%add3A_59] : memref<500000xi32, #tpu.memory_space<hbm>> -> memref<512xi32, #tpu.memory_space<hbm>>
    %dma_start3A_64 = tpu.memref_slice %arg3[%add3A_59] : memref<500000xi32, #tpu.memory_space<hbm>> -> memref<512xi32, #tpu.memory_space<hbm>>
    tpu.enqueue_dma source(%dma_start3A_64 : memref<512xi32, #tpu.memory_space<hbm>>) target(%arg11 : memref<512xi32, #tpu.memory_space<vmem>>) target_semaphore(%arg20 : memref<!tpu.dma_semaphore, #tpu.memory_space<semaphore_mem>>)
    %add3A_65 = arith.constant 512 : i32
    %add3A_66 = arith.addi %mul3A_2, %add3A_65 : i32
    %mul3A_67 = arith.constant 20 : i32
    %mul3A_68 = arith.muli %add3A_66, %mul3A_67 : i32
    %dma_start3A_69 = tpu.memref_slice %arg2[%mul3A_68] : memref<10000000xi32, #tpu.memory_space<hbm>> -> memref<10240xi32, #tpu.memory_space<hbm>>
    %dma_start3A_70 = tpu.memref_slice %arg2[%mul3A_68] : memref<10000000xi32, #tpu.memory_space<hbm>> -> memref<10240xi32, #tpu.memory_space<hbm>>
    tpu.enqueue_dma source(%dma_start3A_70 : memref<10240xi32, #tpu.memory_space<hbm>>) target(%arg10 : memref<10240xi32, #tpu.memory_space<vmem>>) target_semaphore(%arg21 : memref<!tpu.dma_semaphore, #tpu.memory_space<semaphore_mem>>)
    %dma_start3A_71 = tpu.memref_slice %arg3[%add3A_66] : memref<500000xi32, #tpu.memory_space<hbm>> -> memref<512xi32, #tpu.memory_space<hbm>>
    %dma_start3A_72 = tpu.memref_slice %arg3[%add3A_66] : memref<500000xi32, #tpu.memory_space<hbm>> -> memref<512xi32, #tpu.memory_space<hbm>>
    tpu.enqueue_dma source(%dma_start3A_72 : memref<512xi32, #tpu.memory_space<hbm>>) target(%arg12 : memref<512xi32, #tpu.memory_space<vmem>>) target_semaphore(%arg21 : memref<!tpu.dma_semaphore, #tpu.memory_space<semaphore_mem>>)
    %scan3A = arith.constant 0 : i32
    %scan3A_73 = arith.constant 15 : i32
    %scan3A_74 = arith.addi %scan3A, %scan3A_73 : i32
    %scan3A_75 = arith.constant 1 : i32
    scf.for %scan3A_87 = %scan3A to %scan3A_74 step %scan3A_75  : i32 {
      %mul3A_88 = arith.constant 2 : i32
      %mul3A_89 = arith.muli %scan3A_87, %mul3A_88 : i32
      %add3A_90 = arith.constant 0 : i32
      %add3A_91 = arith.addi %add3A_90, %mul3A_89 : i32
      %add3A_92 = arith.constant 0 : i32
      %add3A_93 = arith.addi %add3A_91, %add3A_92 : i32
      %dma_wait3A = arith.constant 0 : i32
      %dma_wait3A_94 = tpu.memref_slice %arg2[%dma_wait3A] : memref<10000000xi32, #tpu.memory_space<hbm>> -> memref<10240xi32, #tpu.memory_space<hbm>>
      %dma_wait3A_95 = arith.constant 0 : i32
      %dma_wait3A_96 = tpu.memref_slice %arg2[%dma_wait3A_95] : memref<10000000xi32, #tpu.memory_space<hbm>> -> memref<10240xi32, #tpu.memory_space<hbm>>
      tpu.wait_dma2 semaphore(%arg20 : memref<!tpu.dma_semaphore, #tpu.memory_space<semaphore_mem>>) src(%dma_wait3A_96 : memref<10240xi32, #tpu.memory_space<hbm>>) dst(%arg9 : memref<10240xi32, #tpu.memory_space<vmem>>)
      %dma_wait3A_97 = arith.constant 0 : i32
      %dma_wait3A_98 = tpu.memref_slice %arg3[%dma_wait3A_97] : memref<500000xi32, #tpu.memory_space<hbm>> -> memref<512xi32, #tpu.memory_space<hbm>>
      %dma_wait3A_99 = arith.constant 0 : i32
      %dma_wait3A_100 = tpu.memref_slice %arg3[%dma_wait3A_99] : memref<500000xi32, #tpu.memory_space<hbm>> -> memref<512xi32, #tpu.memory_space<hbm>>
      tpu.wait_dma2 semaphore(%arg20 : memref<!tpu.dma_semaphore, #tpu.memory_space<semaphore_mem>>) src(%dma_wait3A_100 : memref<512xi32, #tpu.memory_space<hbm>>) dst(%arg11 : memref<512xi32, #tpu.memory_space<vmem>>)
      %mul3A_101 = arith.constant 512 : i32
      %mul3A_102 = arith.muli %add3A_93, %mul3A_101 : i32
      %add3A_103 = arith.addi %mul3A_2, %mul3A_102 : i32
      %scan3A_104 = arith.constant 0 : i32
      %scan3A_105 = arith.constant 32 : i32
      %scan3A_106 = arith.addi %scan3A_104, %scan3A_105 : i32
      %scan3A_107 = arith.constant 1 : i32
      scf.for %scan3A_139 = %scan3A_104 to %scan3A_106 step %scan3A_107  : i32 {
        %mul3A_140 = arith.constant 1 : i32
        %mul3A_141 = arith.muli %scan3A_139, %mul3A_140 : i32
        %add3A_142 = arith.constant 0 : i32
        %add3A_143 = arith.addi %add3A_142, %mul3A_141 : i32
        %mul3A_144 = arith.constant 16 : i32
        %mul3A_145 = arith.muli %add3A_143, %mul3A_144 : i32
        %get3A_146 = arith.index_cast %mul3A_145 : i32 to index
        %get3A_147 = tpu.vector_load %arg11[%get3A_146] {strides = array<i32>} : memref<512xi32, #tpu.memory_space<vmem>>, vector<16xi32>,
        %mul3A_148 = arith.constant 320 : i32
        %mul3A_149 = arith.muli %add3A_143, %mul3A_148 : i32
        %add3A_150 = vector.broadcast %mul3A_149 : i32 to vector<16xi32>
        %add3A_151 = arith.addi %add3A_150, %mul3A_5 : vector<16xi32>
        %broadcast_in_dim3A_152 = arith.constant 0.000000e+00 : f32
        %broadcast_in_dim3A_153 = vector.broadcast %broadcast_in_dim3A_152 : f32 to vector<16xf32>
        %add3A_154 = arith.constant 0 : i32
        %add3A_155 = vector.broadcast %add3A_154 : i32 to vector<16xi32>
        %add3A_156 = arith.addi %add3A_151, %add3A_155 : vector<16xi32>
        %gather3A_157 = tpu.vector_load_idx %arg9[%add3A_156] : memref<10240xi32, #tpu.memory_space<vmem>>[vector<16xi32>], vector<16xi32>,
        %gather3A_158 = tpu.vector_load_idx %arg8[%gather3A_157] : memref<100000xf32, #tpu.memory_space<vmem>>[vector<16xi32>], vector<16xf32>,
        %gt3A = arith.constant 0 : i32
        %gt3A_159 = vector.broadcast %gt3A : i32 to vector<16xi32>
        %gt3A_160 = arith.cmpi sgt, %get3A_147, %gt3A_159 : vector<16xi32>
        %jit3A_161 = arith.constant 0.000000e+00 : f32
        %broadcast_in_dim3A_162 = vector.broadcast %jit3A_161 : f32 to vector<16xf32>
        %select_n3A_163 = arith.select %gt3A_160, %gather3A_158, %broadcast_in_dim3A_162 : vector<16xi1>, vector<16xf32>
        %add3A_164 = arith.addf %broadcast_in_dim3A_153, %select_n3A_163 : vector<16xf32>
        %add3A_165 = arith.constant 1 : i32
        %add3A_166 = vector.broadcast %add3A_165 : i32 to vector<16xi32>
        %add3A_167 = arith.addi %add3A_151, %add3A_166 : vector<16xi32>
        %gather3A_168 = tpu.vector_load_idx %arg9[%add3A_167] : memref<10240xi32, #tpu.memory_space<vmem>>[vector<16xi32>], vector<16xi32>,
        %gather3A_169 = tpu.vector_load_idx %arg8[%gather3A_168] : memref<100000xf32, #tpu.memory_space<vmem>>[vector<16xi32>], vector<16xf32>,
        %gt3A_170 = arith.constant 1 : i32
        %gt3A_171 = vector.broadcast %gt3A_170 : i32 to vector<16xi32>
        %gt3A_172 = arith.cmpi sgt, %get3A_147, %gt3A_171 : vector<16xi32>
        %jit3A_173 = arith.constant 0.000000e+00 : f32
        %broadcast_in_dim3A_174 = vector.broadcast %jit3A_173 : f32 to vector<16xf32>
        %select_n3A_175 = arith.select %gt3A_172, %gather3A_169, %broadcast_in_dim3A_174 : vector<16xi1>, vector<16xf32>
        %add3A_176 = arith.addf %add3A_164, %select_n3A_175 : vector<16xf32>
        %add3A_177 = arith.constant 2 : i32
        %add3A_178 = vector.broadcast %add3A_177 : i32 to vector<16xi32>
        %add3A_179 = arith.addi %add3A_151, %add3A_178 : vector<16xi32>
        %gather3A_180 = tpu.vector_load_idx %arg9[%add3A_179] : memref<10240xi32, #tpu.memory_space<vmem>>[vector<16xi32>], vector<16xi32>,
        %gather3A_181 = tpu.vector_load_idx %arg8[%gather3A_180] : memref<100000xf32, #tpu.memory_space<vmem>>[vector<16xi32>], vector<16xf32>,
        %gt3A_182 = arith.constant 2 : i32
        %gt3A_183 = vector.broadcast %gt3A_182 : i32 to vector<16xi32>
        %gt3A_184 = arith.cmpi sgt, %get3A_147, %gt3A_183 : vector<16xi32>
        %jit3A_185 = arith.constant 0.000000e+00 : f32
        %broadcast_in_dim3A_186 = vector.broadcast %jit3A_185 : f32 to vector<16xf32>
        %select_n3A_187 = arith.select %gt3A_184, %gather3A_181, %broadcast_in_dim3A_186 : vector<16xi1>, vector<16xf32>
        %add3A_188 = arith.addf %add3A_176, %select_n3A_187 : vector<16xf32>
        %add3A_189 = arith.constant 3 : i32
        %add3A_190 = vector.broadcast %add3A_189 : i32 to vector<16xi32>
        %add3A_191 = arith.addi %add3A_151, %add3A_190 : vector<16xi32>
        %gather3A_192 = tpu.vector_load_idx %arg9[%add3A_191] : memref<10240xi32, #tpu.memory_space<vmem>>[vector<16xi32>], vector<16xi32>,
        %gather3A_193 = tpu.vector_load_idx %arg8[%gather3A_192] : memref<100000xf32, #tpu.memory_space<vmem>>[vector<16xi32>], vector<16xf32>,
        %gt3A_194 = arith.constant 3 : i32
        %gt3A_195 = vector.broadcast %gt3A_194 : i32 to vector<16xi32>
        %gt3A_196 = arith.cmpi sgt, %get3A_147, %gt3A_195 : vector<16xi32>
        %jit3A_197 = arith.constant 0.000000e+00 : f32
        %broadcast_in_dim3A_198 = vector.broadcast %jit3A_197 : f32 to vector<16xf32>
        %select_n3A_199 = arith.select %gt3A_196, %gather3A_193, %broadcast_in_dim3A_198 : vector<16xi1>, vector<16xf32>
        %add3A_200 = arith.addf %add3A_188, %select_n3A_199 : vector<16xf32>
        %add3A_201 = arith.constant 4 : i32
        %add3A_202 = vector.broadcast %add3A_201 : i32 to vector<16xi32>
        %add3A_203 = arith.addi %add3A_151, %add3A_202 : vector<16xi32>
        %gather3A_204 = tpu.vector_load_idx %arg9[%add3A_203] : memref<10240xi32, #tpu.memory_space<vmem>>[vector<16xi32>], vector<16xi32>,
        %gather3A_205 = tpu.vector_load_idx %arg8[%gather3A_204] : memref<100000xf32, #tpu.memory_space<vmem>>[vector<16xi32>], vector<16xf32>,
        %gt3A_206 = arith.constant 4 : i32
        %gt3A_207 = vector.broadcast %gt3A_206 : i32 to vector<16xi32>
        %gt3A_208 = arith.cmpi sgt, %get3A_147, %gt3A_207 : vector<16xi32>
        %jit3A_209 = arith.constant 0.000000e+00 : f32
        %broadcast_in_dim3A_210 = vector.broadcast %jit3A_209 : f32 to vector<16xf32>
        %select_n3A_211 = arith.select %gt3A_208, %gather3A_205, %broadcast_in_dim3A_210 : vector<16xi1>, vector<16xf32>
        %add3A_212 = arith.addf %add3A_200, %select_n3A_211 : vector<16xf32>
        %add3A_213 = arith.constant 5 : i32
        %add3A_214 = vector.broadcast %add3A_213 : i32 to vector<16xi32>
        %add3A_215 = arith.addi %add3A_151, %add3A_214 : vector<16xi32>
        %gather3A_216 = tpu.vector_load_idx %arg9[%add3A_215] : memref<10240xi32, #tpu.memory_space<vmem>>[vector<16xi32>], vector<16xi32>,
        %gather3A_217 = tpu.vector_load_idx %arg8[%gather3A_216] : memref<100000xf32, #tpu.memory_space<vmem>>[vector<16xi32>], vector<16xf32>,
        %gt3A_218 = arith.constant 5 : i32
        %gt3A_219 = vector.broadcast %gt3A_218 : i32 to vector<16xi32>
        %gt3A_220 = arith.cmpi sgt, %get3A_147, %gt3A_219 : vector<16xi32>
        %jit3A_221 = arith.constant 0.000000e+00 : f32
        %broadcast_in_dim3A_222 = vector.broadcast %jit3A_221 : f32 to vector<16xf32>
        %select_n3A_223 = arith.select %gt3A_220, %gather3A_217, %broadcast_in_dim3A_222 : vector<16xi1>, vector<16xf32>
        %add3A_224 = arith.addf %add3A_212, %select_n3A_223 : vector<16xf32>
        %add3A_225 = arith.constant 6 : i32
        %add3A_226 = vector.broadcast %add3A_225 : i32 to vector<16xi32>
        %add3A_227 = arith.addi %add3A_151, %add3A_226 : vector<16xi32>
        %gather3A_228 = tpu.vector_load_idx %arg9[%add3A_227] : memref<10240xi32, #tpu.memory_space<vmem>>[vector<16xi32>], vector<16xi32>,
        %gather3A_229 = tpu.vector_load_idx %arg8[%gather3A_228] : memref<100000xf32, #tpu.memory_space<vmem>>[vector<16xi32>], vector<16xf32>,
        %gt3A_230 = arith.constant 6 : i32
        %gt3A_231 = vector.broadcast %gt3A_230 : i32 to vector<16xi32>
        %gt3A_232 = arith.cmpi sgt, %get3A_147, %gt3A_231 : vector<16xi32>
        %jit3A_233 = arith.constant 0.000000e+00 : f32
        %broadcast_in_dim3A_234 = vector.broadcast %jit3A_233 : f32 to vector<16xf32>
        %select_n3A_235 = arith.select %gt3A_232, %gather3A_229, %broadcast_in_dim3A_234 : vector<16xi1>, vector<16xf32>
        %add3A_236 = arith.addf %add3A_224, %select_n3A_235 : vector<16xf32>
        %add3A_237 = arith.constant 7 : i32
        %add3A_238 = vector.broadcast %add3A_237 : i32 to vector<16xi32>
        %add3A_239 = arith.addi %add3A_151, %add3A_238 : vector<16xi32>
        %gather3A_240 = tpu.vector_load_idx %arg9[%add3A_239] : memref<10240xi32, #tpu.memory_space<vmem>>[vector<16xi32>], vector<16xi32>,
        %gather3A_241 = tpu.vector_load_idx %arg8[%gather3A_240] : memref<100000xf32, #tpu.memory_space<vmem>>[vector<16xi32>], vector<16xf32>,
        %gt3A_242 = arith.constant 7 : i32
        %gt3A_243 = vector.broadcast %gt3A_242 : i32 to vector<16xi32>
        %gt3A_244 = arith.cmpi sgt, %get3A_147, %gt3A_243 : vector<16xi32>
        %jit3A_245 = arith.constant 0.000000e+00 : f32
        %broadcast_in_dim3A_246 = vector.broadcast %jit3A_245 : f32 to vector<16xf32>
        %select_n3A_247 = arith.select %gt3A_244, %gather3A_241, %broadcast_in_dim3A_246 : vector<16xi1>, vector<16xf32>
        %add3A_248 = arith.addf %add3A_236, %select_n3A_247 : vector<16xf32>
        %add3A_249 = arith.constant 8 : i32
        %add3A_250 = vector.broadcast %add3A_249 : i32 to vector<16xi32>
        %add3A_251 = arith.addi %add3A_151, %add3A_250 : vector<16xi32>
        %gather3A_252 = tpu.vector_load_idx %arg9[%add3A_251] : memref<10240xi32, #tpu.memory_space<vmem>>[vector<16xi32>], vector<16xi32>,
        %gather3A_253 = tpu.vector_load_idx %arg8[%gather3A_252] : memref<100000xf32, #tpu.memory_space<vmem>>[vector<16xi32>], vector<16xf32>,
        %gt3A_254 = arith.constant 8 : i32
        %gt3A_255 = vector.broadcast %gt3A_254 : i32 to vector<16xi32>
        %gt3A_256 = arith.cmpi sgt, %get3A_147, %gt3A_255 : vector<16xi32>
        %jit3A_257 = arith.constant 0.000000e+00 : f32
        %broadcast_in_dim3A_258 = vector.broadcast %jit3A_257 : f32 to vector<16xf32>
        %select_n3A_259 = arith.select %gt3A_256, %gather3A_253, %broadcast_in_dim3A_258 : vector<16xi1>, vector<16xf32>
        %add3A_260 = arith.addf %add3A_248, %select_n3A_259 : vector<16xf32>
        %add3A_261 = arith.constant 9 : i32
        %add3A_262 = vector.broadcast %add3A_261 : i32 to vector<16xi32>
        %add3A_263 = arith.addi %add3A_151, %add3A_262 : vector<16xi32>
        %gather3A_264 = tpu.vector_load_idx %arg9[%add3A_263] : memref<10240xi32, #tpu.memory_space<vmem>>[vector<16xi32>], vector<16xi32>,
        %gather3A_265 = tpu.vector_load_idx %arg8[%gather3A_264] : memref<100000xf32, #tpu.memory_space<vmem>>[vector<16xi32>], vector<16xf32>,
        %gt3A_266 = arith.constant 9 : i32
        %gt3A_267 = vector.broadcast %gt3A_266 : i32 to vector<16xi32>
        %gt3A_268 = arith.cmpi sgt, %get3A_147, %gt3A_267 : vector<16xi32>
        %jit3A_269 = arith.constant 0.000000e+00 : f32
        %broadcast_in_dim3A_270 = vector.broadcast %jit3A_269 : f32 to vector<16xf32>
        %select_n3A_271 = arith.select %gt3A_268, %gather3A_265, %broadcast_in_dim3A_270 : vector<16xi1>, vector<16xf32>
        %add3A_272 = arith.addf %add3A_260, %select_n3A_271 : vector<16xf32>
        %add3A_273 = arith.constant 10 : i32
        %add3A_274 = vector.broadcast %add3A_273 : i32 to vector<16xi32>
        %add3A_275 = arith.addi %add3A_151, %add3A_274 : vector<16xi32>
        %gather3A_276 = tpu.vector_load_idx %arg9[%add3A_275] : memref<10240xi32, #tpu.memory_space<vmem>>[vector<16xi32>], vector<16xi32>,
        %gather3A_277 = tpu.vector_load_idx %arg8[%gather3A_276] : memref<100000xf32, #tpu.memory_space<vmem>>[vector<16xi32>], vector<16xf32>,
        %gt3A_278 = arith.constant 10 : i32
        %gt3A_279 = vector.broadcast %gt3A_278 : i32 to vector<16xi32>
        %gt3A_280 = arith.cmpi sgt, %get3A_147, %gt3A_279 : vector<16xi32>
        %jit3A_281 = arith.constant 0.000000e+00 : f32
        %broadcast_in_dim3A_282 = vector.broadcast %jit3A_281 : f32 to vector<16xf32>
        %select_n3A_283 = arith.select %gt3A_280, %gather3A_277, %broadcast_in_dim3A_282 : vector<16xi1>, vector<16xf32>
        %add3A_284 = arith.addf %add3A_272, %select_n3A_283 : vector<16xf32>
        %add3A_285 = arith.constant 11 : i32
        %add3A_286 = vector.broadcast %add3A_285 : i32 to vector<16xi32>
        %add3A_287 = arith.addi %add3A_151, %add3A_286 : vector<16xi32>
        %gather3A_288 = tpu.vector_load_idx %arg9[%add3A_287] : memref<10240xi32, #tpu.memory_space<vmem>>[vector<16xi32>], vector<16xi32>,
        %gather3A_289 = tpu.vector_load_idx %arg8[%gather3A_288] : memref<100000xf32, #tpu.memory_space<vmem>>[vector<16xi32>], vector<16xf32>,
        %gt3A_290 = arith.constant 11 : i32
        %gt3A_291 = vector.broadcast %gt3A_290 : i32 to vector<16xi32>
        %gt3A_292 = arith.cmpi sgt, %get3A_147, %gt3A_291 : vector<16xi32>
        %jit3A_293 = arith.constant 0.000000e+00 : f32
        %broadcast_in_dim3A_294 = vector.broadcast %jit3A_293 : f32 to vector<16xf32>
        %select_n3A_295 = arith.select %gt3A_292, %gather3A_289, %broadcast_in_dim3A_294 : vector<16xi1>, vector<16xf32>
        %add3A_296 = arith.addf %add3A_284, %select_n3A_295 : vector<16xf32>
        %add3A_297 = arith.constant 12 : i32
        %add3A_298 = vector.broadcast %add3A_297 : i32 to vector<16xi32>
        %add3A_299 = arith.addi %add3A_151, %add3A_298 : vector<16xi32>
        %gather3A_300 = tpu.vector_load_idx %arg9[%add3A_299] : memref<10240xi32, #tpu.memory_space<vmem>>[vector<16xi32>], vector<16xi32>,
        %gather3A_301 = tpu.vector_load_idx %arg8[%gather3A_300] : memref<100000xf32, #tpu.memory_space<vmem>>[vector<16xi32>], vector<16xf32>,
        %gt3A_302 = arith.constant 12 : i32
        %gt3A_303 = vector.broadcast %gt3A_302 : i32 to vector<16xi32>
        %gt3A_304 = arith.cmpi sgt, %get3A_147, %gt3A_303 : vector<16xi32>
        %jit3A_305 = arith.constant 0.000000e+00 : f32
        %broadcast_in_dim3A_306 = vector.broadcast %jit3A_305 : f32 to vector<16xf32>
        %select_n3A_307 = arith.select %gt3A_304, %gather3A_301, %broadcast_in_dim3A_306 : vector<16xi1>, vector<16xf32>
        %add3A_308 = arith.addf %add3A_296, %select_n3A_307 : vector<16xf32>
        %add3A_309 = arith.constant 13 : i32
        %add3A_310 = vector.broadcast %add3A_309 : i32 to vector<16xi32>
        %add3A_311 = arith.addi %add3A_151, %add3A_310 : vector<16xi32>
        %gather3A_312 = tpu.vector_load_idx %arg9[%add3A_311] : memref<10240xi32, #tpu.memory_space<vmem>>[vector<16xi32>], vector<16xi32>,
        %gather3A_313 = tpu.vector_load_idx %arg8[%gather3A_312] : memref<100000xf32, #tpu.memory_space<vmem>>[vector<16xi32>], vector<16xf32>,
        %gt3A_314 = arith.constant 13 : i32
        %gt3A_315 = vector.broadcast %gt3A_314 : i32 to vector<16xi32>
        %gt3A_316 = arith.cmpi sgt, %get3A_147, %gt3A_315 : vector<16xi32>
        %jit3A_317 = arith.constant 0.000000e+00 : f32
        %broadcast_in_dim3A_318 = vector.broadcast %jit3A_317 : f32 to vector<16xf32>
        %select_n3A_319 = arith.select %gt3A_316, %gather3A_313, %broadcast_in_dim3A_318 : vector<16xi1>, vector<16xf32>
        %add3A_320 = arith.addf %add3A_308, %select_n3A_319 : vector<16xf32>
        %add3A_321 = arith.constant 14 : i32
        %add3A_322 = vector.broadcast %add3A_321 : i32 to vector<16xi32>
        %add3A_323 = arith.addi %add3A_151, %add3A_322 : vector<16xi32>
        %gather3A_324 = tpu.vector_load_idx %arg9[%add3A_323] : memref<10240xi32, #tpu.memory_space<vmem>>[vector<16xi32>], vector<16xi32>,
        %gather3A_325 = tpu.vector_load_idx %arg8[%gather3A_324] : memref<100000xf32, #tpu.memory_space<vmem>>[vector<16xi32>], vector<16xf32>,
        %gt3A_326 = arith.constant 14 : i32
        %gt3A_327 = vector.broadcast %gt3A_326 : i32 to vector<16xi32>
        %gt3A_328 = arith.cmpi sgt, %get3A_147, %gt3A_327 : vector<16xi32>
        %jit3A_329 = arith.constant 0.000000e+00 : f32
        %broadcast_in_dim3A_330 = vector.broadcast %jit3A_329 : f32 to vector<16xf32>
        %select_n3A_331 = arith.select %gt3A_328, %gather3A_325, %broadcast_in_dim3A_330 : vector<16xi1>, vector<16xf32>
        %add3A_332 = arith.addf %add3A_320, %select_n3A_331 : vector<16xf32>
        %add3A_333 = arith.constant 15 : i32
        %add3A_334 = vector.broadcast %add3A_333 : i32 to vector<16xi32>
        %add3A_335 = arith.addi %add3A_151, %add3A_334 : vector<16xi32>
        %gather3A_336 = tpu.vector_load_idx %arg9[%add3A_335] : memref<10240xi32, #tpu.memory_space<vmem>>[vector<16xi32>], vector<16xi32>,
        %gather3A_337 = tpu.vector_load_idx %arg8[%gather3A_336] : memref<100000xf32, #tpu.memory_space<vmem>>[vector<16xi32>], vector<16xf32>,
        %gt3A_338 = arith.constant 15 : i32
        %gt3A_339 = vector.broadcast %gt3A_338 : i32 to vector<16xi32>
        %gt3A_340 = arith.cmpi sgt, %get3A_147, %gt3A_339 : vector<16xi32>
        %jit3A_341 = arith.constant 0.000000e+00 : f32
        %broadcast_in_dim3A_342 = vector.broadcast %jit3A_341 : f32 to vector<16xf32>
        %select_n3A_343 = arith.select %gt3A_340, %gather3A_337, %broadcast_in_dim3A_342 : vector<16xi1>, vector<16xf32>
        %add3A_344 = arith.addf %add3A_332, %select_n3A_343 : vector<16xf32>
        %add3A_345 = arith.constant 16 : i32
        %add3A_346 = vector.broadcast %add3A_345 : i32 to vector<16xi32>
        %add3A_347 = arith.addi %add3A_151, %add3A_346 : vector<16xi32>
        %gather3A_348 = tpu.vector_load_idx %arg9[%add3A_347] : memref<10240xi32, #tpu.memory_space<vmem>>[vector<16xi32>], vector<16xi32>,
        %gather3A_349 = tpu.vector_load_idx %arg8[%gather3A_348] : memref<100000xf32, #tpu.memory_space<vmem>>[vector<16xi32>], vector<16xf32>,
        %gt3A_350 = arith.constant 16 : i32
        %gt3A_351 = vector.broadcast %gt3A_350 : i32 to vector<16xi32>
        %gt3A_352 = arith.cmpi sgt, %get3A_147, %gt3A_351 : vector<16xi32>
        %jit3A_353 = arith.constant 0.000000e+00 : f32
        %broadcast_in_dim3A_354 = vector.broadcast %jit3A_353 : f32 to vector<16xf32>
        %select_n3A_355 = arith.select %gt3A_352, %gather3A_349, %broadcast_in_dim3A_354 : vector<16xi1>, vector<16xf32>
        %add3A_356 = arith.addf %add3A_344, %select_n3A_355 : vector<16xf32>
        %add3A_357 = arith.constant 17 : i32
        %add3A_358 = vector.broadcast %add3A_357 : i32 to vector<16xi32>
        %add3A_359 = arith.addi %add3A_151, %add3A_358 : vector<16xi32>
        %gather3A_360 = tpu.vector_load_idx %arg9[%add3A_359] : memref<10240xi32, #tpu.memory_space<vmem>>[vector<16xi32>], vector<16xi32>,
        %gather3A_361 = tpu.vector_load_idx %arg8[%gather3A_360] : memref<100000xf32, #tpu.memory_space<vmem>>[vector<16xi32>], vector<16xf32>,
        %gt3A_362 = arith.constant 17 : i32
        %gt3A_363 = vector.broadcast %gt3A_362 : i32 to vector<16xi32>
        %gt3A_364 = arith.cmpi sgt, %get3A_147, %gt3A_363 : vector<16xi32>
        %jit3A_365 = arith.constant 0.000000e+00 : f32
        %broadcast_in_dim3A_366 = vector.broadcast %jit3A_365 : f32 to vector<16xf32>
        %select_n3A_367 = arith.select %gt3A_364, %gather3A_361, %broadcast_in_dim3A_366 : vector<16xi1>, vector<16xf32>
        %add3A_368 = arith.addf %add3A_356, %select_n3A_367 : vector<16xf32>
        %add3A_369 = arith.constant 18 : i32
        %add3A_370 = vector.broadcast %add3A_369 : i32 to vector<16xi32>
        %add3A_371 = arith.addi %add3A_151, %add3A_370 : vector<16xi32>
        %gather3A_372 = tpu.vector_load_idx %arg9[%add3A_371] : memref<10240xi32, #tpu.memory_space<vmem>>[vector<16xi32>], vector<16xi32>,
        %gather3A_373 = tpu.vector_load_idx %arg8[%gather3A_372] : memref<100000xf32, #tpu.memory_space<vmem>>[vector<16xi32>], vector<16xf32>,
        %gt3A_374 = arith.constant 18 : i32
        %gt3A_375 = vector.broadcast %gt3A_374 : i32 to vector<16xi32>
        %gt3A_376 = arith.cmpi sgt, %get3A_147, %gt3A_375 : vector<16xi32>
        %jit3A_377 = arith.constant 0.000000e+00 : f32
        %broadcast_in_dim3A_378 = vector.broadcast %jit3A_377 : f32 to vector<16xf32>
        %select_n3A_379 = arith.select %gt3A_376, %gather3A_373, %broadcast_in_dim3A_378 : vector<16xi1>, vector<16xf32>
        %add3A_380 = arith.addf %add3A_368, %select_n3A_379 : vector<16xf32>
        %add3A_381 = arith.constant 19 : i32
        %add3A_382 = vector.broadcast %add3A_381 : i32 to vector<16xi32>
        %add3A_383 = arith.addi %add3A_151, %add3A_382 : vector<16xi32>
        %gather3A_384 = tpu.vector_load_idx %arg9[%add3A_383] : memref<10240xi32, #tpu.memory_space<vmem>>[vector<16xi32>], vector<16xi32>,
        %gather3A_385 = tpu.vector_load_idx %arg8[%gather3A_384] : memref<100000xf32, #tpu.memory_space<vmem>>[vector<16xi32>], vector<16xf32>,
        %gt3A_386 = arith.constant 19 : i32
        %gt3A_387 = vector.broadcast %gt3A_386 : i32 to vector<16xi32>
        %gt3A_388 = arith.cmpi sgt, %get3A_147, %gt3A_387 : vector<16xi32>
        %jit3A_389 = arith.constant 0.000000e+00 : f32
        %broadcast_in_dim3A_390 = vector.broadcast %jit3A_389 : f32 to vector<16xf32>
        %select_n3A_391 = arith.select %gt3A_388, %gather3A_385, %broadcast_in_dim3A_390 : vector<16xi1>, vector<16xf32>
        %add3A_392 = arith.addf %add3A_380, %select_n3A_391 : vector<16xf32>
        %gather3A_393 = tpu.vector_load_idx %arg16[%get3A_147] : memref<32xf32, #tpu.memory_space<vmem>>[vector<16xi32>], vector<16xf32>,
        %add3A_394 = arith.addf %add3A_392, %gather3A_393 : vector<16xf32>
        %mul3A_395 = arith.constant 16 : i32
        %mul3A_396 = arith.muli %add3A_143, %mul3A_395 : i32
        %add3A_397 = arith.addi %add3A_103, %mul3A_396 : i32
        %add3A_398 = vector.broadcast %add3A_397 : i32 to vector<16xi32>
        %add3A_399 = arith.addi %add3A_398, %iota3A : vector<16xi32>
        %get3A_400 = arith.constant 0 : index
        %get3A_401 = tpu.vector_load %arg19[%get3A_400] {strides = array<i32>} : memref<16xf32, #tpu.memory_space<vmem>>, vector<16xf32>,
        %gt3A_402 = arith.cmpf ogt, %add3A_394, %get3A_401 : vector<16xf32>
        %reduce_or3A = arith.constant 1.000000e+00 : f32
        %reduce_or3A_403 = arith.constant 0.000000e+00 : f32
        %reduce_or3A_404 = vector.broadcast %reduce_or3A : f32 to vector<16xf32>
        %reduce_or3A_405 = vector.broadcast %reduce_or3A_403 : f32 to vector<16xf32>
        %reduce_or3A_406 = arith.select %gt3A_402, %reduce_or3A_404, %reduce_or3A_405 : vector<16xi1>, vector<16xf32>
        %reduce_or3A_407 = arith.constant true
        %reduce_or3A_408 = vector.broadcast %reduce_or3A_407 : i1 to vector<16xi1>
        %reduce_or3A_409 = tpu.scan <max>, %reduce_or3A_406 masked %reduce_or3A_408 : vector<16xf32>, vector<16xi1> -> vector<16xf32>
        %reduce_or3A_410 = vector.extract %reduce_or3A_409[15] : f32 from vector<16xf32>
        %reduce_or3A_411 = arith.constant 0.000000e+00 : f32
        %reduce_or3A_412 = arith.cmpf ogt, %reduce_or3A_410, %reduce_or3A_411 : f32
        %convert_element_type3A_413 = arith.extui %reduce_or3A_412 : i1 to i32
        %cond3A_414 = arith.constant 0 : i32
        %cond3A_415 = arith.cmpi ne, %convert_element_type3A_413, %cond3A_414 : i32
        scf.if %cond3A_415 {
          %masked_sort3A = arith.constant dense<true> : vector<16xi1>
          %masked_sort3A_416, %masked_sort3A_417, %masked_sort3A_418 = tpu.sort %add3A_394, %add3A_399 masked %masked_sort3A {descending = true} : (vector<16xf32>, vector<16xi32>, vector<16xi1>) -> (vector<16xi1>, vector<16xf32>, vector<16xi32>)
          %get3A_419 = arith.constant 0 : index
          %get3A_420 = tpu.vector_load %arg17[%get3A_419] {strides = array<i32>} : memref<32xf32, #tpu.memory_space<vmem>>, vector<16xf32>,
          %get3A_421 = arith.constant 16 : index
          %get3A_422 = tpu.vector_load %arg17[%get3A_421] {strides = array<i32>} : memref<32xf32, #tpu.memory_space<vmem>>, vector<16xf32>,
          %get3A_423 = arith.constant 0 : index
          %get3A_424 = tpu.vector_load %arg18[%get3A_423] {strides = array<i32>} : memref<32xi32, #tpu.memory_space<vmem>>, vector<16xi32>,
          %get3A_425 = arith.constant 16 : index
          %get3A_426 = tpu.vector_load %arg18[%get3A_425] {strides = array<i32>} : memref<32xi32, #tpu.memory_space<vmem>>, vector<16xi32>,
          %rev3A_427 = arith.constant 15 : i32
          %rev3A_428 = vector.broadcast %rev3A_427 : i32 to vector<16xi32>
          %rev3A_429 = tpu.iota {dimensions = array<i32: 0>} : vector<16xi32>
          %rev3A_430 = arith.subi %rev3A_428, %rev3A_429 : vector<16xi32>
          %rev3A_431 = tpu.dynamic_gather %masked_sort3A_417[%rev3A_430] in [0] : vector<16xf32>, vector<16xi32> -> vector<16xf32>
          %rev3A_432 = arith.constant 15 : i32
          %rev3A_433 = vector.broadcast %rev3A_432 : i32 to vector<16xi32>
          %rev3A_434 = tpu.iota {dimensions = array<i32: 0>} : vector<16xi32>
          %rev3A_435 = arith.subi %rev3A_433, %rev3A_434 : vector<16xi32>
          %rev3A_436 = tpu.dynamic_gather %masked_sort3A_418[%rev3A_435] in [0] : vector<16xi32>, vector<16xi32> -> vector<16xi32>
          %gt3A_437 = arith.cmpf ogt, %get3A_422, %rev3A_431 : vector<16xf32>
          %eq3A = arith.cmpf oeq, %get3A_422, %rev3A_431 : vector<16xf32>
          %lt3A_438 = arith.cmpi slt, %get3A_426, %rev3A_436 : vector<16xi32>
          %and3A = arith.andi %eq3A, %lt3A_438 : vector<16xi1>
          %or3A = arith.ori %gt3A_437, %and3A : vector<16xi1>
          %select_n3A_439 = arith.select %or3A, %get3A_422, %rev3A_431 : vector<16xi1>, vector<16xf32>
          %select_n3A_440 = arith.select %or3A, %get3A_426, %rev3A_436 : vector<16xi1>, vector<16xi32>
          %masked_sort3A_441 = arith.constant dense<true> : vector<16xi1>
          %masked_sort3A_442, %masked_sort3A_443, %masked_sort3A_444 = tpu.sort %select_n3A_439, %select_n3A_440 masked %masked_sort3A_441 {descending = true} : (vector<16xf32>, vector<16xi32>, vector<16xi1>) -> (vector<16xi1>, vector<16xf32>, vector<16xi32>)
          %rev3A_445 = arith.constant 15 : i32
          %rev3A_446 = vector.broadcast %rev3A_445 : i32 to vector<16xi32>
          %rev3A_447 = tpu.iota {dimensions = array<i32: 0>} : vector<16xi32>
          %rev3A_448 = arith.subi %rev3A_446, %rev3A_447 : vector<16xi32>
          %rev3A_449 = tpu.dynamic_gather %masked_sort3A_443[%rev3A_448] in [0] : vector<16xf32>, vector<16xi32> -> vector<16xf32>
          %rev3A_450 = arith.constant 15 : i32
          %rev3A_451 = vector.broadcast %rev3A_450 : i32 to vector<16xi32>
          %rev3A_452 = tpu.iota {dimensions = array<i32: 0>} : vector<16xi32>
          %rev3A_453 = arith.subi %rev3A_451, %rev3A_452 : vector<16xi32>
          %rev3A_454 = tpu.dynamic_gather %masked_sort3A_444[%rev3A_453] in [0] : vector<16xi32>, vector<16xi32> -> vector<16xi32>
          %gt3A_455 = arith.cmpf ogt, %get3A_420, %rev3A_449 : vector<16xf32>
          %eq3A_456 = arith.cmpf oeq, %get3A_420, %rev3A_449 : vector<16xf32>
          %lt3A_457 = arith.cmpi slt, %get3A_424, %rev3A_454 : vector<16xi32>
          %and3A_458 = arith.andi %eq3A_456, %lt3A_457 : vector<16xi1>
          %or3A_459 = arith.ori %gt3A_455, %and3A_458 : vector<16xi1>
          %select_n3A_460 = arith.select %or3A_459, %get3A_420, %rev3A_449 : vector<16xi1>, vector<16xf32>
          %select_n3A_461 = arith.select %or3A_459, %get3A_424, %rev3A_454 : vector<16xi1>, vector<16xi32>
          %select_n3A_462 = arith.select %or3A_459, %rev3A_449, %get3A_420 : vector<16xi1>, vector<16xf32>
          %select_n3A_463 = arith.select %or3A_459, %rev3A_454, %get3A_424 : vector<16xi1>, vector<16xi32>
          %masked_sort3A_464 = arith.constant dense<true> : vector<16xi1>
          %masked_sort3A_465, %masked_sort3A_466, %masked_sort3A_467 = tpu.sort %select_n3A_460, %select_n3A_461 masked %masked_sort3A_464 {descending = true} : (vector<16xf32>, vector<16xi32>, vector<16xi1>) -> (vector<16xi1>, vector<16xf32>, vector<16xi32>)
          %masked_sort3A_468 = arith.constant dense<true> : vector<16xi1>
          %masked_sort3A_469, %masked_sort3A_470, %masked_sort3A_471 = tpu.sort %select_n3A_462, %select_n3A_463 masked %masked_sort3A_468 {descending = true} : (vector<16xf32>, vector<16xi32>, vector<16xi1>) -> (vector<16xi1>, vector<16xf32>, vector<16xi32>)
          %swap3A_472 = arith.constant 0 : index
          %swap3A_473 = tpu.vector_load %arg17[%swap3A_472] {strides = array<i32>} : memref<32xf32, #tpu.memory_space<vmem>>, vector<16xf32>,
          tpu.vector_store %arg17[%swap3A_472], %masked_sort3A_466 {strides = array<i32>} : memref<32xf32, #tpu.memory_space<vmem>>, vector<16xf32>,
          %swap3A_474 = arith.constant 16 : index
          %swap3A_475 = tpu.vector_load %arg17[%swap3A_474] {strides = array<i32>} : memref<32xf32, #tpu.memory_space<vmem>>, vector<16xf32>,
          tpu.vector_store %arg17[%swap3A_474], %masked_sort3A_470 {strides = array<i32>} : memref<32xf32, #tpu.memory_space<vmem>>, vector<16xf32>,
          %swap3A_476 = arith.constant 0 : index
          %swap3A_477 = tpu.vector_load %arg18[%swap3A_476] {strides = array<i32>} : memref<32xi32, #tpu.memory_space<vmem>>, vector<16xi32>,
          tpu.vector_store %arg18[%swap3A_476], %masked_sort3A_467 {strides = array<i32>} : memref<32xi32, #tpu.memory_space<vmem>>, vector<16xi32>,
          %swap3A_478 = arith.constant 16 : index
          %swap3A_479 = tpu.vector_load %arg18[%swap3A_478] {strides = array<i32>} : memref<32xi32, #tpu.memory_space<vmem>>, vector<16xi32>,
          tpu.vector_store %arg18[%swap3A_478], %masked_sort3A_471 {strides = array<i32>} : memref<32xi32, #tpu.memory_space<vmem>>, vector<16xi32>,
          %reduce_min3A = arith.constant true
          %reduce_min3A_480 = vector.broadcast %reduce_min3A : i1 to vector<16xi1>
          %reduce_min3A_481 = tpu.scan <min>, %masked_sort3A_470 masked %reduce_min3A_480 : vector<16xf32>, vector<16xi1> -> vector<16xf32>
          %reduce_min3A_482 = vector.extract %reduce_min3A_481[15] : f32 from vector<16xf32>
          %broadcast_in_dim3A_483 = vector.broadcast %reduce_min3A_482 : f32 to vector<16xf32>
          %swap3A_484 = arith.constant 0 : index
          %swap3A_485 = tpu.vector_load %arg19[%swap3A_484] {strides = array<i32>} : memref<16xf32, #tpu.memory_space<vmem>>, vector<16xf32>,
          tpu.vector_store %arg19[%swap3A_484], %broadcast_in_dim3A_483 {strides = array<i32>} : memref<16xf32, #tpu.memory_space<vmem>>, vector<16xf32>,
        } else {
        }
      }
      %scan3A_108 = arith.constant 32 : i32
      %add3A_109 = arith.constant 2 : i32
      %add3A_110 = arith.addi %add3A_93, %add3A_109 : i32
      %lt3A_111 = arith.constant 30 : i32
      %lt3A_112 = arith.cmpi slt, %add3A_110, %lt3A_111 : i32
      %convert_element_type3A = arith.extui %lt3A_112 : i1 to i32
      %cond3A = arith.constant 0 : i32
      %cond3A_113 = arith.cmpi ne, %convert_element_type3A, %cond3A : i32
      scf.if %cond3A_113 {
        %mul3A_139 = arith.constant 512 : i32
        %mul3A_140 = arith.muli %add3A_110, %mul3A_139 : i32
        %add3A_141 = arith.addi %mul3A_2, %mul3A_140 : i32
        %mul3A_142 = arith.constant 20 : i32
        %mul3A_143 = arith.muli %add3A_141, %mul3A_142 : i32
        %dma_start3A_144 = tpu.memref_slice %arg2[%mul3A_143] : memref<10000000xi32, #tpu.memory_space<hbm>> -> memref<10240xi32, #tpu.memory_space<hbm>>
        %dma_start3A_145 = tpu.memref_slice %arg2[%mul3A_143] : memref<10000000xi32, #tpu.memory_space<hbm>> -> memref<10240xi32, #tpu.memory_space<hbm>>
        tpu.enqueue_dma source(%dma_start3A_145 : memref<10240xi32, #tpu.memory_space<hbm>>) target(%arg9 : memref<10240xi32, #tpu.memory_space<vmem>>) target_semaphore(%arg20 : memref<!tpu.dma_semaphore, #tpu.memory_space<semaphore_mem>>)
        %dma_start3A_146 = tpu.memref_slice %arg3[%add3A_141] : memref<500000xi32, #tpu.memory_space<hbm>> -> memref<512xi32, #tpu.memory_space<hbm>>
        %dma_start3A_147 = tpu.memref_slice %arg3[%add3A_141] : memref<500000xi32, #tpu.memory_space<hbm>> -> memref<512xi32, #tpu.memory_space<hbm>>
        tpu.enqueue_dma source(%dma_start3A_147 : memref<512xi32, #tpu.memory_space<hbm>>) target(%arg11 : memref<512xi32, #tpu.memory_space<vmem>>) target_semaphore(%arg20 : memref<!tpu.dma_semaphore, #tpu.memory_space<semaphore_mem>>)
      } else {
      }
      %add3A_114 = arith.constant 1 : i32
      %add3A_115 = arith.addi %add3A_91, %add3A_114 : i32
      %dma_wait3A_116 = arith.constant 0 : i32
      %dma_wait3A_117 = tpu.memref_slice %arg2[%dma_wait3A_116] : memref<10000000xi32, #tpu.memory_space<hbm>> -> memref<10240xi32, #tpu.memory_space<hbm>>
      %dma_wait3A_118 = arith.constant 0 : i32
      %dma_wait3A_119 = tpu.memref_slice %arg2[%dma_wait3A_118] : memref<10000000xi32, #tpu.memory_space<hbm>> -> memref<10240xi32, #tpu.memory_space<hbm>>
      tpu.wait_dma2 semaphore(%arg21 : memref<!tpu.dma_semaphore, #tpu.memory_space<semaphore_mem>>) src(%dma_wait3A_119 : memref<10240xi32, #tpu.memory_space<hbm>>) dst(%arg10 : memref<10240xi32, #tpu.memory_space<vmem>>)
      %dma_wait3A_120 = arith.constant 0 : i32
      %dma_wait3A_121 = tpu.memref_slice %arg3[%dma_wait3A_120] : memref<500000xi32, #tpu.memory_space<hbm>> -> memref<512xi32, #tpu.memory_space<hbm>>
      %dma_wait3A_122 = arith.constant 0 : i32
      %dma_wait3A_123 = tpu.memref_slice %arg3[%dma_wait3A_122] : memref<500000xi32, #tpu.memory_space<hbm>> -> memref<512xi32, #tpu.memory_space<hbm>>
      tpu.wait_dma2 semaphore(%arg21 : memref<!tpu.dma_semaphore, #tpu.memory_space<semaphore_mem>>) src(%dma_wait3A_123 : memref<512xi32, #tpu.memory_space<hbm>>) dst(%arg12 : memref<512xi32, #tpu.memory_space<vmem>>)
      %mul3A_124 = arith.constant 512 : i32
      %mul3A_125 = arith.muli %add3A_115, %mul3A_124 : i32
      %add3A_126 = arith.addi %mul3A_2, %mul3A_125 : i32
      %scan3A_127 = arith.constant 0 : i32
      %scan3A_128 = arith.constant 32 : i32
      %scan3A_129 = arith.addi %scan3A_127, %scan3A_128 : i32
      %scan3A_130 = arith.constant 1 : i32
      scf.for %scan3A_139 = %scan3A_127 to %scan3A_129 step %scan3A_130  : i32 {
        %mul3A_140 = arith.constant 1 : i32
        %mul3A_141 = arith.muli %scan3A_139, %mul3A_140 : i32
        %add3A_142 = arith.constant 0 : i32
        %add3A_143 = arith.addi %add3A_142, %mul3A_141 : i32
        %mul3A_144 = arith.constant 16 : i32
        %mul3A_145 = arith.muli %add3A_143, %mul3A_144 : i32
        %get3A_146 = arith.index_cast %mul3A_145 : i32 to index
        %get3A_147 = tpu.vector_load %arg12[%get3A_146] {strides = array<i32>} : memref<512xi32, #tpu.memory_space<vmem>>, vector<16xi32>,
        %mul3A_148 = arith.constant 320 : i32
        %mul3A_149 = arith.muli %add3A_143, %mul3A_148 : i32
        %add3A_150 = vector.broadcast %mul3A_149 : i32 to vector<16xi32>
        %add3A_151 = arith.addi %add3A_150, %mul3A_5 : vector<16xi32>
        %broadcast_in_dim3A_152 = arith.constant 0.000000e+00 : f32
        %broadcast_in_dim3A_153 = vector.broadcast %broadcast_in_dim3A_152 : f32 to vector<16xf32>
        %add3A_154 = arith.constant 0 : i32
        %add3A_155 = vector.broadcast %add3A_154 : i32 to vector<16xi32>
        %add3A_156 = arith.addi %add3A_151, %add3A_155 : vector<16xi32>
        %gather3A_157 = tpu.vector_load_idx %arg10[%add3A_156] : memref<10240xi32, #tpu.memory_space<vmem>>[vector<16xi32>], vector<16xi32>,
        %gather3A_158 = tpu.vector_load_idx %arg8[%gather3A_157] : memref<100000xf32, #tpu.memory_space<vmem>>[vector<16xi32>], vector<16xf32>,
        %gt3A = arith.constant 0 : i32
        %gt3A_159 = vector.broadcast %gt3A : i32 to vector<16xi32>
        %gt3A_160 = arith.cmpi sgt, %get3A_147, %gt3A_159 : vector<16xi32>
        %jit3A_161 = arith.constant 0.000000e+00 : f32
        %broadcast_in_dim3A_162 = vector.broadcast %jit3A_161 : f32 to vector<16xf32>
        %select_n3A_163 = arith.select %gt3A_160, %gather3A_158, %broadcast_in_dim3A_162 : vector<16xi1>, vector<16xf32>
        %add3A_164 = arith.addf %broadcast_in_dim3A_153, %select_n3A_163 : vector<16xf32>
        %add3A_165 = arith.constant 1 : i32
        %add3A_166 = vector.broadcast %add3A_165 : i32 to vector<16xi32>
        %add3A_167 = arith.addi %add3A_151, %add3A_166 : vector<16xi32>
        %gather3A_168 = tpu.vector_load_idx %arg10[%add3A_167] : memref<10240xi32, #tpu.memory_space<vmem>>[vector<16xi32>], vector<16xi32>,
        %gather3A_169 = tpu.vector_load_idx %arg8[%gather3A_168] : memref<100000xf32, #tpu.memory_space<vmem>>[vector<16xi32>], vector<16xf32>,
        %gt3A_170 = arith.constant 1 : i32
        %gt3A_171 = vector.broadcast %gt3A_170 : i32 to vector<16xi32>
        %gt3A_172 = arith.cmpi sgt, %get3A_147, %gt3A_171 : vector<16xi32>
        %jit3A_173 = arith.constant 0.000000e+00 : f32
        %broadcast_in_dim3A_174 = vector.broadcast %jit3A_173 : f32 to vector<16xf32>
        %select_n3A_175 = arith.select %gt3A_172, %gather3A_169, %broadcast_in_dim3A_174 : vector<16xi1>, vector<16xf32>
        %add3A_176 = arith.addf %add3A_164, %select_n3A_175 : vector<16xf32>
        %add3A_177 = arith.constant 2 : i32
        %add3A_178 = vector.broadcast %add3A_177 : i32 to vector<16xi32>
        %add3A_179 = arith.addi %add3A_151, %add3A_178 : vector<16xi32>
        %gather3A_180 = tpu.vector_load_idx %arg10[%add3A_179] : memref<10240xi32, #tpu.memory_space<vmem>>[vector<16xi32>], vector<16xi32>,
        %gather3A_181 = tpu.vector_load_idx %arg8[%gather3A_180] : memref<100000xf32, #tpu.memory_space<vmem>>[vector<16xi32>], vector<16xf32>,
        %gt3A_182 = arith.constant 2 : i32
        %gt3A_183 = vector.broadcast %gt3A_182 : i32 to vector<16xi32>
        %gt3A_184 = arith.cmpi sgt, %get3A_147, %gt3A_183 : vector<16xi32>
        %jit3A_185 = arith.constant 0.000000e+00 : f32
        %broadcast_in_dim3A_186 = vector.broadcast %jit3A_185 : f32 to vector<16xf32>
        %select_n3A_187 = arith.select %gt3A_184, %gather3A_181, %broadcast_in_dim3A_186 : vector<16xi1>, vector<16xf32>
        %add3A_188 = arith.addf %add3A_176, %select_n3A_187 : vector<16xf32>
        %add3A_189 = arith.constant 3 : i32
        %add3A_190 = vector.broadcast %add3A_189 : i32 to vector<16xi32>
        %add3A_191 = arith.addi %add3A_151, %add3A_190 : vector<16xi32>
        %gather3A_192 = tpu.vector_load_idx %arg10[%add3A_191] : memref<10240xi32, #tpu.memory_space<vmem>>[vector<16xi32>], vector<16xi32>,
        %gather3A_193 = tpu.vector_load_idx %arg8[%gather3A_192] : memref<100000xf32, #tpu.memory_space<vmem>>[vector<16xi32>], vector<16xf32>,
        %gt3A_194 = arith.constant 3 : i32
        %gt3A_195 = vector.broadcast %gt3A_194 : i32 to vector<16xi32>
        %gt3A_196 = arith.cmpi sgt, %get3A_147, %gt3A_195 : vector<16xi32>
        %jit3A_197 = arith.constant 0.000000e+00 : f32
        %broadcast_in_dim3A_198 = vector.broadcast %jit3A_197 : f32 to vector<16xf32>
        %select_n3A_199 = arith.select %gt3A_196, %gather3A_193, %broadcast_in_dim3A_198 : vector<16xi1>, vector<16xf32>
        %add3A_200 = arith.addf %add3A_188, %select_n3A_199 : vector<16xf32>
        %add3A_201 = arith.constant 4 : i32
        %add3A_202 = vector.broadcast %add3A_201 : i32 to vector<16xi32>
        %add3A_203 = arith.addi %add3A_151, %add3A_202 : vector<16xi32>
        %gather3A_204 = tpu.vector_load_idx %arg10[%add3A_203] : memref<10240xi32, #tpu.memory_space<vmem>>[vector<16xi32>], vector<16xi32>,
        %gather3A_205 = tpu.vector_load_idx %arg8[%gather3A_204] : memref<100000xf32, #tpu.memory_space<vmem>>[vector<16xi32>], vector<16xf32>,
        %gt3A_206 = arith.constant 4 : i32
        %gt3A_207 = vector.broadcast %gt3A_206 : i32 to vector<16xi32>
        %gt3A_208 = arith.cmpi sgt, %get3A_147, %gt3A_207 : vector<16xi32>
        %jit3A_209 = arith.constant 0.000000e+00 : f32
        %broadcast_in_dim3A_210 = vector.broadcast %jit3A_209 : f32 to vector<16xf32>
        %select_n3A_211 = arith.select %gt3A_208, %gather3A_205, %broadcast_in_dim3A_210 : vector<16xi1>, vector<16xf32>
        %add3A_212 = arith.addf %add3A_200, %select_n3A_211 : vector<16xf32>
        %add3A_213 = arith.constant 5 : i32
        %add3A_214 = vector.broadcast %add3A_213 : i32 to vector<16xi32>
        %add3A_215 = arith.addi %add3A_151, %add3A_214 : vector<16xi32>
        %gather3A_216 = tpu.vector_load_idx %arg10[%add3A_215] : memref<10240xi32, #tpu.memory_space<vmem>>[vector<16xi32>], vector<16xi32>,
        %gather3A_217 = tpu.vector_load_idx %arg8[%gather3A_216] : memref<100000xf32, #tpu.memory_space<vmem>>[vector<16xi32>], vector<16xf32>,
        %gt3A_218 = arith.constant 5 : i32
        %gt3A_219 = vector.broadcast %gt3A_218 : i32 to vector<16xi32>
        %gt3A_220 = arith.cmpi sgt, %get3A_147, %gt3A_219 : vector<16xi32>
        %jit3A_221 = arith.constant 0.000000e+00 : f32
        %broadcast_in_dim3A_222 = vector.broadcast %jit3A_221 : f32 to vector<16xf32>
        %select_n3A_223 = arith.select %gt3A_220, %gather3A_217, %broadcast_in_dim3A_222 : vector<16xi1>, vector<16xf32>
        %add3A_224 = arith.addf %add3A_212, %select_n3A_223 : vector<16xf32>
        %add3A_225 = arith.constant 6 : i32
        %add3A_226 = vector.broadcast %add3A_225 : i32 to vector<16xi32>
        %add3A_227 = arith.addi %add3A_151, %add3A_226 : vector<16xi32>
        %gather3A_228 = tpu.vector_load_idx %arg10[%add3A_227] : memref<10240xi32, #tpu.memory_space<vmem>>[vector<16xi32>], vector<16xi32>,
        %gather3A_229 = tpu.vector_load_idx %arg8[%gather3A_228] : memref<100000xf32, #tpu.memory_space<vmem>>[vector<16xi32>], vector<16xf32>,
        %gt3A_230 = arith.constant 6 : i32
        %gt3A_231 = vector.broadcast %gt3A_230 : i32 to vector<16xi32>
        %gt3A_232 = arith.cmpi sgt, %get3A_147, %gt3A_231 : vector<16xi32>
        %jit3A_233 = arith.constant 0.000000e+00 : f32
        %broadcast_in_dim3A_234 = vector.broadcast %jit3A_233 : f32 to vector<16xf32>
        %select_n3A_235 = arith.select %gt3A_232, %gather3A_229, %broadcast_in_dim3A_234 : vector<16xi1>, vector<16xf32>
        %add3A_236 = arith.addf %add3A_224, %select_n3A_235 : vector<16xf32>
        %add3A_237 = arith.constant 7 : i32
        %add3A_238 = vector.broadcast %add3A_237 : i32 to vector<16xi32>
        %add3A_239 = arith.addi %add3A_151, %add3A_238 : vector<16xi32>
        %gather3A_240 = tpu.vector_load_idx %arg10[%add3A_239] : memref<10240xi32, #tpu.memory_space<vmem>>[vector<16xi32>], vector<16xi32>,
        %gather3A_241 = tpu.vector_load_idx %arg8[%gather3A_240] : memref<100000xf32, #tpu.memory_space<vmem>>[vector<16xi32>], vector<16xf32>,
        %gt3A_242 = arith.constant 7 : i32
        %gt3A_243 = vector.broadcast %gt3A_242 : i32 to vector<16xi32>
        %gt3A_244 = arith.cmpi sgt, %get3A_147, %gt3A_243 : vector<16xi32>
        %jit3A_245 = arith.constant 0.000000e+00 : f32
        %broadcast_in_dim3A_246 = vector.broadcast %jit3A_245 : f32 to vector<16xf32>
        %select_n3A_247 = arith.select %gt3A_244, %gather3A_241, %broadcast_in_dim3A_246 : vector<16xi1>, vector<16xf32>
        %add3A_248 = arith.addf %add3A_236, %select_n3A_247 : vector<16xf32>
        %add3A_249 = arith.constant 8 : i32
        %add3A_250 = vector.broadcast %add3A_249 : i32 to vector<16xi32>
        %add3A_251 = arith.addi %add3A_151, %add3A_250 : vector<16xi32>
        %gather3A_252 = tpu.vector_load_idx %arg10[%add3A_251] : memref<10240xi32, #tpu.memory_space<vmem>>[vector<16xi32>], vector<16xi32>,
        %gather3A_253 = tpu.vector_load_idx %arg8[%gather3A_252] : memref<100000xf32, #tpu.memory_space<vmem>>[vector<16xi32>], vector<16xf32>,
        %gt3A_254 = arith.constant 8 : i32
        %gt3A_255 = vector.broadcast %gt3A_254 : i32 to vector<16xi32>
        %gt3A_256 = arith.cmpi sgt, %get3A_147, %gt3A_255 : vector<16xi32>
        %jit3A_257 = arith.constant 0.000000e+00 : f32
        %broadcast_in_dim3A_258 = vector.broadcast %jit3A_257 : f32 to vector<16xf32>
        %select_n3A_259 = arith.select %gt3A_256, %gather3A_253, %broadcast_in_dim3A_258 : vector<16xi1>, vector<16xf32>
        %add3A_260 = arith.addf %add3A_248, %select_n3A_259 : vector<16xf32>
        %add3A_261 = arith.constant 9 : i32
        %add3A_262 = vector.broadcast %add3A_261 : i32 to vector<16xi32>
        %add3A_263 = arith.addi %add3A_151, %add3A_262 : vector<16xi32>
        %gather3A_264 = tpu.vector_load_idx %arg10[%add3A_263] : memref<10240xi32, #tpu.memory_space<vmem>>[vector<16xi32>], vector<16xi32>,
        %gather3A_265 = tpu.vector_load_idx %arg8[%gather3A_264] : memref<100000xf32, #tpu.memory_space<vmem>>[vector<16xi32>], vector<16xf32>,
        %gt3A_266 = arith.constant 9 : i32
        %gt3A_267 = vector.broadcast %gt3A_266 : i32 to vector<16xi32>
        %gt3A_268 = arith.cmpi sgt, %get3A_147, %gt3A_267 : vector<16xi32>
        %jit3A_269 = arith.constant 0.000000e+00 : f32
        %broadcast_in_dim3A_270 = vector.broadcast %jit3A_269 : f32 to vector<16xf32>
        %select_n3A_271 = arith.select %gt3A_268, %gather3A_265, %broadcast_in_dim3A_270 : vector<16xi1>, vector<16xf32>
        %add3A_272 = arith.addf %add3A_260, %select_n3A_271 : vector<16xf32>
        %add3A_273 = arith.constant 10 : i32
        %add3A_274 = vector.broadcast %add3A_273 : i32 to vector<16xi32>
        %add3A_275 = arith.addi %add3A_151, %add3A_274 : vector<16xi32>
        %gather3A_276 = tpu.vector_load_idx %arg10[%add3A_275] : memref<10240xi32, #tpu.memory_space<vmem>>[vector<16xi32>], vector<16xi32>,
        %gather3A_277 = tpu.vector_load_idx %arg8[%gather3A_276] : memref<100000xf32, #tpu.memory_space<vmem>>[vector<16xi32>], vector<16xf32>,
        %gt3A_278 = arith.constant 10 : i32
        %gt3A_279 = vector.broadcast %gt3A_278 : i32 to vector<16xi32>
        %gt3A_280 = arith.cmpi sgt, %get3A_147, %gt3A_279 : vector<16xi32>
        %jit3A_281 = arith.constant 0.000000e+00 : f32
        %broadcast_in_dim3A_282 = vector.broadcast %jit3A_281 : f32 to vector<16xf32>
        %select_n3A_283 = arith.select %gt3A_280, %gather3A_277, %broadcast_in_dim3A_282 : vector<16xi1>, vector<16xf32>
        %add3A_284 = arith.addf %add3A_272, %select_n3A_283 : vector<16xf32>
        %add3A_285 = arith.constant 11 : i32
        %add3A_286 = vector.broadcast %add3A_285 : i32 to vector<16xi32>
        %add3A_287 = arith.addi %add3A_151, %add3A_286 : vector<16xi32>
        %gather3A_288 = tpu.vector_load_idx %arg10[%add3A_287] : memref<10240xi32, #tpu.memory_space<vmem>>[vector<16xi32>], vector<16xi32>,
        %gather3A_289 = tpu.vector_load_idx %arg8[%gather3A_288] : memref<100000xf32, #tpu.memory_space<vmem>>[vector<16xi32>], vector<16xf32>,
        %gt3A_290 = arith.constant 11 : i32
        %gt3A_291 = vector.broadcast %gt3A_290 : i32 to vector<16xi32>
        %gt3A_292 = arith.cmpi sgt, %get3A_147, %gt3A_291 : vector<16xi32>
        %jit3A_293 = arith.constant 0.000000e+00 : f32
        %broadcast_in_dim3A_294 = vector.broadcast %jit3A_293 : f32 to vector<16xf32>
        %select_n3A_295 = arith.select %gt3A_292, %gather3A_289, %broadcast_in_dim3A_294 : vector<16xi1>, vector<16xf32>
        %add3A_296 = arith.addf %add3A_284, %select_n3A_295 : vector<16xf32>
        %add3A_297 = arith.constant 12 : i32
        %add3A_298 = vector.broadcast %add3A_297 : i32 to vector<16xi32>
        %add3A_299 = arith.addi %add3A_151, %add3A_298 : vector<16xi32>
        %gather3A_300 = tpu.vector_load_idx %arg10[%add3A_299] : memref<10240xi32, #tpu.memory_space<vmem>>[vector<16xi32>], vector<16xi32>,
        %gather3A_301 = tpu.vector_load_idx %arg8[%gather3A_300] : memref<100000xf32, #tpu.memory_space<vmem>>[vector<16xi32>], vector<16xf32>,
        %gt3A_302 = arith.constant 12 : i32
        %gt3A_303 = vector.broadcast %gt3A_302 : i32 to vector<16xi32>
        %gt3A_304 = arith.cmpi sgt, %get3A_147, %gt3A_303 : vector<16xi32>
        %jit3A_305 = arith.constant 0.000000e+00 : f32
        %broadcast_in_dim3A_306 = vector.broadcast %jit3A_305 : f32 to vector<16xf32>
        %select_n3A_307 = arith.select %gt3A_304, %gather3A_301, %broadcast_in_dim3A_306 : vector<16xi1>, vector<16xf32>
        %add3A_308 = arith.addf %add3A_296, %select_n3A_307 : vector<16xf32>
        %add3A_309 = arith.constant 13 : i32
        %add3A_310 = vector.broadcast %add3A_309 : i32 to vector<16xi32>
        %add3A_311 = arith.addi %add3A_151, %add3A_310 : vector<16xi32>
        %gather3A_312 = tpu.vector_load_idx %arg10[%add3A_311] : memref<10240xi32, #tpu.memory_space<vmem>>[vector<16xi32>], vector<16xi32>,
        %gather3A_313 = tpu.vector_load_idx %arg8[%gather3A_312] : memref<100000xf32, #tpu.memory_space<vmem>>[vector<16xi32>], vector<16xf32>,
        %gt3A_314 = arith.constant 13 : i32
        %gt3A_315 = vector.broadcast %gt3A_314 : i32 to vector<16xi32>
        %gt3A_316 = arith.cmpi sgt, %get3A_147, %gt3A_315 : vector<16xi32>
        %jit3A_317 = arith.constant 0.000000e+00 : f32
        %broadcast_in_dim3A_318 = vector.broadcast %jit3A_317 : f32 to vector<16xf32>
        %select_n3A_319 = arith.select %gt3A_316, %gather3A_313, %broadcast_in_dim3A_318 : vector<16xi1>, vector<16xf32>
        %add3A_320 = arith.addf %add3A_308, %select_n3A_319 : vector<16xf32>
        %add3A_321 = arith.constant 14 : i32
        %add3A_322 = vector.broadcast %add3A_321 : i32 to vector<16xi32>
        %add3A_323 = arith.addi %add3A_151, %add3A_322 : vector<16xi32>
        %gather3A_324 = tpu.vector_load_idx %arg10[%add3A_323] : memref<10240xi32, #tpu.memory_space<vmem>>[vector<16xi32>], vector<16xi32>,
        %gather3A_325 = tpu.vector_load_idx %arg8[%gather3A_324] : memref<100000xf32, #tpu.memory_space<vmem>>[vector<16xi32>], vector<16xf32>,
        %gt3A_326 = arith.constant 14 : i32
        %gt3A_327 = vector.broadcast %gt3A_326 : i32 to vector<16xi32>
        %gt3A_328 = arith.cmpi sgt, %get3A_147, %gt3A_327 : vector<16xi32>
        %jit3A_329 = arith.constant 0.000000e+00 : f32
        %broadcast_in_dim3A_330 = vector.broadcast %jit3A_329 : f32 to vector<16xf32>
        %select_n3A_331 = arith.select %gt3A_328, %gather3A_325, %broadcast_in_dim3A_330 : vector<16xi1>, vector<16xf32>
        %add3A_332 = arith.addf %add3A_320, %select_n3A_331 : vector<16xf32>
        %add3A_333 = arith.constant 15 : i32
        %add3A_334 = vector.broadcast %add3A_333 : i32 to vector<16xi32>
        %add3A_335 = arith.addi %add3A_151, %add3A_334 : vector<16xi32>
        %gather3A_336 = tpu.vector_load_idx %arg10[%add3A_335] : memref<10240xi32, #tpu.memory_space<vmem>>[vector<16xi32>], vector<16xi32>,
        %gather3A_337 = tpu.vector_load_idx %arg8[%gather3A_336] : memref<100000xf32, #tpu.memory_space<vmem>>[vector<16xi32>], vector<16xf32>,
        %gt3A_338 = arith.constant 15 : i32
        %gt3A_339 = vector.broadcast %gt3A_338 : i32 to vector<16xi32>
        %gt3A_340 = arith.cmpi sgt, %get3A_147, %gt3A_339 : vector<16xi32>
        %jit3A_341 = arith.constant 0.000000e+00 : f32
        %broadcast_in_dim3A_342 = vector.broadcast %jit3A_341 : f32 to vector<16xf32>
        %select_n3A_343 = arith.select %gt3A_340, %gather3A_337, %broadcast_in_dim3A_342 : vector<16xi1>, vector<16xf32>
        %add3A_344 = arith.addf %add3A_332, %select_n3A_343 : vector<16xf32>
        %add3A_345 = arith.constant 16 : i32
        %add3A_346 = vector.broadcast %add3A_345 : i32 to vector<16xi32>
        %add3A_347 = arith.addi %add3A_151, %add3A_346 : vector<16xi32>
        %gather3A_348 = tpu.vector_load_idx %arg10[%add3A_347] : memref<10240xi32, #tpu.memory_space<vmem>>[vector<16xi32>], vector<16xi32>,
        %gather3A_349 = tpu.vector_load_idx %arg8[%gather3A_348] : memref<100000xf32, #tpu.memory_space<vmem>>[vector<16xi32>], vector<16xf32>,
        %gt3A_350 = arith.constant 16 : i32
        %gt3A_351 = vector.broadcast %gt3A_350 : i32 to vector<16xi32>
        %gt3A_352 = arith.cmpi sgt, %get3A_147, %gt3A_351 : vector<16xi32>
        %jit3A_353 = arith.constant 0.000000e+00 : f32
        %broadcast_in_dim3A_354 = vector.broadcast %jit3A_353 : f32 to vector<16xf32>
        %select_n3A_355 = arith.select %gt3A_352, %gather3A_349, %broadcast_in_dim3A_354 : vector<16xi1>, vector<16xf32>
        %add3A_356 = arith.addf %add3A_344, %select_n3A_355 : vector<16xf32>
        %add3A_357 = arith.constant 17 : i32
        %add3A_358 = vector.broadcast %add3A_357 : i32 to vector<16xi32>
        %add3A_359 = arith.addi %add3A_151, %add3A_358 : vector<16xi32>
        %gather3A_360 = tpu.vector_load_idx %arg10[%add3A_359] : memref<10240xi32, #tpu.memory_space<vmem>>[vector<16xi32>], vector<16xi32>,
        %gather3A_361 = tpu.vector_load_idx %arg8[%gather3A_360] : memref<100000xf32, #tpu.memory_space<vmem>>[vector<16xi32>], vector<16xf32>,
        %gt3A_362 = arith.constant 17 : i32
        %gt3A_363 = vector.broadcast %gt3A_362 : i32 to vector<16xi32>
        %gt3A_364 = arith.cmpi sgt, %get3A_147, %gt3A_363 : vector<16xi32>
        %jit3A_365 = arith.constant 0.000000e+00 : f32
        %broadcast_in_dim3A_366 = vector.broadcast %jit3A_365 : f32 to vector<16xf32>
        %select_n3A_367 = arith.select %gt3A_364, %gather3A_361, %broadcast_in_dim3A_366 : vector<16xi1>, vector<16xf32>
        %add3A_368 = arith.addf %add3A_356, %select_n3A_367 : vector<16xf32>
        %add3A_369 = arith.constant 18 : i32
        %add3A_370 = vector.broadcast %add3A_369 : i32 to vector<16xi32>
        %add3A_371 = arith.addi %add3A_151, %add3A_370 : vector<16xi32>
        %gather3A_372 = tpu.vector_load_idx %arg10[%add3A_371] : memref<10240xi32, #tpu.memory_space<vmem>>[vector<16xi32>], vector<16xi32>,
        %gather3A_373 = tpu.vector_load_idx %arg8[%gather3A_372] : memref<100000xf32, #tpu.memory_space<vmem>>[vector<16xi32>], vector<16xf32>,
        %gt3A_374 = arith.constant 18 : i32
        %gt3A_375 = vector.broadcast %gt3A_374 : i32 to vector<16xi32>
        %gt3A_376 = arith.cmpi sgt, %get3A_147, %gt3A_375 : vector<16xi32>
        %jit3A_377 = arith.constant 0.000000e+00 : f32
        %broadcast_in_dim3A_378 = vector.broadcast %jit3A_377 : f32 to vector<16xf32>
        %select_n3A_379 = arith.select %gt3A_376, %gather3A_373, %broadcast_in_dim3A_378 : vector<16xi1>, vector<16xf32>
        %add3A_380 = arith.addf %add3A_368, %select_n3A_379 : vector<16xf32>
        %add3A_381 = arith.constant 19 : i32
        %add3A_382 = vector.broadcast %add3A_381 : i32 to vector<16xi32>
        %add3A_383 = arith.addi %add3A_151, %add3A_382 : vector<16xi32>
        %gather3A_384 = tpu.vector_load_idx %arg10[%add3A_383] : memref<10240xi32, #tpu.memory_space<vmem>>[vector<16xi32>], vector<16xi32>,
        %gather3A_385 = tpu.vector_load_idx %arg8[%gather3A_384] : memref<100000xf32, #tpu.memory_space<vmem>>[vector<16xi32>], vector<16xf32>,
        %gt3A_386 = arith.constant 19 : i32
        %gt3A_387 = vector.broadcast %gt3A_386 : i32 to vector<16xi32>
        %gt3A_388 = arith.cmpi sgt, %get3A_147, %gt3A_387 : vector<16xi32>
        %jit3A_389 = arith.constant 0.000000e+00 : f32
        %broadcast_in_dim3A_390 = vector.broadcast %jit3A_389 : f32 to vector<16xf32>
        %select_n3A_391 = arith.select %gt3A_388, %gather3A_385, %broadcast_in_dim3A_390 : vector<16xi1>, vector<16xf32>
        %add3A_392 = arith.addf %add3A_380, %select_n3A_391 : vector<16xf32>
        %gather3A_393 = tpu.vector_load_idx %arg16[%get3A_147] : memref<32xf32, #tpu.memory_space<vmem>>[vector<16xi32>], vector<16xf32>,
        %add3A_394 = arith.addf %add3A_392, %gather3A_393 : vector<16xf32>
        %mul3A_395 = arith.constant 16 : i32
        %mul3A_396 = arith.muli %add3A_143, %mul3A_395 : i32
        %add3A_397 = arith.addi %add3A_126, %mul3A_396 : i32
        %add3A_398 = vector.broadcast %add3A_397 : i32 to vector<16xi32>
        %add3A_399 = arith.addi %add3A_398, %iota3A : vector<16xi32>
        %get3A_400 = arith.constant 0 : index
        %get3A_401 = tpu.vector_load %arg19[%get3A_400] {strides = array<i32>} : memref<16xf32, #tpu.memory_space<vmem>>, vector<16xf32>,
        %gt3A_402 = arith.cmpf ogt, %add3A_394, %get3A_401 : vector<16xf32>
        %reduce_or3A = arith.constant 1.000000e+00 : f32
        %reduce_or3A_403 = arith.constant 0.000000e+00 : f32
        %reduce_or3A_404 = vector.broadcast %reduce_or3A : f32 to vector<16xf32>
        %reduce_or3A_405 = vector.broadcast %reduce_or3A_403 : f32 to vector<16xf32>
        %reduce_or3A_406 = arith.select %gt3A_402, %reduce_or3A_404, %reduce_or3A_405 : vector<16xi1>, vector<16xf32>
        %reduce_or3A_407 = arith.constant true
        %reduce_or3A_408 = vector.broadcast %reduce_or3A_407 : i1 to vector<16xi1>
        %reduce_or3A_409 = tpu.scan <max>, %reduce_or3A_406 masked %reduce_or3A_408 : vector<16xf32>, vector<16xi1> -> vector<16xf32>
        %reduce_or3A_410 = vector.extract %reduce_or3A_409[15] : f32 from vector<16xf32>
        %reduce_or3A_411 = arith.constant 0.000000e+00 : f32
        %reduce_or3A_412 = arith.cmpf ogt, %reduce_or3A_410, %reduce_or3A_411 : f32
        %convert_element_type3A_413 = arith.extui %reduce_or3A_412 : i1 to i32
        %cond3A_414 = arith.constant 0 : i32
        %cond3A_415 = arith.cmpi ne, %convert_element_type3A_413, %cond3A_414 : i32
        scf.if %cond3A_415 {
          %masked_sort3A = arith.constant dense<true> : vector<16xi1>
          %masked_sort3A_416, %masked_sort3A_417, %masked_sort3A_418 = tpu.sort %add3A_394, %add3A_399 masked %masked_sort3A {descending = true} : (vector<16xf32>, vector<16xi32>, vector<16xi1>) -> (vector<16xi1>, vector<16xf32>, vector<16xi32>)
          %get3A_419 = arith.constant 0 : index
          %get3A_420 = tpu.vector_load %arg17[%get3A_419] {strides = array<i32>} : memref<32xf32, #tpu.memory_space<vmem>>, vector<16xf32>,
          %get3A_421 = arith.constant 16 : index
          %get3A_422 = tpu.vector_load %arg17[%get3A_421] {strides = array<i32>} : memref<32xf32, #tpu.memory_space<vmem>>, vector<16xf32>,
          %get3A_423 = arith.constant 0 : index
          %get3A_424 = tpu.vector_load %arg18[%get3A_423] {strides = array<i32>} : memref<32xi32, #tpu.memory_space<vmem>>, vector<16xi32>,
          %get3A_425 = arith.constant 16 : index
          %get3A_426 = tpu.vector_load %arg18[%get3A_425] {strides = array<i32>} : memref<32xi32, #tpu.memory_space<vmem>>, vector<16xi32>,
          %rev3A_427 = arith.constant 15 : i32
          %rev3A_428 = vector.broadcast %rev3A_427 : i32 to vector<16xi32>
          %rev3A_429 = tpu.iota {dimensions = array<i32: 0>} : vector<16xi32>
          %rev3A_430 = arith.subi %rev3A_428, %rev3A_429 : vector<16xi32>
          %rev3A_431 = tpu.dynamic_gather %masked_sort3A_417[%rev3A_430] in [0] : vector<16xf32>, vector<16xi32> -> vector<16xf32>
          %rev3A_432 = arith.constant 15 : i32
          %rev3A_433 = vector.broadcast %rev3A_432 : i32 to vector<16xi32>
          %rev3A_434 = tpu.iota {dimensions = array<i32: 0>} : vector<16xi32>
          %rev3A_435 = arith.subi %rev3A_433, %rev3A_434 : vector<16xi32>
          %rev3A_436 = tpu.dynamic_gather %masked_sort3A_418[%rev3A_435] in [0] : vector<16xi32>, vector<16xi32> -> vector<16xi32>
          %gt3A_437 = arith.cmpf ogt, %get3A_422, %rev3A_431 : vector<16xf32>
          %eq3A = arith.cmpf oeq, %get3A_422, %rev3A_431 : vector<16xf32>
          %lt3A_438 = arith.cmpi slt, %get3A_426, %rev3A_436 : vector<16xi32>
          %and3A = arith.andi %eq3A, %lt3A_438 : vector<16xi1>
          %or3A = arith.ori %gt3A_437, %and3A : vector<16xi1>
          %select_n3A_439 = arith.select %or3A, %get3A_422, %rev3A_431 : vector<16xi1>, vector<16xf32>
          %select_n3A_440 = arith.select %or3A, %get3A_426, %rev3A_436 : vector<16xi1>, vector<16xi32>
          %masked_sort3A_441 = arith.constant dense<true> : vector<16xi1>
          %masked_sort3A_442, %masked_sort3A_443, %masked_sort3A_444 = tpu.sort %select_n3A_439, %select_n3A_440 masked %masked_sort3A_441 {descending = true} : (vector<16xf32>, vector<16xi32>, vector<16xi1>) -> (vector<16xi1>, vector<16xf32>, vector<16xi32>)
          %rev3A_445 = arith.constant 15 : i32
          %rev3A_446 = vector.broadcast %rev3A_445 : i32 to vector<16xi32>
          %rev3A_447 = tpu.iota {dimensions = array<i32: 0>} : vector<16xi32>
          %rev3A_448 = arith.subi %rev3A_446, %rev3A_447 : vector<16xi32>
          %rev3A_449 = tpu.dynamic_gather %masked_sort3A_443[%rev3A_448] in [0] : vector<16xf32>, vector<16xi32> -> vector<16xf32>
          %rev3A_450 = arith.constant 15 : i32
          %rev3A_451 = vector.broadcast %rev3A_450 : i32 to vector<16xi32>
          %rev3A_452 = tpu.iota {dimensions = array<i32: 0>} : vector<16xi32>
          %rev3A_453 = arith.subi %rev3A_451, %rev3A_452 : vector<16xi32>
          %rev3A_454 = tpu.dynamic_gather %masked_sort3A_444[%rev3A_453] in [0] : vector<16xi32>, vector<16xi32> -> vector<16xi32>
          %gt3A_455 = arith.cmpf ogt, %get3A_420, %rev3A_449 : vector<16xf32>
          %eq3A_456 = arith.cmpf oeq, %get3A_420, %rev3A_449 : vector<16xf32>
          %lt3A_457 = arith.cmpi slt, %get3A_424, %rev3A_454 : vector<16xi32>
          %and3A_458 = arith.andi %eq3A_456, %lt3A_457 : vector<16xi1>
          %or3A_459 = arith.ori %gt3A_455, %and3A_458 : vector<16xi1>
          %select_n3A_460 = arith.select %or3A_459, %get3A_420, %rev3A_449 : vector<16xi1>, vector<16xf32>
          %select_n3A_461 = arith.select %or3A_459, %get3A_424, %rev3A_454 : vector<16xi1>, vector<16xi32>
          %select_n3A_462 = arith.select %or3A_459, %rev3A_449, %get3A_420 : vector<16xi1>, vector<16xf32>
          %select_n3A_463 = arith.select %or3A_459, %rev3A_454, %get3A_424 : vector<16xi1>, vector<16xi32>
          %masked_sort3A_464 = arith.constant dense<true> : vector<16xi1>
          %masked_sort3A_465, %masked_sort3A_466, %masked_sort3A_467 = tpu.sort %select_n3A_460, %select_n3A_461 masked %masked_sort3A_464 {descending = true} : (vector<16xf32>, vector<16xi32>, vector<16xi1>) -> (vector<16xi1>, vector<16xf32>, vector<16xi32>)
          %masked_sort3A_468 = arith.constant dense<true> : vector<16xi1>
          %masked_sort3A_469, %masked_sort3A_470, %masked_sort3A_471 = tpu.sort %select_n3A_462, %select_n3A_463 masked %masked_sort3A_468 {descending = true} : (vector<16xf32>, vector<16xi32>, vector<16xi1>) -> (vector<16xi1>, vector<16xf32>, vector<16xi32>)
          %swap3A_472 = arith.constant 0 : index
          %swap3A_473 = tpu.vector_load %arg17[%swap3A_472] {strides = array<i32>} : memref<32xf32, #tpu.memory_space<vmem>>, vector<16xf32>,
          tpu.vector_store %arg17[%swap3A_472], %masked_sort3A_466 {strides = array<i32>} : memref<32xf32, #tpu.memory_space<vmem>>, vector<16xf32>,
          %swap3A_474 = arith.constant 16 : index
          %swap3A_475 = tpu.vector_load %arg17[%swap3A_474] {strides = array<i32>} : memref<32xf32, #tpu.memory_space<vmem>>, vector<16xf32>,
          tpu.vector_store %arg17[%swap3A_474], %masked_sort3A_470 {strides = array<i32>} : memref<32xf32, #tpu.memory_space<vmem>>, vector<16xf32>,
          %swap3A_476 = arith.constant 0 : index
          %swap3A_477 = tpu.vector_load %arg18[%swap3A_476] {strides = array<i32>} : memref<32xi32, #tpu.memory_space<vmem>>, vector<16xi32>,
          tpu.vector_store %arg18[%swap3A_476], %masked_sort3A_467 {strides = array<i32>} : memref<32xi32, #tpu.memory_space<vmem>>, vector<16xi32>,
          %swap3A_478 = arith.constant 16 : index
          %swap3A_479 = tpu.vector_load %arg18[%swap3A_478] {strides = array<i32>} : memref<32xi32, #tpu.memory_space<vmem>>, vector<16xi32>,
          tpu.vector_store %arg18[%swap3A_478], %masked_sort3A_471 {strides = array<i32>} : memref<32xi32, #tpu.memory_space<vmem>>, vector<16xi32>,
          %reduce_min3A = arith.constant true
          %reduce_min3A_480 = vector.broadcast %reduce_min3A : i1 to vector<16xi1>
          %reduce_min3A_481 = tpu.scan <min>, %masked_sort3A_470 masked %reduce_min3A_480 : vector<16xf32>, vector<16xi1> -> vector<16xf32>
          %reduce_min3A_482 = vector.extract %reduce_min3A_481[15] : f32 from vector<16xf32>
          %broadcast_in_dim3A_483 = vector.broadcast %reduce_min3A_482 : f32 to vector<16xf32>
          %swap3A_484 = arith.constant 0 : index
          %swap3A_485 = tpu.vector_load %arg19[%swap3A_484] {strides = array<i32>} : memref<16xf32, #tpu.memory_space<vmem>>, vector<16xf32>,
          tpu.vector_store %arg19[%swap3A_484], %broadcast_in_dim3A_483 {strides = array<i32>} : memref<16xf32, #tpu.memory_space<vmem>>, vector<16xf32>,
        } else {
        }
      }
      %scan3A_131 = arith.constant 32 : i32
      %add3A_132 = arith.constant 2 : i32
      %add3A_133 = arith.addi %add3A_115, %add3A_132 : i32
      %lt3A_134 = arith.constant 30 : i32
      %lt3A_135 = arith.cmpi slt, %add3A_133, %lt3A_134 : i32
      %convert_element_type3A_136 = arith.extui %lt3A_135 : i1 to i32
      %cond3A_137 = arith.constant 0 : i32
      %cond3A_138 = arith.cmpi ne, %convert_element_type3A_136, %cond3A_137 : i32
      scf.if %cond3A_138 {
        %mul3A_139 = arith.constant 512 : i32
        %mul3A_140 = arith.muli %add3A_133, %mul3A_139 : i32
        %add3A_141 = arith.addi %mul3A_2, %mul3A_140 : i32
        %mul3A_142 = arith.constant 20 : i32
        %mul3A_143 = arith.muli %add3A_141, %mul3A_142 : i32
        %dma_start3A_144 = tpu.memref_slice %arg2[%mul3A_143] : memref<10000000xi32, #tpu.memory_space<hbm>> -> memref<10240xi32, #tpu.memory_space<hbm>>
        %dma_start3A_145 = tpu.memref_slice %arg2[%mul3A_143] : memref<10000000xi32, #tpu.memory_space<hbm>> -> memref<10240xi32, #tpu.memory_space<hbm>>
        tpu.enqueue_dma source(%dma_start3A_145 : memref<10240xi32, #tpu.memory_space<hbm>>) target(%arg10 : memref<10240xi32, #tpu.memory_space<vmem>>) target_semaphore(%arg21 : memref<!tpu.dma_semaphore, #tpu.memory_space<semaphore_mem>>)
        %dma_start3A_146 = tpu.memref_slice %arg3[%add3A_141] : memref<500000xi32, #tpu.memory_space<hbm>> -> memref<512xi32, #tpu.memory_space<hbm>>
        %dma_start3A_147 = tpu.memref_slice %arg3[%add3A_141] : memref<500000xi32, #tpu.memory_space<hbm>> -> memref<512xi32, #tpu.memory_space<hbm>>
        tpu.enqueue_dma source(%dma_start3A_147 : memref<512xi32, #tpu.memory_space<hbm>>) target(%arg12 : memref<512xi32, #tpu.memory_space<vmem>>) target_semaphore(%arg21 : memref<!tpu.dma_semaphore, #tpu.memory_space<semaphore_mem>>)
      } else {
      }
    }
    %scan3A_76 = arith.constant 15 : i32
    %add3A_77 = arith.constant 15360 : i32
    %add3A_78 = arith.addi %mul3A_2, %add3A_77 : i32
    %min3A = arith.constant 499728 : i32
    %min3A_79 = arith.minsi %add3A_78, %min3A : i32
    %mul3A_80 = arith.constant 20 : i32
    %mul3A_81 = arith.muli %min3A_79, %mul3A_80 : i32
    "tpu.region"() ({
      %run_scoped3A = tpu.sem_alloc : memref<!tpu.dma_semaphore, #tpu.memory_space<semaphore_mem>>
      %dma_start3A_87 = tpu.memref_slice %arg2[%mul3A_81] : memref<10000000xi32, #tpu.memory_space<hbm>> -> memref<5440xi32, #tpu.memory_space<hbm>>
      %dma_start3A_88 = tpu.memref_slice %arg2[%mul3A_81] : memref<10000000xi32, #tpu.memory_space<hbm>> -> memref<5440xi32, #tpu.memory_space<hbm>>
      tpu.enqueue_dma source(%dma_start3A_88 : memref<5440xi32, #tpu.memory_space<hbm>>) target(%arg13 : memref<5440xi32, #tpu.memory_space<vmem>>) target_semaphore(%run_scoped3A : memref<!tpu.dma_semaphore, #tpu.memory_space<semaphore_mem>>)
      %dma_wait3A = tpu.memref_slice %arg2[%mul3A_81] : memref<10000000xi32, #tpu.memory_space<hbm>> -> memref<5440xi32, #tpu.memory_space<hbm>>
      %dma_wait3A_89 = tpu.memref_slice %arg2[%mul3A_81] : memref<10000000xi32, #tpu.memory_space<hbm>> -> memref<5440xi32, #tpu.memory_space<hbm>>
      tpu.wait_dma2 semaphore(%run_scoped3A : memref<!tpu.dma_semaphore, #tpu.memory_space<semaphore_mem>>) src(%dma_wait3A_89 : memref<5440xi32, #tpu.memory_space<hbm>>) dst(%arg13 : memref<5440xi32, #tpu.memory_space<vmem>>)
      tpu.yield
    }) : () -> ()
    "tpu.region"() ({
      %run_scoped3A = tpu.sem_alloc : memref<!tpu.dma_semaphore, #tpu.memory_space<semaphore_mem>>
      %dma_start3A_87 = tpu.memref_slice %arg3[%min3A_79] : memref<500000xi32, #tpu.memory_space<hbm>> -> memref<272xi32, #tpu.memory_space<hbm>>
      %dma_start3A_88 = tpu.memref_slice %arg3[%min3A_79] : memref<500000xi32, #tpu.memory_space<hbm>> -> memref<272xi32, #tpu.memory_space<hbm>>
      tpu.enqueue_dma source(%dma_start3A_88 : memref<272xi32, #tpu.memory_space<hbm>>) target(%arg14 : memref<272xi32, #tpu.memory_space<vmem>>) target_semaphore(%run_scoped3A : memref<!tpu.dma_semaphore, #tpu.memory_space<semaphore_mem>>)
      %dma_wait3A = tpu.memref_slice %arg3[%min3A_79] : memref<500000xi32, #tpu.memory_space<hbm>> -> memref<272xi32, #tpu.memory_space<hbm>>
      %dma_wait3A_89 = tpu.memref_slice %arg3[%min3A_79] : memref<500000xi32, #tpu.memory_space<hbm>> -> memref<272xi32, #tpu.memory_space<hbm>>
      tpu.wait_dma2 semaphore(%run_scoped3A : memref<!tpu.dma_semaphore, #tpu.memory_space<semaphore_mem>>) src(%dma_wait3A_89 : memref<272xi32, #tpu.memory_space<hbm>>) dst(%arg14 : memref<272xi32, #tpu.memory_space<vmem>>)
      tpu.yield
    }) : () -> ()
    %scan3A_82 = arith.constant 0 : i32
    %scan3A_83 = arith.constant 17 : i32
    %scan3A_84 = arith.addi %scan3A_82, %scan3A_83 : i32
    %scan3A_85 = arith.constant 1 : i32
    scf.for %scan3A_87 = %scan3A_82 to %scan3A_84 step %scan3A_85  : i32 {
      %mul3A_88 = arith.constant 1 : i32
      %mul3A_89 = arith.muli %scan3A_87, %mul3A_88 : i32
      %add3A_90 = arith.constant 0 : i32
      %add3A_91 = arith.addi %add3A_90, %mul3A_89 : i32
      %mul3A_92 = arith.constant 16 : i32
      %mul3A_93 = arith.muli %add3A_91, %mul3A_92 : i32
      %get3A_94 = arith.index_cast %mul3A_93 : i32 to index
      %get3A_95 = tpu.vector_load %arg14[%get3A_94] {strides = array<i32>} : memref<272xi32, #tpu.memory_space<vmem>>, vector<16xi32>,
      %mul3A_96 = arith.constant 320 : i32
      %mul3A_97 = arith.muli %add3A_91, %mul3A_96 : i32
      %add3A_98 = vector.broadcast %mul3A_97 : i32 to vector<16xi32>
      %add3A_99 = arith.addi %add3A_98, %mul3A_5 : vector<16xi32>
      %broadcast_in_dim3A_100 = arith.constant 0.000000e+00 : f32
      %broadcast_in_dim3A_101 = vector.broadcast %broadcast_in_dim3A_100 : f32 to vector<16xf32>
      %add3A_102 = arith.constant 0 : i32
      %add3A_103 = vector.broadcast %add3A_102 : i32 to vector<16xi32>
      %add3A_104 = arith.addi %add3A_99, %add3A_103 : vector<16xi32>
      %gather3A_105 = tpu.vector_load_idx %arg13[%add3A_104] : memref<5440xi32, #tpu.memory_space<vmem>>[vector<16xi32>], vector<16xi32>,
      %gather3A_106 = tpu.vector_load_idx %arg8[%gather3A_105] : memref<100000xf32, #tpu.memory_space<vmem>>[vector<16xi32>], vector<16xf32>,
      %gt3A = arith.constant 0 : i32
      %gt3A_107 = vector.broadcast %gt3A : i32 to vector<16xi32>
      %gt3A_108 = arith.cmpi sgt, %get3A_95, %gt3A_107 : vector<16xi32>
      %jit3A_109 = arith.constant 0.000000e+00 : f32
      %broadcast_in_dim3A_110 = vector.broadcast %jit3A_109 : f32 to vector<16xf32>
      %select_n3A_111 = arith.select %gt3A_108, %gather3A_106, %broadcast_in_dim3A_110 : vector<16xi1>, vector<16xf32>
      %add3A_112 = arith.addf %broadcast_in_dim3A_101, %select_n3A_111 : vector<16xf32>
      %add3A_113 = arith.constant 1 : i32
      %add3A_114 = vector.broadcast %add3A_113 : i32 to vector<16xi32>
      %add3A_115 = arith.addi %add3A_99, %add3A_114 : vector<16xi32>
      %gather3A_116 = tpu.vector_load_idx %arg13[%add3A_115] : memref<5440xi32, #tpu.memory_space<vmem>>[vector<16xi32>], vector<16xi32>,
      %gather3A_117 = tpu.vector_load_idx %arg8[%gather3A_116] : memref<100000xf32, #tpu.memory_space<vmem>>[vector<16xi32>], vector<16xf32>,
      %gt3A_118 = arith.constant 1 : i32
      %gt3A_119 = vector.broadcast %gt3A_118 : i32 to vector<16xi32>
      %gt3A_120 = arith.cmpi sgt, %get3A_95, %gt3A_119 : vector<16xi32>
      %jit3A_121 = arith.constant 0.000000e+00 : f32
      %broadcast_in_dim3A_122 = vector.broadcast %jit3A_121 : f32 to vector<16xf32>
      %select_n3A_123 = arith.select %gt3A_120, %gather3A_117, %broadcast_in_dim3A_122 : vector<16xi1>, vector<16xf32>
      %add3A_124 = arith.addf %add3A_112, %select_n3A_123 : vector<16xf32>
      %add3A_125 = arith.constant 2 : i32
      %add3A_126 = vector.broadcast %add3A_125 : i32 to vector<16xi32>
      %add3A_127 = arith.addi %add3A_99, %add3A_126 : vector<16xi32>
      %gather3A_128 = tpu.vector_load_idx %arg13[%add3A_127] : memref<5440xi32, #tpu.memory_space<vmem>>[vector<16xi32>], vector<16xi32>,
      %gather3A_129 = tpu.vector_load_idx %arg8[%gather3A_128] : memref<100000xf32, #tpu.memory_space<vmem>>[vector<16xi32>], vector<16xf32>,
      %gt3A_130 = arith.constant 2 : i32
      %gt3A_131 = vector.broadcast %gt3A_130 : i32 to vector<16xi32>
      %gt3A_132 = arith.cmpi sgt, %get3A_95, %gt3A_131 : vector<16xi32>
      %jit3A_133 = arith.constant 0.000000e+00 : f32
      %broadcast_in_dim3A_134 = vector.broadcast %jit3A_133 : f32 to vector<16xf32>
      %select_n3A_135 = arith.select %gt3A_132, %gather3A_129, %broadcast_in_dim3A_134 : vector<16xi1>, vector<16xf32>
      %add3A_136 = arith.addf %add3A_124, %select_n3A_135 : vector<16xf32>
      %add3A_137 = arith.constant 3 : i32
      %add3A_138 = vector.broadcast %add3A_137 : i32 to vector<16xi32>
      %add3A_139 = arith.addi %add3A_99, %add3A_138 : vector<16xi32>
      %gather3A_140 = tpu.vector_load_idx %arg13[%add3A_139] : memref<5440xi32, #tpu.memory_space<vmem>>[vector<16xi32>], vector<16xi32>,
      %gather3A_141 = tpu.vector_load_idx %arg8[%gather3A_140] : memref<100000xf32, #tpu.memory_space<vmem>>[vector<16xi32>], vector<16xf32>,
      %gt3A_142 = arith.constant 3 : i32
      %gt3A_143 = vector.broadcast %gt3A_142 : i32 to vector<16xi32>
      %gt3A_144 = arith.cmpi sgt, %get3A_95, %gt3A_143 : vector<16xi32>
      %jit3A_145 = arith.constant 0.000000e+00 : f32
      %broadcast_in_dim3A_146 = vector.broadcast %jit3A_145 : f32 to vector<16xf32>
      %select_n3A_147 = arith.select %gt3A_144, %gather3A_141, %broadcast_in_dim3A_146 : vector<16xi1>, vector<16xf32>
      %add3A_148 = arith.addf %add3A_136, %select_n3A_147 : vector<16xf32>
      %add3A_149 = arith.constant 4 : i32
      %add3A_150 = vector.broadcast %add3A_149 : i32 to vector<16xi32>
      %add3A_151 = arith.addi %add3A_99, %add3A_150 : vector<16xi32>
      %gather3A_152 = tpu.vector_load_idx %arg13[%add3A_151] : memref<5440xi32, #tpu.memory_space<vmem>>[vector<16xi32>], vector<16xi32>,
      %gather3A_153 = tpu.vector_load_idx %arg8[%gather3A_152] : memref<100000xf32, #tpu.memory_space<vmem>>[vector<16xi32>], vector<16xf32>,
      %gt3A_154 = arith.constant 4 : i32
      %gt3A_155 = vector.broadcast %gt3A_154 : i32 to vector<16xi32>
      %gt3A_156 = arith.cmpi sgt, %get3A_95, %gt3A_155 : vector<16xi32>
      %jit3A_157 = arith.constant 0.000000e+00 : f32
      %broadcast_in_dim3A_158 = vector.broadcast %jit3A_157 : f32 to vector<16xf32>
      %select_n3A_159 = arith.select %gt3A_156, %gather3A_153, %broadcast_in_dim3A_158 : vector<16xi1>, vector<16xf32>
      %add3A_160 = arith.addf %add3A_148, %select_n3A_159 : vector<16xf32>
      %add3A_161 = arith.constant 5 : i32
      %add3A_162 = vector.broadcast %add3A_161 : i32 to vector<16xi32>
      %add3A_163 = arith.addi %add3A_99, %add3A_162 : vector<16xi32>
      %gather3A_164 = tpu.vector_load_idx %arg13[%add3A_163] : memref<5440xi32, #tpu.memory_space<vmem>>[vector<16xi32>], vector<16xi32>,
      %gather3A_165 = tpu.vector_load_idx %arg8[%gather3A_164] : memref<100000xf32, #tpu.memory_space<vmem>>[vector<16xi32>], vector<16xf32>,
      %gt3A_166 = arith.constant 5 : i32
      %gt3A_167 = vector.broadcast %gt3A_166 : i32 to vector<16xi32>
      %gt3A_168 = arith.cmpi sgt, %get3A_95, %gt3A_167 : vector<16xi32>
      %jit3A_169 = arith.constant 0.000000e+00 : f32
      %broadcast_in_dim3A_170 = vector.broadcast %jit3A_169 : f32 to vector<16xf32>
      %select_n3A_171 = arith.select %gt3A_168, %gather3A_165, %broadcast_in_dim3A_170 : vector<16xi1>, vector<16xf32>
      %add3A_172 = arith.addf %add3A_160, %select_n3A_171 : vector<16xf32>
      %add3A_173 = arith.constant 6 : i32
      %add3A_174 = vector.broadcast %add3A_173 : i32 to vector<16xi32>
      %add3A_175 = arith.addi %add3A_99, %add3A_174 : vector<16xi32>
      %gather3A_176 = tpu.vector_load_idx %arg13[%add3A_175] : memref<5440xi32, #tpu.memory_space<vmem>>[vector<16xi32>], vector<16xi32>,
      %gather3A_177 = tpu.vector_load_idx %arg8[%gather3A_176] : memref<100000xf32, #tpu.memory_space<vmem>>[vector<16xi32>], vector<16xf32>,
      %gt3A_178 = arith.constant 6 : i32
      %gt3A_179 = vector.broadcast %gt3A_178 : i32 to vector<16xi32>
      %gt3A_180 = arith.cmpi sgt, %get3A_95, %gt3A_179 : vector<16xi32>
      %jit3A_181 = arith.constant 0.000000e+00 : f32
      %broadcast_in_dim3A_182 = vector.broadcast %jit3A_181 : f32 to vector<16xf32>
      %select_n3A_183 = arith.select %gt3A_180, %gather3A_177, %broadcast_in_dim3A_182 : vector<16xi1>, vector<16xf32>
      %add3A_184 = arith.addf %add3A_172, %select_n3A_183 : vector<16xf32>
      %add3A_185 = arith.constant 7 : i32
      %add3A_186 = vector.broadcast %add3A_185 : i32 to vector<16xi32>
      %add3A_187 = arith.addi %add3A_99, %add3A_186 : vector<16xi32>
      %gather3A_188 = tpu.vector_load_idx %arg13[%add3A_187] : memref<5440xi32, #tpu.memory_space<vmem>>[vector<16xi32>], vector<16xi32>,
      %gather3A_189 = tpu.vector_load_idx %arg8[%gather3A_188] : memref<100000xf32, #tpu.memory_space<vmem>>[vector<16xi32>], vector<16xf32>,
      %gt3A_190 = arith.constant 7 : i32
      %gt3A_191 = vector.broadcast %gt3A_190 : i32 to vector<16xi32>
      %gt3A_192 = arith.cmpi sgt, %get3A_95, %gt3A_191 : vector<16xi32>
      %jit3A_193 = arith.constant 0.000000e+00 : f32
      %broadcast_in_dim3A_194 = vector.broadcast %jit3A_193 : f32 to vector<16xf32>
      %select_n3A_195 = arith.select %gt3A_192, %gather3A_189, %broadcast_in_dim3A_194 : vector<16xi1>, vector<16xf32>
      %add3A_196 = arith.addf %add3A_184, %select_n3A_195 : vector<16xf32>
      %add3A_197 = arith.constant 8 : i32
      %add3A_198 = vector.broadcast %add3A_197 : i32 to vector<16xi32>
      %add3A_199 = arith.addi %add3A_99, %add3A_198 : vector<16xi32>
      %gather3A_200 = tpu.vector_load_idx %arg13[%add3A_199] : memref<5440xi32, #tpu.memory_space<vmem>>[vector<16xi32>], vector<16xi32>,
      %gather3A_201 = tpu.vector_load_idx %arg8[%gather3A_200] : memref<100000xf32, #tpu.memory_space<vmem>>[vector<16xi32>], vector<16xf32>,
      %gt3A_202 = arith.constant 8 : i32
      %gt3A_203 = vector.broadcast %gt3A_202 : i32 to vector<16xi32>
      %gt3A_204 = arith.cmpi sgt, %get3A_95, %gt3A_203 : vector<16xi32>
      %jit3A_205 = arith.constant 0.000000e+00 : f32
      %broadcast_in_dim3A_206 = vector.broadcast %jit3A_205 : f32 to vector<16xf32>
      %select_n3A_207 = arith.select %gt3A_204, %gather3A_201, %broadcast_in_dim3A_206 : vector<16xi1>, vector<16xf32>
      %add3A_208 = arith.addf %add3A_196, %select_n3A_207 : vector<16xf32>
      %add3A_209 = arith.constant 9 : i32
      %add3A_210 = vector.broadcast %add3A_209 : i32 to vector<16xi32>
      %add3A_211 = arith.addi %add3A_99, %add3A_210 : vector<16xi32>
      %gather3A_212 = tpu.vector_load_idx %arg13[%add3A_211] : memref<5440xi32, #tpu.memory_space<vmem>>[vector<16xi32>], vector<16xi32>,
      %gather3A_213 = tpu.vector_load_idx %arg8[%gather3A_212] : memref<100000xf32, #tpu.memory_space<vmem>>[vector<16xi32>], vector<16xf32>,
      %gt3A_214 = arith.constant 9 : i32
      %gt3A_215 = vector.broadcast %gt3A_214 : i32 to vector<16xi32>
      %gt3A_216 = arith.cmpi sgt, %get3A_95, %gt3A_215 : vector<16xi32>
      %jit3A_217 = arith.constant 0.000000e+00 : f32
      %broadcast_in_dim3A_218 = vector.broadcast %jit3A_217 : f32 to vector<16xf32>
      %select_n3A_219 = arith.select %gt3A_216, %gather3A_213, %broadcast_in_dim3A_218 : vector<16xi1>, vector<16xf32>
      %add3A_220 = arith.addf %add3A_208, %select_n3A_219 : vector<16xf32>
      %add3A_221 = arith.constant 10 : i32
      %add3A_222 = vector.broadcast %add3A_221 : i32 to vector<16xi32>
      %add3A_223 = arith.addi %add3A_99, %add3A_222 : vector<16xi32>
      %gather3A_224 = tpu.vector_load_idx %arg13[%add3A_223] : memref<5440xi32, #tpu.memory_space<vmem>>[vector<16xi32>], vector<16xi32>,
      %gather3A_225 = tpu.vector_load_idx %arg8[%gather3A_224] : memref<100000xf32, #tpu.memory_space<vmem>>[vector<16xi32>], vector<16xf32>,
      %gt3A_226 = arith.constant 10 : i32
      %gt3A_227 = vector.broadcast %gt3A_226 : i32 to vector<16xi32>
      %gt3A_228 = arith.cmpi sgt, %get3A_95, %gt3A_227 : vector<16xi32>
      %jit3A_229 = arith.constant 0.000000e+00 : f32
      %broadcast_in_dim3A_230 = vector.broadcast %jit3A_229 : f32 to vector<16xf32>
      %select_n3A_231 = arith.select %gt3A_228, %gather3A_225, %broadcast_in_dim3A_230 : vector<16xi1>, vector<16xf32>
      %add3A_232 = arith.addf %add3A_220, %select_n3A_231 : vector<16xf32>
      %add3A_233 = arith.constant 11 : i32
      %add3A_234 = vector.broadcast %add3A_233 : i32 to vector<16xi32>
      %add3A_235 = arith.addi %add3A_99, %add3A_234 : vector<16xi32>
      %gather3A_236 = tpu.vector_load_idx %arg13[%add3A_235] : memref<5440xi32, #tpu.memory_space<vmem>>[vector<16xi32>], vector<16xi32>,
      %gather3A_237 = tpu.vector_load_idx %arg8[%gather3A_236] : memref<100000xf32, #tpu.memory_space<vmem>>[vector<16xi32>], vector<16xf32>,
      %gt3A_238 = arith.constant 11 : i32
      %gt3A_239 = vector.broadcast %gt3A_238 : i32 to vector<16xi32>
      %gt3A_240 = arith.cmpi sgt, %get3A_95, %gt3A_239 : vector<16xi32>
      %jit3A_241 = arith.constant 0.000000e+00 : f32
      %broadcast_in_dim3A_242 = vector.broadcast %jit3A_241 : f32 to vector<16xf32>
      %select_n3A_243 = arith.select %gt3A_240, %gather3A_237, %broadcast_in_dim3A_242 : vector<16xi1>, vector<16xf32>
      %add3A_244 = arith.addf %add3A_232, %select_n3A_243 : vector<16xf32>
      %add3A_245 = arith.constant 12 : i32
      %add3A_246 = vector.broadcast %add3A_245 : i32 to vector<16xi32>
      %add3A_247 = arith.addi %add3A_99, %add3A_246 : vector<16xi32>
      %gather3A_248 = tpu.vector_load_idx %arg13[%add3A_247] : memref<5440xi32, #tpu.memory_space<vmem>>[vector<16xi32>], vector<16xi32>,
      %gather3A_249 = tpu.vector_load_idx %arg8[%gather3A_248] : memref<100000xf32, #tpu.memory_space<vmem>>[vector<16xi32>], vector<16xf32>,
      %gt3A_250 = arith.constant 12 : i32
      %gt3A_251 = vector.broadcast %gt3A_250 : i32 to vector<16xi32>
      %gt3A_252 = arith.cmpi sgt, %get3A_95, %gt3A_251 : vector<16xi32>
      %jit3A_253 = arith.constant 0.000000e+00 : f32
      %broadcast_in_dim3A_254 = vector.broadcast %jit3A_253 : f32 to vector<16xf32>
      %select_n3A_255 = arith.select %gt3A_252, %gather3A_249, %broadcast_in_dim3A_254 : vector<16xi1>, vector<16xf32>
      %add3A_256 = arith.addf %add3A_244, %select_n3A_255 : vector<16xf32>
      %add3A_257 = arith.constant 13 : i32
      %add3A_258 = vector.broadcast %add3A_257 : i32 to vector<16xi32>
      %add3A_259 = arith.addi %add3A_99, %add3A_258 : vector<16xi32>
      %gather3A_260 = tpu.vector_load_idx %arg13[%add3A_259] : memref<5440xi32, #tpu.memory_space<vmem>>[vector<16xi32>], vector<16xi32>,
      %gather3A_261 = tpu.vector_load_idx %arg8[%gather3A_260] : memref<100000xf32, #tpu.memory_space<vmem>>[vector<16xi32>], vector<16xf32>,
      %gt3A_262 = arith.constant 13 : i32
      %gt3A_263 = vector.broadcast %gt3A_262 : i32 to vector<16xi32>
      %gt3A_264 = arith.cmpi sgt, %get3A_95, %gt3A_263 : vector<16xi32>
      %jit3A_265 = arith.constant 0.000000e+00 : f32
      %broadcast_in_dim3A_266 = vector.broadcast %jit3A_265 : f32 to vector<16xf32>
      %select_n3A_267 = arith.select %gt3A_264, %gather3A_261, %broadcast_in_dim3A_266 : vector<16xi1>, vector<16xf32>
      %add3A_268 = arith.addf %add3A_256, %select_n3A_267 : vector<16xf32>
      %add3A_269 = arith.constant 14 : i32
      %add3A_270 = vector.broadcast %add3A_269 : i32 to vector<16xi32>
      %add3A_271 = arith.addi %add3A_99, %add3A_270 : vector<16xi32>
      %gather3A_272 = tpu.vector_load_idx %arg13[%add3A_271] : memref<5440xi32, #tpu.memory_space<vmem>>[vector<16xi32>], vector<16xi32>,
      %gather3A_273 = tpu.vector_load_idx %arg8[%gather3A_272] : memref<100000xf32, #tpu.memory_space<vmem>>[vector<16xi32>], vector<16xf32>,
      %gt3A_274 = arith.constant 14 : i32
      %gt3A_275 = vector.broadcast %gt3A_274 : i32 to vector<16xi32>
      %gt3A_276 = arith.cmpi sgt, %get3A_95, %gt3A_275 : vector<16xi32>
      %jit3A_277 = arith.constant 0.000000e+00 : f32
      %broadcast_in_dim3A_278 = vector.broadcast %jit3A_277 : f32 to vector<16xf32>
      %select_n3A_279 = arith.select %gt3A_276, %gather3A_273, %broadcast_in_dim3A_278 : vector<16xi1>, vector<16xf32>
      %add3A_280 = arith.addf %add3A_268, %select_n3A_279 : vector<16xf32>
      %add3A_281 = arith.constant 15 : i32
      %add3A_282 = vector.broadcast %add3A_281 : i32 to vector<16xi32>
      %add3A_283 = arith.addi %add3A_99, %add3A_282 : vector<16xi32>
      %gather3A_284 = tpu.vector_load_idx %arg13[%add3A_283] : memref<5440xi32, #tpu.memory_space<vmem>>[vector<16xi32>], vector<16xi32>,
      %gather3A_285 = tpu.vector_load_idx %arg8[%gather3A_284] : memref<100000xf32, #tpu.memory_space<vmem>>[vector<16xi32>], vector<16xf32>,
      %gt3A_286 = arith.constant 15 : i32
      %gt3A_287 = vector.broadcast %gt3A_286 : i32 to vector<16xi32>
      %gt3A_288 = arith.cmpi sgt, %get3A_95, %gt3A_287 : vector<16xi32>
      %jit3A_289 = arith.constant 0.000000e+00 : f32
      %broadcast_in_dim3A_290 = vector.broadcast %jit3A_289 : f32 to vector<16xf32>
      %select_n3A_291 = arith.select %gt3A_288, %gather3A_285, %broadcast_in_dim3A_290 : vector<16xi1>, vector<16xf32>
      %add3A_292 = arith.addf %add3A_280, %select_n3A_291 : vector<16xf32>
      %add3A_293 = arith.constant 16 : i32
      %add3A_294 = vector.broadcast %add3A_293 : i32 to vector<16xi32>
      %add3A_295 = arith.addi %add3A_99, %add3A_294 : vector<16xi32>
      %gather3A_296 = tpu.vector_load_idx %arg13[%add3A_295] : memref<5440xi32, #tpu.memory_space<vmem>>[vector<16xi32>], vector<16xi32>,
      %gather3A_297 = tpu.vector_load_idx %arg8[%gather3A_296] : memref<100000xf32, #tpu.memory_space<vmem>>[vector<16xi32>], vector<16xf32>,
      %gt3A_298 = arith.constant 16 : i32
      %gt3A_299 = vector.broadcast %gt3A_298 : i32 to vector<16xi32>
      %gt3A_300 = arith.cmpi sgt, %get3A_95, %gt3A_299 : vector<16xi32>
      %jit3A_301 = arith.constant 0.000000e+00 : f32
      %broadcast_in_dim3A_302 = vector.broadcast %jit3A_301 : f32 to vector<16xf32>
      %select_n3A_303 = arith.select %gt3A_300, %gather3A_297, %broadcast_in_dim3A_302 : vector<16xi1>, vector<16xf32>
      %add3A_304 = arith.addf %add3A_292, %select_n3A_303 : vector<16xf32>
      %add3A_305 = arith.constant 17 : i32
      %add3A_306 = vector.broadcast %add3A_305 : i32 to vector<16xi32>
      %add3A_307 = arith.addi %add3A_99, %add3A_306 : vector<16xi32>
      %gather3A_308 = tpu.vector_load_idx %arg13[%add3A_307] : memref<5440xi32, #tpu.memory_space<vmem>>[vector<16xi32>], vector<16xi32>,
      %gather3A_309 = tpu.vector_load_idx %arg8[%gather3A_308] : memref<100000xf32, #tpu.memory_space<vmem>>[vector<16xi32>], vector<16xf32>,
      %gt3A_310 = arith.constant 17 : i32
      %gt3A_311 = vector.broadcast %gt3A_310 : i32 to vector<16xi32>
      %gt3A_312 = arith.cmpi sgt, %get3A_95, %gt3A_311 : vector<16xi32>
      %jit3A_313 = arith.constant 0.000000e+00 : f32
      %broadcast_in_dim3A_314 = vector.broadcast %jit3A_313 : f32 to vector<16xf32>
      %select_n3A_315 = arith.select %gt3A_312, %gather3A_309, %broadcast_in_dim3A_314 : vector<16xi1>, vector<16xf32>
      %add3A_316 = arith.addf %add3A_304, %select_n3A_315 : vector<16xf32>
      %add3A_317 = arith.constant 18 : i32
      %add3A_318 = vector.broadcast %add3A_317 : i32 to vector<16xi32>
      %add3A_319 = arith.addi %add3A_99, %add3A_318 : vector<16xi32>
      %gather3A_320 = tpu.vector_load_idx %arg13[%add3A_319] : memref<5440xi32, #tpu.memory_space<vmem>>[vector<16xi32>], vector<16xi32>,
      %gather3A_321 = tpu.vector_load_idx %arg8[%gather3A_320] : memref<100000xf32, #tpu.memory_space<vmem>>[vector<16xi32>], vector<16xf32>,
      %gt3A_322 = arith.constant 18 : i32
      %gt3A_323 = vector.broadcast %gt3A_322 : i32 to vector<16xi32>
      %gt3A_324 = arith.cmpi sgt, %get3A_95, %gt3A_323 : vector<16xi32>
      %jit3A_325 = arith.constant 0.000000e+00 : f32
      %broadcast_in_dim3A_326 = vector.broadcast %jit3A_325 : f32 to vector<16xf32>
      %select_n3A_327 = arith.select %gt3A_324, %gather3A_321, %broadcast_in_dim3A_326 : vector<16xi1>, vector<16xf32>
      %add3A_328 = arith.addf %add3A_316, %select_n3A_327 : vector<16xf32>
      %add3A_329 = arith.constant 19 : i32
      %add3A_330 = vector.broadcast %add3A_329 : i32 to vector<16xi32>
      %add3A_331 = arith.addi %add3A_99, %add3A_330 : vector<16xi32>
      %gather3A_332 = tpu.vector_load_idx %arg13[%add3A_331] : memref<5440xi32, #tpu.memory_space<vmem>>[vector<16xi32>], vector<16xi32>,
      %gather3A_333 = tpu.vector_load_idx %arg8[%gather3A_332] : memref<100000xf32, #tpu.memory_space<vmem>>[vector<16xi32>], vector<16xf32>,
      %gt3A_334 = arith.constant 19 : i32
      %gt3A_335 = vector.broadcast %gt3A_334 : i32 to vector<16xi32>
      %gt3A_336 = arith.cmpi sgt, %get3A_95, %gt3A_335 : vector<16xi32>
      %jit3A_337 = arith.constant 0.000000e+00 : f32
      %broadcast_in_dim3A_338 = vector.broadcast %jit3A_337 : f32 to vector<16xf32>
      %select_n3A_339 = arith.select %gt3A_336, %gather3A_333, %broadcast_in_dim3A_338 : vector<16xi1>, vector<16xf32>
      %add3A_340 = arith.addf %add3A_328, %select_n3A_339 : vector<16xf32>
      %gather3A_341 = tpu.vector_load_idx %arg16[%get3A_95] : memref<32xf32, #tpu.memory_space<vmem>>[vector<16xi32>], vector<16xf32>,
      %add3A_342 = arith.addf %add3A_340, %gather3A_341 : vector<16xf32>
      %mul3A_343 = arith.constant 16 : i32
      %mul3A_344 = arith.muli %add3A_91, %mul3A_343 : i32
      %add3A_345 = arith.addi %min3A_79, %mul3A_344 : i32
      %add3A_346 = vector.broadcast %add3A_345 : i32 to vector<16xi32>
      %add3A_347 = arith.addi %add3A_346, %iota3A : vector<16xi32>
      %ge3A = vector.broadcast %add3A_78 : i32 to vector<16xi32>
      %ge3A_348 = arith.cmpi sge, %add3A_347, %ge3A : vector<16xi32>
      %jit3A_349 = arith.constant 0xFF800000 : f32
      %broadcast_in_dim3A_350 = vector.broadcast %jit3A_349 : f32 to vector<16xf32>
      %select_n3A_351 = arith.select %ge3A_348, %add3A_342, %broadcast_in_dim3A_350 : vector<16xi1>, vector<16xf32>
      %get3A_352 = arith.constant 0 : index
      %get3A_353 = tpu.vector_load %arg19[%get3A_352] {strides = array<i32>} : memref<16xf32, #tpu.memory_space<vmem>>, vector<16xf32>,
      %gt3A_354 = arith.cmpf ogt, %select_n3A_351, %get3A_353 : vector<16xf32>
      %reduce_or3A = arith.constant 1.000000e+00 : f32
      %reduce_or3A_355 = arith.constant 0.000000e+00 : f32
      %reduce_or3A_356 = vector.broadcast %reduce_or3A : f32 to vector<16xf32>
      %reduce_or3A_357 = vector.broadcast %reduce_or3A_355 : f32 to vector<16xf32>
      %reduce_or3A_358 = arith.select %gt3A_354, %reduce_or3A_356, %reduce_or3A_357 : vector<16xi1>, vector<16xf32>
      %reduce_or3A_359 = arith.constant true
      %reduce_or3A_360 = vector.broadcast %reduce_or3A_359 : i1 to vector<16xi1>
      %reduce_or3A_361 = tpu.scan <max>, %reduce_or3A_358 masked %reduce_or3A_360 : vector<16xf32>, vector<16xi1> -> vector<16xf32>
      %reduce_or3A_362 = vector.extract %reduce_or3A_361[15] : f32 from vector<16xf32>
      %reduce_or3A_363 = arith.constant 0.000000e+00 : f32
      %reduce_or3A_364 = arith.cmpf ogt, %reduce_or3A_362, %reduce_or3A_363 : f32
      %convert_element_type3A = arith.extui %reduce_or3A_364 : i1 to i32
      %cond3A = arith.constant 0 : i32
      %cond3A_365 = arith.cmpi ne, %convert_element_type3A, %cond3A : i32
      scf.if %cond3A_365 {
        %masked_sort3A = arith.constant dense<true> : vector<16xi1>
        %masked_sort3A_366, %masked_sort3A_367, %masked_sort3A_368 = tpu.sort %select_n3A_351, %add3A_347 masked %masked_sort3A {descending = true} : (vector<16xf32>, vector<16xi32>, vector<16xi1>) -> (vector<16xi1>, vector<16xf32>, vector<16xi32>)
        %get3A_369 = arith.constant 0 : index
        %get3A_370 = tpu.vector_load %arg17[%get3A_369] {strides = array<i32>} : memref<32xf32, #tpu.memory_space<vmem>>, vector<16xf32>,
        %get3A_371 = arith.constant 16 : index
        %get3A_372 = tpu.vector_load %arg17[%get3A_371] {strides = array<i32>} : memref<32xf32, #tpu.memory_space<vmem>>, vector<16xf32>,
        %get3A_373 = arith.constant 0 : index
        %get3A_374 = tpu.vector_load %arg18[%get3A_373] {strides = array<i32>} : memref<32xi32, #tpu.memory_space<vmem>>, vector<16xi32>,
        %get3A_375 = arith.constant 16 : index
        %get3A_376 = tpu.vector_load %arg18[%get3A_375] {strides = array<i32>} : memref<32xi32, #tpu.memory_space<vmem>>, vector<16xi32>,
        %rev3A_377 = arith.constant 15 : i32
        %rev3A_378 = vector.broadcast %rev3A_377 : i32 to vector<16xi32>
        %rev3A_379 = tpu.iota {dimensions = array<i32: 0>} : vector<16xi32>
        %rev3A_380 = arith.subi %rev3A_378, %rev3A_379 : vector<16xi32>
        %rev3A_381 = tpu.dynamic_gather %masked_sort3A_367[%rev3A_380] in [0] : vector<16xf32>, vector<16xi32> -> vector<16xf32>
        %rev3A_382 = arith.constant 15 : i32
        %rev3A_383 = vector.broadcast %rev3A_382 : i32 to vector<16xi32>
        %rev3A_384 = tpu.iota {dimensions = array<i32: 0>} : vector<16xi32>
        %rev3A_385 = arith.subi %rev3A_383, %rev3A_384 : vector<16xi32>
        %rev3A_386 = tpu.dynamic_gather %masked_sort3A_368[%rev3A_385] in [0] : vector<16xi32>, vector<16xi32> -> vector<16xi32>
        %gt3A_387 = arith.cmpf ogt, %get3A_372, %rev3A_381 : vector<16xf32>
        %eq3A = arith.cmpf oeq, %get3A_372, %rev3A_381 : vector<16xf32>
        %lt3A_388 = arith.cmpi slt, %get3A_376, %rev3A_386 : vector<16xi32>
        %and3A = arith.andi %eq3A, %lt3A_388 : vector<16xi1>
        %or3A = arith.ori %gt3A_387, %and3A : vector<16xi1>
        %select_n3A_389 = arith.select %or3A, %get3A_372, %rev3A_381 : vector<16xi1>, vector<16xf32>
        %select_n3A_390 = arith.select %or3A, %get3A_376, %rev3A_386 : vector<16xi1>, vector<16xi32>
        %masked_sort3A_391 = arith.constant dense<true> : vector<16xi1>
        %masked_sort3A_392, %masked_sort3A_393, %masked_sort3A_394 = tpu.sort %select_n3A_389, %select_n3A_390 masked %masked_sort3A_391 {descending = true} : (vector<16xf32>, vector<16xi32>, vector<16xi1>) -> (vector<16xi1>, vector<16xf32>, vector<16xi32>)
        %rev3A_395 = arith.constant 15 : i32
        %rev3A_396 = vector.broadcast %rev3A_395 : i32 to vector<16xi32>
        %rev3A_397 = tpu.iota {dimensions = array<i32: 0>} : vector<16xi32>
        %rev3A_398 = arith.subi %rev3A_396, %rev3A_397 : vector<16xi32>
        %rev3A_399 = tpu.dynamic_gather %masked_sort3A_393[%rev3A_398] in [0] : vector<16xf32>, vector<16xi32> -> vector<16xf32>
        %rev3A_400 = arith.constant 15 : i32
        %rev3A_401 = vector.broadcast %rev3A_400 : i32 to vector<16xi32>
        %rev3A_402 = tpu.iota {dimensions = array<i32: 0>} : vector<16xi32>
        %rev3A_403 = arith.subi %rev3A_401, %rev3A_402 : vector<16xi32>
        %rev3A_404 = tpu.dynamic_gather %masked_sort3A_394[%rev3A_403] in [0] : vector<16xi32>, vector<16xi32> -> vector<16xi32>
        %gt3A_405 = arith.cmpf ogt, %get3A_370, %rev3A_399 : vector<16xf32>
        %eq3A_406 = arith.cmpf oeq, %get3A_370, %rev3A_399 : vector<16xf32>
        %lt3A_407 = arith.cmpi slt, %get3A_374, %rev3A_404 : vector<16xi32>
        %and3A_408 = arith.andi %eq3A_406, %lt3A_407 : vector<16xi1>
        %or3A_409 = arith.ori %gt3A_405, %and3A_408 : vector<16xi1>
        %select_n3A_410 = arith.select %or3A_409, %get3A_370, %rev3A_399 : vector<16xi1>, vector<16xf32>
        %select_n3A_411 = arith.select %or3A_409, %get3A_374, %rev3A_404 : vector<16xi1>, vector<16xi32>
        %select_n3A_412 = arith.select %or3A_409, %rev3A_399, %get3A_370 : vector<16xi1>, vector<16xf32>
        %select_n3A_413 = arith.select %or3A_409, %rev3A_404, %get3A_374 : vector<16xi1>, vector<16xi32>
        %masked_sort3A_414 = arith.constant dense<true> : vector<16xi1>
        %masked_sort3A_415, %masked_sort3A_416, %masked_sort3A_417 = tpu.sort %select_n3A_410, %select_n3A_411 masked %masked_sort3A_414 {descending = true} : (vector<16xf32>, vector<16xi32>, vector<16xi1>) -> (vector<16xi1>, vector<16xf32>, vector<16xi32>)
        %masked_sort3A_418 = arith.constant dense<true> : vector<16xi1>
        %masked_sort3A_419, %masked_sort3A_420, %masked_sort3A_421 = tpu.sort %select_n3A_412, %select_n3A_413 masked %masked_sort3A_418 {descending = true} : (vector<16xf32>, vector<16xi32>, vector<16xi1>) -> (vector<16xi1>, vector<16xf32>, vector<16xi32>)
        %swap3A_422 = arith.constant 0 : index
        %swap3A_423 = tpu.vector_load %arg17[%swap3A_422] {strides = array<i32>} : memref<32xf32, #tpu.memory_space<vmem>>, vector<16xf32>,
        tpu.vector_store %arg17[%swap3A_422], %masked_sort3A_416 {strides = array<i32>} : memref<32xf32, #tpu.memory_space<vmem>>, vector<16xf32>,
        %swap3A_424 = arith.constant 16 : index
        %swap3A_425 = tpu.vector_load %arg17[%swap3A_424] {strides = array<i32>} : memref<32xf32, #tpu.memory_space<vmem>>, vector<16xf32>,
        tpu.vector_store %arg17[%swap3A_424], %masked_sort3A_420 {strides = array<i32>} : memref<32xf32, #tpu.memory_space<vmem>>, vector<16xf32>,
        %swap3A_426 = arith.constant 0 : index
        %swap3A_427 = tpu.vector_load %arg18[%swap3A_426] {strides = array<i32>} : memref<32xi32, #tpu.memory_space<vmem>>, vector<16xi32>,
        tpu.vector_store %arg18[%swap3A_426], %masked_sort3A_417 {strides = array<i32>} : memref<32xi32, #tpu.memory_space<vmem>>, vector<16xi32>,
        %swap3A_428 = arith.constant 16 : index
        %swap3A_429 = tpu.vector_load %arg18[%swap3A_428] {strides = array<i32>} : memref<32xi32, #tpu.memory_space<vmem>>, vector<16xi32>,
        tpu.vector_store %arg18[%swap3A_428], %masked_sort3A_421 {strides = array<i32>} : memref<32xi32, #tpu.memory_space<vmem>>, vector<16xi32>,
        %reduce_min3A = arith.constant true
        %reduce_min3A_430 = vector.broadcast %reduce_min3A : i1 to vector<16xi1>
        %reduce_min3A_431 = tpu.scan <min>, %masked_sort3A_420 masked %reduce_min3A_430 : vector<16xf32>, vector<16xi1> -> vector<16xf32>
        %reduce_min3A_432 = vector.extract %reduce_min3A_431[15] : f32 from vector<16xf32>
        %broadcast_in_dim3A_433 = vector.broadcast %reduce_min3A_432 : f32 to vector<16xf32>
        %swap3A_434 = arith.constant 0 : index
        %swap3A_435 = tpu.vector_load %arg19[%swap3A_434] {strides = array<i32>} : memref<16xf32, #tpu.memory_space<vmem>>, vector<16xf32>,
        tpu.vector_store %arg19[%swap3A_434], %broadcast_in_dim3A_433 {strides = array<i32>} : memref<16xf32, #tpu.memory_space<vmem>>, vector<16xf32>,
      } else {
      }
    }
    %scan3A_86 = arith.constant 17 : i32
    "tpu.region"() ({
      %run_scoped3A = tpu.sem_alloc : memref<!tpu.dma_semaphore, #tpu.memory_space<semaphore_mem>>
      %dma_start3A_87 = arith.constant 0 : i32
      %dma_start3A_88 = tpu.memref_slice %arg6[%add3A, %dma_start3A_87] : memref<32x32xf32, #tpu.memory_space<hbm>> -> memref<1x32xf32, #tpu.memory_space<hbm>>
      %dma_start3A_89 = tpu.memref_squeeze %dma_start3A_88 : memref<1x32xf32, #tpu.memory_space<hbm>> -> memref<32xf32, #tpu.memory_space<hbm>>
      %dma_start3A_90 = arith.constant 0 : i32
      %dma_start3A_91 = tpu.memref_slice %arg6[%add3A, %dma_start3A_90] : memref<32x32xf32, #tpu.memory_space<hbm>> -> memref<1x32xf32, #tpu.memory_space<hbm>>
      %dma_start3A_92 = tpu.memref_squeeze %dma_start3A_91 : memref<1x32xf32, #tpu.memory_space<hbm>> -> memref<32xf32, #tpu.memory_space<hbm>>
      tpu.enqueue_dma source(%arg17 : memref<32xf32, #tpu.memory_space<vmem>>) target(%dma_start3A_92 : memref<32xf32, #tpu.memory_space<hbm>>) target_semaphore(%run_scoped3A : memref<!tpu.dma_semaphore, #tpu.memory_space<semaphore_mem>>)
      %dma_wait3A = arith.constant 0 : i32
      %dma_wait3A_93 = tpu.memref_slice %arg6[%add3A, %dma_wait3A] : memref<32x32xf32, #tpu.memory_space<hbm>> -> memref<1x32xf32, #tpu.memory_space<hbm>>
      %dma_wait3A_94 = tpu.memref_squeeze %dma_wait3A_93 : memref<1x32xf32, #tpu.memory_space<hbm>> -> memref<32xf32, #tpu.memory_space<hbm>>
      %dma_wait3A_95 = arith.constant 0 : i32
      %dma_wait3A_96 = tpu.memref_slice %arg6[%add3A, %dma_wait3A_95] : memref<32x32xf32, #tpu.memory_space<hbm>> -> memref<1x32xf32, #tpu.memory_space<hbm>>
      %dma_wait3A_97 = tpu.memref_squeeze %dma_wait3A_96 : memref<1x32xf32, #tpu.memory_space<hbm>> -> memref<32xf32, #tpu.memory_space<hbm>>
      tpu.wait_dma2 semaphore(%run_scoped3A : memref<!tpu.dma_semaphore, #tpu.memory_space<semaphore_mem>>) src(%arg17 : memref<32xf32, #tpu.memory_space<vmem>>) dst(%dma_wait3A_97 : memref<32xf32, #tpu.memory_space<hbm>>)
      tpu.yield
    }) : () -> ()
    "tpu.region"() ({
      %run_scoped3A = tpu.sem_alloc : memref<!tpu.dma_semaphore, #tpu.memory_space<semaphore_mem>>
      %dma_start3A_87 = arith.constant 0 : i32
      %dma_start3A_88 = tpu.memref_slice %arg7[%add3A, %dma_start3A_87] : memref<32x32xi32, #tpu.memory_space<hbm>> -> memref<1x32xi32, #tpu.memory_space<hbm>>
      %dma_start3A_89 = tpu.memref_squeeze %dma_start3A_88 : memref<1x32xi32, #tpu.memory_space<hbm>> -> memref<32xi32, #tpu.memory_space<hbm>>
      %dma_start3A_90 = arith.constant 0 : i32
      %dma_start3A_91 = tpu.memref_slice %arg7[%add3A, %dma_start3A_90] : memref<32x32xi32, #tpu.memory_space<hbm>> -> memref<1x32xi32, #tpu.memory_space<hbm>>
      %dma_start3A_92 = tpu.memref_squeeze %dma_start3A_91 : memref<1x32xi32, #tpu.memory_space<hbm>> -> memref<32xi32, #tpu.memory_space<hbm>>
      tpu.enqueue_dma source(%arg18 : memref<32xi32, #tpu.memory_space<vmem>>) target(%dma_start3A_92 : memref<32xi32, #tpu.memory_space<hbm>>) target_semaphore(%run_scoped3A : memref<!tpu.dma_semaphore, #tpu.memory_space<semaphore_mem>>)
      %dma_wait3A = arith.constant 0 : i32
      %dma_wait3A_93 = tpu.memref_slice %arg7[%add3A, %dma_wait3A] : memref<32x32xi32, #tpu.memory_space<hbm>> -> memref<1x32xi32, #tpu.memory_space<hbm>>
      %dma_wait3A_94 = tpu.memref_squeeze %dma_wait3A_93 : memref<1x32xi32, #tpu.memory_space<hbm>> -> memref<32xi32, #tpu.memory_space<hbm>>
      %dma_wait3A_95 = arith.constant 0 : i32
      %dma_wait3A_96 = tpu.memref_slice %arg7[%add3A, %dma_wait3A_95] : memref<32x32xi32, #tpu.memory_space<hbm>> -> memref<1x32xi32, #tpu.memory_space<hbm>>
      %dma_wait3A_97 = tpu.memref_squeeze %dma_wait3A_96 : memref<1x32xi32, #tpu.memory_space<hbm>> -> memref<32xi32, #tpu.memory_space<hbm>>
      tpu.wait_dma2 semaphore(%run_scoped3A : memref<!tpu.dma_semaphore, #tpu.memory_space<semaphore_mem>>) src(%arg18 : memref<32xi32, #tpu.memory_space<vmem>>) dst(%dma_wait3A_97 : memref<32xi32, #tpu.memory_space<hbm>>)
      tpu.yield
    }) : () -> ()
    return
  }
}

</mosaic_0001>

<sc_bundles>
// kernel: _phase1.3.cloned.1.call-start
scs
__scs_entry_jumppad:
0x0: {  	(pc) =	sbr.rel $0x88, $3  }
0x1: {  	(tag) =	ssettag $0x0;
	lr =	simm.s32 $0x1  }
0x2: {  	[smem:$0x3F9D] =	sst lr;
	_ =	strace $0xD0000000  }
0x3: {  	_ = 	snop  }
0x4: {  	_ = 	snop  }
0x5: {  	_ = 	snop  }
0x6: {  	_ = 	snop  }
0x7: {  	_ = 	snop  }
__scs_overlays_trampoline_lowered:
0x8: {  	[smem:$0x3FAC] =	sst s0  }
0x9: {  	[smem:$0x3FAD] =	sst s1  }
0xa: {  	[smem:$0x3FAE] =	sst s2  }
0xb: {  	[smem:$0x3FAF] =	sst s3  }
0xc: {  	[smem:$0x3FB0] =	sst s4  }
0xd: {  	[smem:$0x3FB1] =	sst s5  }
0xe: {  	[smem:$0x3FB2] =	sst s6  }
0xf: {  	[smem:$0x3FB3] =	sst s7  }
0x10: {  	[smem:$0x3FB4] =	sst s8  }
0x11: {  	[smem:$0x3FB5] =	sst s9;
	s0 =	simm.s32 @!p0 $0x0  }
0x12: {  	s1 =	sld [smem:$0x3F9B];
	s0 =	simm.s32 @p0 $0x1  }
0x13: {  	[smem:$0x3FB6] =	sst s0;
	s0 =	simm.s32 @!p1 $0x0  }
0x14: {  	s2 =	sld [smem:$0x3F9A];
	s0 =	simm.s32 @p1 $0x1  }
0x15: {  	[smem:$0x3FB7] =	sst s0;
	s0 =	simm.s32 @!p2 $0x0  }
0x16: {  	s3 =	sld [smem:$0x3FDB];
	s0 =	simm.s32 @p2 $0x1  }
0x17: {  	s4 =	simm.s32 $0x1BF5;
	[smem:$0x3FB9] =	sst s0  }
0x18: {  	s0 =	sld [smem:$0x3F9C];
	_ =	swait.ge [sflag:s4], $0x0  }
0x19: {  	s7 =	sld [smem:$0x3F9D]  }
0x1a: {  	s8 =	sadd.s32 $0xFFFFE003, lr  }
0x1b: {  	s9 =	sadd.s32 $0xFFFFFEF7, lr;
	s5 =	simm.s32 $0xFFFFFFFF;
	p2 =	slt.u32 s8, $0xFFFFF086  }
0x1c: {  	p1 =	slt.u32 s9, $0xF7A;
	s5 =	simm.s32 @!p2 $0x0  }
0x1d: {  	s5 =	simm.s32 @p1 $0x1;
	p0 =	seq.s32 s7, s2  }
0x1e: {  	s7 =	smul.u32 @!p0 $0xF7A, s2;
	p2 =	seq.s32 @!p0 s5, $0x0  }
0x1f: {  	s9 =	smul.u32 $0xF7A, s1;
	s8 =	simm.s32 @!p0 $0x1BF5;
	p2 =	por !p2, p0  }
0x20: {  	[sflag:s8] =	ssyncset.s32 @!p0 $0xFFFFF086;
	s6 =	sadd.s32 @!p0 s3, s7;
	s7 =	simm.s32 @!p0 $0x108  }
0x21: {  	s3 =	sadd.s32 s3, s9;
	s6 =	sadd.s32 @!p0 $0x88, s6;
	s7 =	simm.s32 @p2 $0x1082  }
0x22: {  	[simem:s7], [sflag:s8] =	dma.local @!p0 [hbm:s6], $0xF7A  }
0x23: {  	s9 =	sor.u32 $0xD0000000, s2;
	s6 =	simm.s32 $0x108;
	_ =	swait.ge @!p0 [sflag:s8], $0x0  }
0x24: {  	s3 =	sadd.s32 $0x88, s3;
	s6 =	simm.s32 @!p1 $0x1082;
	[sflag:s4] =	ssyncset.s32 $0xFFFFF086  }
0x25: {  	[simem:s6], [sflag:s4] =	dma.local [hbm:s3], $0xF7A  }
0x26: {  	[smem:$0x3F9D] =	sst s1;
	(tag) =	ssettag s2;
	_ =	strace s9  }
0x27: {  	s1 =	sld [smem:$0x3FAD]  }
0x28: {  	s2 =	sld [smem:$0x3FAE]  }
0x29: {  	s4 =	sld [smem:$0x3FB0]  }
0x2a: {  	p0 =	seq.s32 s5, $0x0;
	s5 =	sld [smem:$0x3FB1]  }
0x2b: {  	s6 =	sld [smem:$0x3FB2]  }
0x2c: {  	s7 =	sld [smem:$0x3FB3]  }
0x2d: {  	s3 =	simm.s32 $0x108;
	s8 =	sld [smem:$0x3FB4]  }
0x2e: {  	s3 =	simm.s32 @!p0 $0x1082;
	s9 =	sld [smem:$0x3FB5]  }
0x2f: {  	lr =	sadd.s32 s0, s3;
	s0 =	sld [smem:$0x3FAC]  }
0x30: {  	s3 =	sld [smem:$0x3FAF]  }
0x31: {  	[smem:$0x3FB8] =	sst s10  }
0x32: {  	s10 =	sld [smem:$0x3FB6];
	_ =	sdelay $0x3  }
0x33: {  	p0 =	seq.s32 s10, $0x1;
	s10 =	sld [smem:$0x3FB8];
	_ =	sdelay $0x3  }
0x34: {  	[smem:$0x3FB8] =	sst s10  }
0x35: {  	s10 =	sld [smem:$0x3FB7];
	_ =	sdelay $0x3  }
0x36: {  	p1 =	seq.s32 s10, $0x1;
	s10 =	sld [smem:$0x3FB8];
	_ =	sdelay $0x3  }
0x37: {  	[smem:$0x3FB8] =	sst s10  }
0x38: {  	s10 =	sld [smem:$0x3FB9]  }
0x39: {  	_ = 	snop;
	(pc) =	sbr.ind lr, $3  }
0x3a: {  	_ = 	snop  }
0x3b: {  	_ = 	snop  }
0x3c: {  	p2 =	seq.s32 s10, $0x1;
	s10 =	sld [smem:$0x3FB8]  }
0x3d: {  	_ =	shalt  }
0x3e: {  	_ =	shalt  }
0x3f: {  	_ =	shalt  }
0x40: {  	_ =	shalt  }
0x41: {  	_ =	shalt  }
0x42: {  	_ =	shalt  }
0x43: {  	_ =	shalt  }
0x44: {  	_ =	shalt  }
0x45: {  	_ =	shalt  }
0x46: {  	_ =	shalt  }
0x47: {  	_ =	shalt  }
0x48: {  	_ =	shalt  }
0x49: {  	_ =	shalt  }
0x4a: {  	_ =	shalt  }
0x4b: {  	_ =	shalt  }
0x4c: {  	_ =	shalt  }
0x4d: {  	_ =	shalt  }
0x4e: {  	_ =	shalt  }
0x4f: {  	_ =	shalt  }
0x50: {  	_ =	shalt  }
0x51: {  	_ =	shalt  }
0x52: {  	_ =	shalt  }
0x53: {  	_ =	shalt  }
0x54: {  	_ =	shalt  }
0x55: {  	_ =	shalt  }
0x56: {  	_ =	shalt  }
0x57: {  	_ =	shalt  }
0x58: {  	_ =	shalt  }
0x59: {  	_ =	shalt  }
0x5a: {  	_ =	shalt  }
0x5b: {  	_ =	shalt  }
0x5c: {  	_ =	shalt  }
0x5d: {  	_ =	shalt  }
0x5e: {  	_ =	shalt  }
0x5f: {  	_ =	shalt  }
0x60: {  	_ =	shalt  }
0x61: {  	_ =	shalt  }
0x62: {  	_ =	shalt  }
0x63: {  	_ =	shalt  }
0x64: {  	_ =	shalt  }
0x65: {  	_ =	shalt  }
0x66: {  	_ =	shalt  }
0x67: {  	_ =	shalt  }
0x68: {  	_ =	shalt  }
0x69: {  	_ =	shalt  }
0x6a: {  	_ =	shalt  }
0x6b: {  	_ =	shalt  }
0x6c: {  	_ =	shalt  }
0x6d: {  	_ =	shalt  }
0x6e: {  	_ =	shalt  }
0x6f: {  	_ =	shalt  }
0x70: {  	_ =	shalt  }
0x71: {  	_ =	shalt  }
0x72: {  	_ =	shalt  }
0x73: {  	_ =	shalt  }
0x74: {  	_ =	shalt  }
0x75: {  	_ =	shalt  }
0x76: {  	_ =	shalt  }
0x77: {  	_ =	shalt  }
0x78: {  	_ =	shalt  }
0x79: {  	_ =	shalt  }
0x7a: {  	_ =	shalt  }
0x7b: {  	_ =	shalt  }
0x7c: {  	_ =	shalt  }
0x7d: {  	_ =	shalt  }
0x7e: {  	_ =	shalt  }
0x7f: {  	_ =	shalt  }
0x80: {  	_ =	shalt  }
0x81: {  	_ =	shalt  }
0x82: {  	_ =	shalt  }
0x83: {  	_ =	shalt  }
0x84: {  	_ =	shalt  }
0x85: {  	_ =	shalt  }
0x86: {  	_ =	shalt  }
0x87: {  	_ =	shalt  }
.Lfunc_end0:
.L_simem_size_0:
called_computation_lowered:
.L_overlay_start_0:
0x88: {  	s2 =	sld [smem:$0x3FD9]  }
0x89: {  	s3 =	sld [smem:$0x3FFE];
	_ =	sdelay $0x1  }
0x8a: {  	s1 =	srdreg.scid  }
0x8b: {  	s0 =	sand.u32 $0x1, s1  }
0x8c: {  	s15 =	sshll.u32 s0, $0xA;
	s2 =	sadd.s32 s3, s2  }
0x8d: {  	s2 =	sadd.s32 s2, s15  }
0x8e: {  	[smem:$0x3FC4] =	sst s2  }
0x8f: {  	_ = 	snop  }
0x90: {  	s2 =	sld [smem:$0x3FC9]  }
0x91: {  	s16 =	sld [smem:$0x3FD0]  }
0x92: {  	s4 =	sld [smem:$0x3FC8]  }
0x93: {  	s5 =	sld [smem:$0x3FC7]  }
0x94: {  	s7 =	simm.s32 $0xA;
	s8 =	simm.s32 $0x10;
	s6 =	sld [smem:$0x3FC6]  }
0x95: {  	[smem:s8], [sflag:s7] =	dma.local [hbm:s16], $0x1  }
0x96: {  	_ =	swait.eq [sflag:s7], $0x1  }
0x97: {  	[sflag:s7] =	ssyncset.done $0x0  }
0x98: {  	s17 =	sld [smem:$0x10];
	[sflag:s7] =	ssyncadd.s32 $0xFFFFFFFF  }
0x99: {  	s18 =	sld [smem:$0x11];
	(tm) =	ssettm $0x1  }
0x9a: {  	s19 =	sld [smem:$0x3FFB];
	_ =	sdelay $0x3  }
0x9b: {  	_ =	strace s19  }
0x9c: {  	s8 =	sld [smem:$0x3FFC];
	_ =	sdelay $0x3  }
0x9d: {  	_ =	strace s8  }
0x9e: {  	s8 =	sld [smem:$0x3FFD];
	_ =	sdelay $0x3  }
0x9f: {  	_ =	strace s8  }
0xa0: {  	_ =	strace $0x8FFFFFFF  }
0xa1: {  	s20 =	sld [smem:$0x3FDB];
	_ =	sdelay $0x1  }
0xa2: {  	s9 =	simm.s32 $_scs_section_size  }
0xa3: {  	s10 =	simm.s32 $_size__tile_overlayer_lowered;
	s11 =	simm.s32 $_tile_overlayer_lowered  }
0xa4: {  	s23 =	simm.s32 $0x1BFF;
	s22 =	sshll.u32 s11, $0x1;
	s8 =	sadd.s32 s9, s20  }
0xa5: {  	s12 =	simm.s32 $0x0;
	s21 =	sshll.u32 s10, $0x1;
	s10 =	sadd.s32 s22, s8  }
0xa6: {  	[timem:s12], [sflag:s23] =	dma.local [hbm:s10], s21  }
0xa7: {  	_ =	swait.ge [sflag:s23], s21  }
0xa8: {  	s9 =	ssub.s32 $0x0, s21;
	[sflag:s23] =	ssyncset.done $0x0  }
0xa9: {  	[sflag:s23] =	ssyncadd.s32 s9;
	_ =	sdelay $0x1  }
0xaa: {  	s24 =	simm.s32 $0x1B8B  }
0xab: {  	_ =	swait.ge [sflag:s24], $0x1  }
0xac: {  	[sflag:s24] =	ssyncset.done $0x0  }
0xad: {  	s25 =	simm.s32 $0x1B8E;
	[sflag:s24] =	ssyncadd.s32 $0xFFFFFFFF  }
0xae: {  	s26 =	simm.s32 $execute0_lowered;
	[smem:$0x3FD2] =	sst s25  }
0xaf: {  	s9 =	sshll.u32 s26, $0x1;
	_ =	strace $0x80000046;
	[dreg:$0x1] =	wrdreg $0xFFFFFFFF  }
0xb0: {  	s28 =	simm.s32 $_size_execute0_lowered;
	s8 =	sadd.s32 s8, s9;
	[dreg:$0x0] =	wrdreg $0x0  }
0xb1: {  	s9 =	sshll.u32 s28, $0x1;
	[dreg:$0x2] =	wrdreg s8  }
0xb2: {  	[dreg:$0x3] =	wrdreg s9  }
0xb3: {  	[dreg:$0x4] =	wrdreg $0xC0  }
0xb4: {  	_ =	task [dreg:s12], $0x5FFFF  }
0xb5: {  	[dreg:$0x1] =	wrdreg $0xFFFFFFFF  }
0xb6: {  	[dreg:$0x0] =	wrdreg $0x60  }
0xb7: {  	[dreg:$0x2] =	wrdreg s2  }
0xb8: {  	[dreg:$0x3] =	wrdreg s4  }
0xb9: {  	[dreg:$0x4] =	wrdreg s5  }
0xba: {  	[dreg:$0x5] =	wrdreg s6  }
0xbb: {  	[dreg:$0x6] =	wrdreg s17  }
0xbc: {  	[dreg:$0x7] =	wrdreg s18  }
0xbd: {  	[dreg:$0x8] =	wrdreg $0x9  }
0xbe: {  	_ =	task.clear_ibuf [dreg:s12], $0x9FFFF;
	_ =	strace $0x90000046  }
0xbf: {  	s29 =	simm.s32 $0x9;
	_ =	strace $0x80000048  }
0xc0: {  	_ =	swait.ge [sflag:s29], $0x1  }
0xc1: {  	[sflag:s29] =	ssyncadd.s32 $0xFFFFFFFF  }
0xc2: {  	_ =	strace $0x90000048  }
0xc3: {  	_ =	sfence  }
0xc4: {  	s30 =	sld [smem:$0x0];
	_ =	sdelay $0x2  }
0xc5: {  	s31 =	sshll.u32 s1, $0xD;
	s1 =	sshrl.u32 s1, $0x2  }
0xc6: {  	s3 =	sand.u32 $0x4000, s31;
	s1 =	sadd.s32 s1, s30  }
0xc7: {  	s0 =	sor.u32 s3, s0;
	s1 =	sshll.u32 s1, $0x11  }
0xc8: {  	s0 =	sor.u32 s1, s0  }
0xc9: {  	s0 =	sadd.s32 $0x8F2B, s0  }
0xca: {  	[sflag:s0] =	ssyncadd.remote.s32 $0x1  }
0xcb: {  	_ =	sfence.sel $0xFFFF  }
0xcc: {  	[dreg:$0x0] =	wrdreg $0xFFFFFFFF;
	(pc) =	sbr.abs _section_cstart, $3  }
0xcd: {  	[dreg:$0x1] =	wrdreg $0xFFFFFFFF  }
0xce: {  	_ =	task.clear_ibuf [dreg:s12], $0x2FFFF;
	_ =	strace $0x9FFFFFFF  }
0xcf: {  	(tm) =	ssettm $0x7FFFFFFF  }
tec
execute0_lowered:
.L_overlay_start_1:
0x0: {  	(tag) =	ssettag $0x1  }
0x1: {  	s0 =	rddreg [dreg:$0x0]  }
0x2: {  	s2 =	rddreg [dreg:$0x1]  }
0x3: {  	s1 =	srdreg.scid;
	s3 =	rddreg [dreg:$0x4]  }
0x4: {  	s12 =	stileid.u32;
	s5 =	rddreg [dreg:$0x5];
	s6 =	simm.s32 $0x0  }
0x5: {  	s28 =	simm.s32 $0x1;
	s29 =	simm.s32 $0x1F280;
	s30 =	simm.s32 $0x2  }
0x6: {  	s31 =	simm.s32 $0x1DB00;
	s1 =	sand.u32 $0x1, s1;
	s4 =	sshll.u32 s12, $0x1  }
0x7: {  	[smem:$0x7FF] =	sst s6;
	s24 =	smul.u32 $0x7A20, s12;
	s4 =	sor.u32 s1, s4  }
0x8: {  	s8 =	ssub.s32 $0x2, s1;
	_ =	strace $0x80000047;
	s7 =	smul.u32 $0x3D10, s4  }
0x9: {  	s9 =	sshrl.u32 s8, $0x1;
	s10 =	smul.u32 $0x98A8, s4;
	s4 =	sshll.u32 s4, $0x4  }
0xa: {  	s1 =	smul.u32 $0x3D10, s1;
	s8 =	ssub.s32 s8, s9;
	s15 =	sadd.s32 s3, s4  }
0xb: {  	s17 =	sadd.s32 s5, s4;
	s3 =	simm.s32 $0x0;
	s11 =	sadd.s32 $0x200, s7  }
0xc: {  	v0 =	vlaneseq.u32;
	s10 =	sadd.s32 s0, s10;
	s21 =	sshrl.u32 s7, $0x3;
	s13 =	sadd.s32 $0x3C00, s7  }
0xd: {  	vm0 =	vmmov $0xf;
	v3 =	vmul.u32 $0xFFFFFFFF, v0;
	v2 =	vmul.u32 $0x14, v0;
	s12 =	sadd.s32 $0x600, s7;
	s18 =	smax.u32 s8, $0x1;
	s20 =	smul.u32 $0x14, s11  }
0xe: {  	v4 =	vimm.f32 $-Inf;
	v5 =	vimm.s32 $0x0;
	v6 =	vimm.f32 $0.0e+00;
	[dreg:$0x7] =	wrdreg s10;
	s10 =	sadd.s32 s2, s21;
	s22 =	smin.u32 s13, $0x7A010  }
0xf: {  	v3 =	vadd.s32 $0xF, v3;
	v7 =	vor.u32 $0x1, v2;
	v8 =	vor.u32 $0x2, v2;
	s23 =	sshrl.u32 s11, $0x3;
	s11 =	sadd.s32 $0x400, s7;
	s7 =	sadd.s32 s1, s24  }
0x10: {  	v9 =	vor.u32 $0x3, v2;
	v10 =	vadd.s32 $0x4, v2;
	v11 =	vadd.s32 $0x5, v2;
	s21 =	simm.s32 $0x3;
	[dreg:$0x8] =	wrdreg s10;
	s14 =	smul.u32 $0x14, s22  }
0x11: {  	v12 =	vadd.s32 $0x6, v2;
	v13 =	vadd.s32 $0x7, v2;
	v14 =	vadd.s32 $0x8, v2;
	s26 =	sshrl.u32 s22, $0x3;
	s1 =	sadd.s32 $0x3C00, s7;
	s9 =	sshrl.u32 s20, $0x3  }
0x12: {  	v15 =	vadd.s32 $0x9, v2;
	v16 =	vadd.s32 $0xA, v2;
	v17 =	vadd.s32 $0xB, v2;
	s4 =	sadd.s32 $0x200, s7;
	s20 =	smin.u32 s1, $0x7A010;
	s9 =	sadd.s32 s0, s9  }
0x13: {  	v18 =	vadd.s32 $0xC, v2;
	v19 =	vadd.s32 $0xD, v2;
	v20 =	vadd.s32 $0xE, v2;
	s25 =	sshrl.u32 s14, $0x3;
	s14 =	sadd.s32 s2, s26;
	s26 =	simm.s32 $0x1D900  }
0x14: {  	v21 =	vadd.s32 $0xF, v2;
	v22 =	vadd.s32 $0x10, v2;
	v1 =	vmov s13;
	[dreg:$0x9] =	wrdreg s9;
	s9 =	sadd.s32 s2, s23;
	s13 =	sadd.s32 s0, s25  }
0x15: {  	v23 =	vadd.s32 $0x11, v2;
	v24 =	vadd.s32 $0x12, v2;
	v25 =	vadd.s32 $0x13, v2;
	s23 =	simm.s32 $0x18700;
	s25 =	simm.s32 $0x1AF00;
	[dreg:$0xa] =	wrdreg s9  }
.LBB2_1:
0x16: {  	s1 =	rddreg [dreg:$0x3]  }
0x17: {  	[tilespmem:s6], [sflag:$0x3] =	stream.linear.gather [hbm4b:s1+s6], $0x18700, $0x38;
	[tilespmem:$0x1F480] =	vst v63  }
0x18: {  	_ =	swait.ge [sflag:s21], $0x18700  }
0x19: {  	[sflag:s21] =	ssyncset.done $0x0  }
0x1a: {  	[sflag:s21] =	ssyncadd.s32 $0xFFFE7900  }
0x1b: {  	s5 =	simm.s32 $0x1F200;
	s9 =	rddreg [dreg:$0x2]  }
0x1c: {  	[tilespmem:s5], [sflag:$0x3] =	stream.linear.gather [hbm4b:s9+s6], $0x80, $0x38;
	[tilespmem:$0x1F480] =	vst v63  }
0x1d: {  	_ =	swait.ge [sflag:s21], $0x80  }
0x1e: {  	[sflag:s21] =	ssyncset.done $0x0  }
0x1f: {  	[sflag:s21] =	ssyncadd.s32 $0xFFFFFF80  }
0x20: {  	v26 =	vld [tilespmem:$0x1F210];
	_ =	sdelay $0x1  }
0x21: {  	v27 =	vld [tilespmem:$0x1F200];
	_ =	sdelay $0x5  }
0x22: {  	v26 =	vld.idx.msk [tilespmem:v26+s6+$0x0], $0xffff;
	_ =	sdelay $0x1  }
0x23: {  	v27 =	vld.idx.msk [tilespmem:v27+s6+$0x0], $0xffff;
	_ =	sdelay $0x2  }
0x24: {  	v26 =	vnsel vm0, $0x0, v26  }
0x25: {  	v28 =	vperm.xlane v26, v3  }
0x26: {  	(xrf2) =	vadd.scan.msk.f32 $0xffff, v26;
	v26 =	vperm.xlane v27, v3  }
0x27: {  	(xrf2) =	vadd.scan.msk.f32 $0xffff, v28  }
0x28: {  	(xrf2) =	vadd.scan.msk.f32 $0xffff, v26;
	_ =	sdelay $0x7  }
0x29: {  	v26, _, _ =	vpop (xrf2)  }
0x2a: {  	[tilespmem:$0x1F300] =	vst v4;
	v27, _, _ =	vpop (xrf2)  }
0x2b: {  	[tilespmem:$0x1F310] =	vst v4;
	v63, _, _ =	vpop (xrf2)  }
0x2c: {  	[tilespmem:$0x1F380] =	vst v5;
	v26 =	vbroadcast v26, $0xF;
	v28 =	vperm.xlane v63, v3  }
0x2d: {  	[tilespmem:$0x1F390] =	vst v5;
	v27 =	vperm.xlane v27, v3  }
0x2e: {  	[tilespmem:$0x1F400] =	vst v4;
	v26 =	vadd.f32 v26, v28  }
0x2f: {  	[tilespmem:$0x1F290] =	vst v27  }
0x30: {  	s10 =	rddreg [dreg:$0x7];
	[tilespmem:$0x1F280] =	vst v26  }
0x31: {  	[tilespmem:s23], [sflag:$0x1] =	stream.linear.gather [hbm4b:s10+s6], $0x2800, $0x38;
	[tilespmem:$0x1F480] =	vst v63  }
0x32: {  	s19 =	simm.s32 $0x1D700;
	s16 =	rddreg [dreg:$0x8]  }
0x33: {  	[tilespmem:s19], [sflag:$0x1] =	stream.linear.gather [hbm4b:s16+s6], $0x200, $0x38;
	[tilespmem:$0x1F480] =	vst v63  }
0x34: {  	s22 =	rddreg [dreg:$0x9]  }
0x35: {  	[tilespmem:s25], [sflag:$0x2] =	stream.linear.gather [hbm4b:s22+s6], $0x2800, $0x38;
	[tilespmem:$0x1F480] =	vst v63  }
0x36: {  	s24 =	rddreg [dreg:$0xa]  }
0x37: {  	[tilespmem:s26], [sflag:$0x2] =	stream.linear.gather [hbm4b:s24+s6], $0x200, $0x38;
	[tilespmem:$0x1F480] =	vst v63  }
0x38: {  	s19 =	smov.u32 s4;
	s22 =	smov.u32 s7;
	s24 =	simm.s32 $0x0  }
.LBB2_2:
0x39: {  	_ =	swait.ge [sflag:s28], $0x2800;
	s5 =	simm.s32 $0x0  }
0x3a: {  	[sflag:s28] =	ssyncset.done $0x0;
	v26 =	vadd.s32 s5, v2  }
0x3b: {  	[sflag:s28] =	ssyncadd.s32 $0xFFFFD800  }
0x3c: {  	v27 =	vadd.s32 s5, v7;
	_ =	swait.ge [sflag:s28], $0x200  }
0x3d: {  	[sflag:s28] =	ssyncset.done $0x0  }
0x3e: {  	v28 =	vadd.s32 s5, v8;
	[sflag:s28] =	ssyncadd.s32 $0xFFFFFE00  }
0x3f: {  	v26 =	vld.idx.msk [tilespmem:v26+s23+$0x0], $0xffff  }
0x40: {  	v29 =	vadd.s32 s5, v9  }
0x41: {  	v30 =	vadd.s32 s5, v10;
	v27 =	vld.idx.msk [tilespmem:v27+s23+$0x0], $0xffff;
	_ =	sdelay $0x1  }
0x42: {  	s1 =	simm.s32 $0x1D700;
	v31 =	vadd.s32 s5, v11;
	v28 =	vld.idx.msk [tilespmem:v28+s23+$0x0], $0xffff  }
0x43: {  	v32 =	vld [tilespmem:s1+$0x0]  }
0x44: {  	v33 =	vadd.s32 s5, v12;
	v29 =	vld.idx.msk [tilespmem:v29+s23+$0x0], $0xffff  }
0x45: {  	v30 =	vld.idx.msk [tilespmem:v30+s23+$0x0], $0xffff  }
0x46: {  	v34 =	vadd.s32 s5, v13;
	v26 =	vld.idx.msk [tilespmem:v26+s6+$0x0], $0xffff  }
0x47: {  	v31 =	vld.idx.msk [tilespmem:v31+s23+$0x0], $0xffff  }
0x48: {  	v35 =	vadd.s32 s5, v14;
	v27 =	vld.idx.msk [tilespmem:v27+s6+$0x0], $0xffff  }
0x49: {  	v33 =	vld.idx.msk [tilespmem:v33+s23+$0x0], $0xffff  }
0x4a: {  	v28 =	vld.idx.msk [tilespmem:v28+s6+$0x0], $0xffff  }
0x4b: {  	v36 =	vadd.s32 s5, v15;
	v34 =	vld.idx.msk [tilespmem:v34+s23+$0x0], $0xffff;
	v26 =	vadd.f32 $0.0e+00, v26  }
0x4c: {  	vm1 =	vgt.s32 v32, $0x0;
	vm2 =	vgt.s32 v32, $0x1;
	v29 =	vld.idx.msk [tilespmem:v29+s6+$0x0], $0xffff  }
0x4d: {  	v37 =	vadd.s32 s5, v16;
	v35 =	vld.idx.msk [tilespmem:v35+s23+$0x0], $0xffff;
	v27 =	vnsel vm2, $0x0, v27;
	v26 =	vnsel vm1, $0x0, v26  }
0x4e: {  	v30 =	vld.idx.msk [tilespmem:v30+s6+$0x0], $0xffff;
	vm1 =	vgt.s32 v32, $0x2;
	v26 =	vadd.f32 v27, v26  }
0x4f: {  	v38 =	vadd.s32 s5, v17;
	v31 =	vld.idx.msk [tilespmem:v31+s6+$0x0], $0xffff;
	v28 =	vnsel vm1, $0x0, v28  }
0x50: {  	v27 =	vld.idx.msk [tilespmem:v36+s23+$0x0], $0xffff;
	vm1 =	vgt.s32 v32, $0x3;
	v26 =	vadd.f32 v28, v26  }
0x51: {  	v53 =	vadd.s32 s5, v18;
	v33 =	vld.idx.msk [tilespmem:v33+s6+$0x0], $0xffff;
	v29 =	vnsel vm1, $0x0, v29  }
0x52: {  	v54 =	vadd.s32 s5, v19;
	vm1 =	vgt.s32 v32, $0x4;
	v28 =	vld.idx.msk [tilespmem:v37+s23+$0x0], $0xffff;
	v26 =	vadd.f32 v29, v26  }
0x53: {  	v34 =	vld.idx.msk [tilespmem:v34+s6+$0x0], $0xffff;
	v30 =	vnsel vm1, $0x0, v30  }
0x54: {  	v55 =	vadd.s32 s5, v20;
	vm1 =	vgt.s32 v32, $0x5;
	v29 =	vld.idx.msk [tilespmem:v38+s23+$0x0], $0xffff;
	v26 =	vadd.f32 v30, v26  }
0x55: {  	v35 =	vld.idx.msk [tilespmem:v35+s6+$0x0], $0xffff;
	v31 =	vnsel vm1, $0x0, v31  }
0x56: {  	v56 =	vadd.s32 s5, v21;
	vm1 =	vgt.s32 v32, $0x6;
	v30 =	vld.idx.msk [tilespmem:v53+s23+$0x0], $0xffff;
	v26 =	vadd.f32 v31, v26  }
0x57: {  	v33 =	vnsel vm1, $0x0, v33;
	v31 =	vld.idx.msk [tilespmem:v54+s23+$0x0], $0xffff  }
0x58: {  	v57 =	vadd.s32 s5, v22;
	vm1 =	vgt.s32 v32, $0x7;
	v27 =	vld.idx.msk [tilespmem:v27+s6+$0x0], $0xffff;
	v26 =	vadd.f32 v33, v26  }
0x59: {  	v58 =	vld.idx.msk [tilespmem:v55+s23+$0x0], $0xffff;
	v34 =	vnsel vm1, $0x0, v34  }
0x5a: {  	v59 =	vadd.s32 s5, v23;
	vm1 =	vgt.s32 v32, $0x8;
	v28 =	vld.idx.msk [tilespmem:v28+s6+$0x0], $0xffff;
	v26 =	vadd.f32 v34, v26  }
0x5b: {  	v60 =	vld.idx.msk [tilespmem:v56+s23+$0x0], $0xffff;
	v35 =	vnsel vm1, $0x0, v35  }
0x5c: {  	vm1 =	vgt.s32 v32, $0x9;
	v29 =	vld.idx.msk [tilespmem:v29+s6+$0x0], $0xffff;
	v26 =	vadd.f32 v35, v26  }
0x5d: {  	v61 =	vadd.s32 s5, v24;
	v62 =	vld.idx.msk [tilespmem:v57+s23+$0x0], $0xffff;
	v27 =	vnsel vm1, $0x0, v27  }
0x5e: {  	vm1 =	vgt.s32 v32, $0xA;
	v30 =	vld.idx.msk [tilespmem:v30+s6+$0x0], $0xffff;
	v26 =	vadd.f32 v27, v26  }
0x5f: {  	v63 =	vadd.s32 s5, v25;
	v28 =	vnsel vm1, $0x0, v28;
	v27 =	vld.idx.msk [tilespmem:v59+s23+$0x0], $0xffff  }
0x60: {  	vm1 =	vgt.s32 v32, $0xB;
	v31 =	vld.idx.msk [tilespmem:v31+s6+$0x0], $0xffff;
	v26 =	vadd.f32 v28, v26  }
0x61: {  	v33 =	vld.idx.msk [tilespmem:v58+s6+$0x0], $0xffff;
	v29 =	vnsel vm1, $0x0, v29  }
0x62: {  	vm1 =	vgt.s32 v32, $0xC;
	v28 =	vld.idx.msk [tilespmem:v61+s23+$0x0], $0xffff;
	v26 =	vadd.f32 v29, v26  }
0x63: {  	v34 =	vld.idx.msk [tilespmem:v60+s6+$0x0], $0xffff;
	v30 =	vnsel vm1, $0x0, v30  }
0x64: {  	vm1 =	vgt.s32 v32, $0xD;
	v29 =	vld.idx.msk [tilespmem:v63+s23+$0x0], $0xffff;
	v26 =	vadd.f32 v30, v26  }
0x65: {  	v30 =	vnsel vm1, $0x0, v31  }
0x66: {  	v31 =	vld.idx.msk [tilespmem:v62+s6+$0x0], $0xffff;
	vm1 =	vgt.s32 v32, $0xE;
	v26 =	vadd.f32 v30, v26  }
0x67: {  	v30 =	vnsel vm1, $0x0, v33  }
0x68: {  	v27 =	vld.idx.msk [tilespmem:v27+s6+$0x0], $0xffff;
	vm1 =	vgt.s32 v32, $0xF;
	v26 =	vadd.f32 v30, v26  }
0x69: {  	v30 =	vnsel vm1, $0x0, v34  }
0x6a: {  	v28 =	vld.idx.msk [tilespmem:v28+s6+$0x0], $0xffff;
	vm1 =	vgt.s32 v32, $0x10;
	v26 =	vadd.f32 v30, v26  }
0x6b: {  	v30 =	vnsel vm1, $0x0, v31  }
0x6c: {  	v29 =	vld.idx.msk [tilespmem:v29+s6+$0x0], $0xffff;
	vm1 =	vgt.s32 v32, $0x11;
	v26 =	vadd.f32 v30, v26  }
0x6d: {  	v27 =	vnsel vm1, $0x0, v27  }
0x6e: {  	vm1 =	vgt.s32 v32, $0x12;
	v26 =	vadd.f32 v27, v26  }
0x6f: {  	v28 =	vnsel vm1, $0x0, v28;
	v27 =	vld.idx.msk [tilespmem:v32+s29+$0x0], $0xffff  }
0x70: {  	vm1 =	vgt.s32 v32, $0x13;
	v26 =	vadd.f32 v28, v26  }
0x71: {  	v28 =	vnsel vm1, $0x0, v29;
	v29 =	vld [tilespmem:$0x1F400]  }
0x72: {  	v26 =	vadd.f32 v28, v26;
	_ =	sdelay $0x1  }
0x73: {  	v26 =	vadd.f32 v26, v27;
	_ =	sdelay $0x1  }
0x74: {  	vm1 =	vgt.f32 v26, v29  }
0x75: {  	v27 =	vsel vm1, $0x3F800000, v6  }
0x76: {  	(xrf0) =	vmax.scan.msk.f32 $0xffff, v27;
	_ =	sdelay $0x5  }
0x77: {  	v27, _, _ =	vpop (xrf0)  }
0x78: {  	(v2sf) =	vpush v27, $0xF;
	_ =	sdelay $0xe  }
0x79: {  	s16 =	spop (v2sf)  }
0x7a: {  	p1 =	sgt.f32 s16, $0.0e+00;
	_ =	sdelay $0x1  }
0x7b: {  	v27 =	vlaneseq.u32 @p1  }
0x7c: {  	v28 =	vor.u32 @p1 s22, v27  }
0x7d: {  	(xrf1) =	vsort.dscd.msk.f32 @p1 $0xffff, v26, v28;
	_ =	sdelay $0xa  }
0x7e: {  	v26 =	vld @p1 [tilespmem:$0x1F390]  }
0x7f: {  	v27 =	vmul.u32 @p1 $0xFFFFFFFF, v27;
	v28 =	vld @p1 [tilespmem:$0x1F310];
	_ =	sdelay $0x1  }
0x80: {  	v27 =	vadd.s32 @p1 $0xF, v27;
	v29, v30, _ =	vpop @p1 (xrf1)  }
0x81: {  	v29 =	vperm.xlane @p1 v29, v27;
	v30 =	vperm.xlane @p1 v30, v27;
	_ =	sdelay $0x1  }
0x82: {  	vm1 =	veq.f32 @p1 v28, v29;
	vm2 =	vlt.s32 @p1 v26, v30  }
0x83: {  	vm3 =	vgt.f32 @p1 v28, v29;
	vm1 =	vmand @p1 vm1, vm2  }
0x84: {  	vm1 =	vmor @p1 vm3, vm1  }
0x85: {  	v28 =	vsel @p1 vm1, v28, v29;
	v26 =	vsel @p1 vm1, v26, v30  }
0x86: {  	(xrf1) =	vsort.dscd.msk.f32 @p1 $0xffff, v28, v26;
	_ =	sdelay $0xa  }
0x87: {  	v26 =	vld @p1 [tilespmem:$0x1F380]  }
0x88: {  	v28 =	vld @p1 [tilespmem:$0x1F300];
	_ =	sdelay $0x1  }
0x89: {  	v29, v30, _ =	vpop @p1 (xrf1)  }
0x8a: {  	v29 =	vperm.xlane @p1 v29, v27;
	v27 =	vperm.xlane @p1 v30, v27;
	_ =	sdelay $0x1  }
0x8b: {  	vm1 =	veq.f32 @p1 v28, v29;
	vm2 =	vlt.s32 @p1 v26, v27  }
0x8c: {  	vm3 =	vgt.f32 @p1 v28, v29;
	vm1 =	vmand @p1 vm1, vm2  }
0x8d: {  	vm1 =	vmor @p1 vm3, vm1  }
0x8e: {  	v30 =	vsel @p1 vm1, v29, v28;
	v31 =	vsel @p1 vm1, v27, v26  }
0x8f: {  	(xrf1) =	vsort.dscd.msk.f32 @p1 $0xffff, v30, v31;
	_ =	sdelay $0x3  }
0x90: {  	v28 =	vsel @p1 vm1, v28, v29;
	v26 =	vsel @p1 vm1, v26, v27  }
0x91: {  	(xrf1) =	vsort.dscd.msk.f32 @p1 $0xffff, v28, v26;
	_ =	sdelay $0x8  }
0x92: {  	v26, v27, _ =	vpop @p1 (xrf1)  }
0x93: {  	(xrf0) =	vmin.scan.msk.f32 @p1 $0xffff, v26;
	_ =	sdelay $0x3  }
0x94: {  	s8 =	simm.s32 $0x140;
	[tilespmem:$0x1F310] =	vst @p1 v26;
	v26, v28, _ =	vpop @p1 (xrf1)  }
0x95: {  	[tilespmem:$0x1F380] =	vst @p1 v28;
	v28 =	vadd.s32 s8, v2  }
0x96: {  	[tilespmem:$0x1F390] =	vst @p1 v27;
	v29, _, _ =	vpop @p1 (xrf0)  }
0x97: {  	s9 =	simm.s32 $0x280;
	s5 =	sshll.u32 s24, $0xA;
	s16 =	smov.u32 s22;
	v27 =	vadd.s32 s8, v7;
	[tilespmem:$0x1F300] =	vst @p1 v26;
	v26 =	vadd.s32 s8, v8;
	v29 =	vbroadcast @p1 v29, $0xF  }
.LBB2_3:
0x98: {  	s1 =	sadd.s32 $0x10, s1  }
0x99: {  	v30 =	vadd.s32 s9, v8;
	s16 =	sadd.s32 $0x10, s16;
	s10 =	smov.u32 s9;
	s9 =	sadd.s32 $0x140, s9;
	[tilespmem:$0x1F400] =	vst @p1 v29  }
0x9a: {  	p0 =	sne.s32 s9, $0x2800;
	v28 =	vld.idx.msk [tilespmem:v28+s23+$0x0], $0xffff  }
0x9b: {  	v29 =	vadd.s32 s8, v9  }
0x9c: {  	v32 =	vadd.s32 s8, v10;
	v31 =	vld.idx.msk [tilespmem:v27+s23+$0x0], $0xffff;
	_ =	sdelay $0x1  }
0x9d: {  	v34 =	vadd.s32 s8, v11;
	v33 =	vld.idx.msk [tilespmem:v26+s23+$0x0], $0xffff;
	v26 =	vmov v30  }
0x9e: {  	v27 =	vld [tilespmem:s1+$0x0]  }
0x9f: {  	v30 =	vadd.s32 s8, v12;
	v29 =	vld.idx.msk [tilespmem:v29+s23+$0x0], $0xffff  }
0xa0: {  	v32 =	vld.idx.msk [tilespmem:v32+s23+$0x0], $0xffff  }
0xa1: {  	v35 =	vadd.s32 s8, v13;
	v28 =	vld.idx.msk [tilespmem:v28+s6+$0x0], $0xffff  }
0xa2: {  	v34 =	vld.idx.msk [tilespmem:v34+s23+$0x0], $0xffff  }
0xa3: {  	v31 =	vld.idx.msk [tilespmem:v31+s6+$0x0], $0xffff  }
0xa4: {  	v36 =	vadd.s32 s8, v14;
	v30 =	vld.idx.msk [tilespmem:v30+s23+$0x0], $0xffff  }
0xa5: {  	v37 =	vadd.s32 s8, v15;
	v33 =	vld.idx.msk [tilespmem:v33+s6+$0x0], $0xffff  }
0xa6: {  	v35 =	vld.idx.msk [tilespmem:v35+s23+$0x0], $0xffff  }
0xa7: {  	v38 =	vadd.s32 s8, v16;
	v28 =	vadd.f32 $0.0e+00, v28;
	v29 =	vld.idx.msk [tilespmem:v29+s6+$0x0], $0xffff  }
0xa8: {  	vm1 =	vgt.s32 v27, $0x0;
	vm2 =	vgt.s32 v27, $0x1;
	v32 =	vld.idx.msk [tilespmem:v32+s6+$0x0], $0xffff  }
0xa9: {  	v39 =	vadd.s32 s8, v17;
	v28 =	vnsel vm1, $0x0, v28;
	v31 =	vnsel vm2, $0x0, v31;
	v36 =	vld.idx.msk [tilespmem:v36+s23+$0x0], $0xffff  }
0xaa: {  	vm1 =	vgt.s32 v27, $0x2;
	v28 =	vadd.f32 v31, v28;
	v31 =	vld.idx.msk [tilespmem:v37+s23+$0x0], $0xffff  }
0xab: {  	v33 =	vnsel vm1, $0x0, v33;
	v37 =	vadd.s32 s8, v18;
	v34 =	vld.idx.msk [tilespmem:v34+s6+$0x0], $0xffff  }
0xac: {  	vm1 =	vgt.s32 v27, $0x3;
	v28 =	vadd.f32 v33, v28;
	v33 =	vld.idx.msk [tilespmem:v38+s23+$0x0], $0xffff  }
0xad: {  	v29 =	vnsel vm1, $0x0, v29;
	v38 =	vadd.s32 s8, v19;
	v30 =	vld.idx.msk [tilespmem:v30+s6+$0x0], $0xffff  }
0xae: {  	vm1 =	vgt.s32 v27, $0x4;
	v28 =	vadd.f32 v29, v28;
	v29 =	vld.idx.msk [tilespmem:v39+s23+$0x0], $0xffff  }
0xaf: {  	v32 =	vnsel vm1, $0x0, v32;
	v39 =	vadd.s32 s8, v20;
	v35 =	vld.idx.msk [tilespmem:v35+s6+$0x0], $0xffff  }
0xb0: {  	vm1 =	vgt.s32 v27, $0x5;
	v28 =	vadd.f32 v32, v28;
	v32 =	vld.idx.msk [tilespmem:v37+s23+$0x0], $0xffff  }
0xb1: {  	v34 =	vnsel vm1, $0x0, v34;
	v37 =	vadd.s32 s8, v21;
	v36 =	vld.idx.msk [tilespmem:v36+s6+$0x0], $0xffff  }
0xb2: {  	vm1 =	vgt.s32 v27, $0x6;
	v28 =	vadd.f32 v34, v28;
	v34 =	vld.idx.msk [tilespmem:v38+s23+$0x0], $0xffff  }
0xb3: {  	v30 =	vnsel vm1, $0x0, v30;
	v38 =	vadd.s32 s8, v22;
	v31 =	vld.idx.msk [tilespmem:v31+s6+$0x0], $0xffff  }
0xb4: {  	vm1 =	vgt.s32 v27, $0x7;
	v28 =	vadd.f32 v30, v28;
	v30 =	vld.idx.msk [tilespmem:v39+s23+$0x0], $0xffff  }
0xb5: {  	v35 =	vnsel vm1, $0x0, v35;
	v39 =	vadd.s32 s8, v23;
	v33 =	vld.idx.msk [tilespmem:v33+s6+$0x0], $0xffff  }
0xb6: {  	vm1 =	vgt.s32 v27, $0x8;
	v28 =	vadd.f32 v35, v28;
	v35 =	vld.idx.msk [tilespmem:v37+s23+$0x0], $0xffff  }
0xb7: {  	v36 =	vnsel vm1, $0x0, v36;
	v37 =	vadd.s32 s8, v24;
	v29 =	vld.idx.msk [tilespmem:v29+s6+$0x0], $0xffff  }
0xb8: {  	vm1 =	vgt.s32 v27, $0x9;
	v28 =	vadd.f32 v36, v28;
	v36 =	vld.idx.msk [tilespmem:v38+s23+$0x0], $0xffff  }
0xb9: {  	v31 =	vnsel vm1, $0x0, v31;
	v38 =	vadd.s32 s8, v25;
	s8 =	smov.u32 s10;
	v32 =	vld.idx.msk [tilespmem:v32+s6+$0x0], $0xffff  }
0xba: {  	vm1 =	vgt.s32 v27, $0xA;
	v28 =	vadd.f32 v31, v28;
	v31 =	vld.idx.msk [tilespmem:v39+s23+$0x0], $0xffff  }
0xbb: {  	v33 =	vnsel vm1, $0x0, v33;
	v34 =	vld.idx.msk [tilespmem:v34+s6+$0x0], $0xffff  }
0xbc: {  	vm1 =	vgt.s32 v27, $0xB;
	v28 =	vadd.f32 v33, v28;
	v33 =	vld.idx.msk [tilespmem:v37+s23+$0x0], $0xffff  }
0xbd: {  	v29 =	vnsel vm1, $0x0, v29;
	v30 =	vld.idx.msk [tilespmem:v30+s6+$0x0], $0xffff  }
0xbe: {  	vm1 =	vgt.s32 v27, $0xC;
	v28 =	vadd.f32 v29, v28;
	v29 =	vld.idx.msk [tilespmem:v38+s23+$0x0], $0xffff  }
0xbf: {  	v32 =	vnsel vm1, $0x0, v32;
	v35 =	vld.idx.msk [tilespmem:v35+s6+$0x0], $0xffff  }
0xc0: {  	vm1 =	vgt.s32 v27, $0xD;
	v28 =	vadd.f32 v32, v28  }
0xc1: {  	v32 =	vnsel vm1, $0x0, v34;
	v34 =	vld.idx.msk [tilespmem:v36+s6+$0x0], $0xffff  }
0xc2: {  	vm1 =	vgt.s32 v27, $0xE;
	v28 =	vadd.f32 v32, v28  }
0xc3: {  	v30 =	vnsel vm1, $0x0, v30;
	v31 =	vld.idx.msk [tilespmem:v31+s6+$0x0], $0xffff  }
0xc4: {  	vm1 =	vgt.s32 v27, $0xF;
	v28 =	vadd.f32 v30, v28  }
0xc5: {  	v30 =	vnsel vm1, $0x0, v35;
	v32 =	vld.idx.msk [tilespmem:v33+s6+$0x0], $0xffff  }
0xc6: {  	vm1 =	vgt.s32 v27, $0x10;
	v28 =	vadd.f32 v30, v28  }
0xc7: {  	v30 =	vnsel vm1, $0x0, v34;
	v29 =	vld.idx.msk [tilespmem:v29+s6+$0x0], $0xffff  }
0xc8: {  	vm1 =	vgt.s32 v27, $0x11;
	v28 =	vadd.f32 v30, v28  }
0xc9: {  	v30 =	vnsel vm1, $0x0, v31  }
0xca: {  	vm1 =	vgt.s32 v27, $0x12;
	v28 =	vadd.f32 v30, v28;
	v30 =	vld.idx.msk [tilespmem:v27+s29+$0x0], $0xffff  }
0xcb: {  	v31 =	vnsel vm1, $0x0, v32  }
0xcc: {  	vm1 =	vgt.s32 v27, $0x13;
	v28 =	vadd.f32 v31, v28  }
0xcd: {  	v27 =	vnsel vm1, $0x0, v29;
	v29 =	vld [tilespmem:$0x1F400]  }
0xce: {  	v27 =	vadd.f32 v27, v28;
	_ =	sdelay $0x1  }
0xcf: {  	v27 =	vadd.f32 v27, v30;
	_ =	sdelay $0x1  }
0xd0: {  	vm1 =	vgt.f32 v27, v29  }
0xd1: {  	v28 =	vsel vm1, $0x3F800000, v6  }
0xd2: {  	(xrf0) =	vmax.scan.msk.f32 $0xffff, v28;
	_ =	sdelay $0x5  }
0xd3: {  	v28, _, _ =	vpop (xrf0)  }
0xd4: {  	(v2sf) =	vpush v28, $0xF;
	_ =	sdelay $0xe  }
0xd5: {  	s10 =	spop (v2sf)  }
0xd6: {  	p1 =	sgt.f32 s10, $0.0e+00;
	_ =	sdelay $0x1  }
0xd7: {  	v28 =	vlaneseq.u32 @p1  }
0xd8: {  	v29 =	vor.u32 @p1 s16, v28;
	v28 =	vmul.u32 @p1 $0xFFFFFFFF, v28  }
0xd9: {  	(xrf1) =	vsort.dscd.msk.f32 @p1 $0xffff, v27, v29;
	_ =	sdelay $0xa  }
0xda: {  	v27 =	vld @p1 [tilespmem:$0x1F390]  }
0xdb: {  	v29 =	vld @p1 [tilespmem:$0x1F310];
	_ =	sdelay $0x1  }
0xdc: {  	v28 =	vadd.s32 @p1 $0xF, v28;
	v30, v31, _ =	vpop @p1 (xrf1)  }
0xdd: {  	v30 =	vperm.xlane @p1 v30, v28;
	v31 =	vperm.xlane @p1 v31, v28;
	_ =	sdelay $0x1  }
0xde: {  	vm1 =	vgt.f32 @p1 v29, v30;
	vm2 =	veq.f32 @p1 v29, v30;
	vm3 =	vlt.s32 @p1 v27, v31  }
0xdf: {  	vm2 =	vmand @p1 vm2, vm3  }
0xe0: {  	vm1 =	vmor @p1 vm1, vm2  }
0xe1: {  	v29 =	vsel @p1 vm1, v29, v30;
	v27 =	vsel @p1 vm1, v27, v31  }
0xe2: {  	(xrf1) =	vsort.dscd.msk.f32 @p1 $0xffff, v29, v27;
	_ =	sdelay $0xa  }
0xe3: {  	v27 =	vld @p1 [tilespmem:$0x1F380]  }
0xe4: {  	v29 =	vld @p1 [tilespmem:$0x1F300];
	_ =	sdelay $0x1  }
0xe5: {  	v30, v31, _ =	vpop @p1 (xrf1)  }
0xe6: {  	v30 =	vperm.xlane @p1 v30, v28;
	v28 =	vperm.xlane @p1 v31, v28;
	_ =	sdelay $0x1  }
0xe7: {  	vm1 =	vgt.f32 @p1 v29, v30;
	vm2 =	veq.f32 @p1 v29, v30;
	vm3 =	vlt.s32 @p1 v27, v28  }
0xe8: {  	vm2 =	vmand @p1 vm2, vm3  }
0xe9: {  	vm1 =	vmor @p1 vm1, vm2  }
0xea: {  	v31 =	vsel @p1 vm1, v29, v30;
	v29 =	vsel @p1 vm1, v30, v29;
	v30 =	vsel @p1 vm1, v28, v27  }
0xeb: {  	v27 =	vsel @p1 vm1, v27, v28;
	(xrf1) =	vsort.dscd.msk.f32 @p1 $0xffff, v29, v30  }
0xec: {  	(xrf1) =	vsort.dscd.msk.f32 @p1 $0xffff, v31, v27;
	_ =	sdelay $0xc  }
0xed: {  	v27, v28, _ =	vpop @p1 (xrf1)  }
0xee: {  	[tilespmem:$0x1F310] =	vst @p1 v27;
	v29, v30, _ =	vpop @p1 (xrf1);
	(xrf0) =	vmin.scan.msk.f32 @p1 $0xffff, v27  }
0xef: {  	[tilespmem:$0x1F300] =	vst @p1 v29  }
0xf0: {  	[tilespmem:$0x1F380] =	vst @p1 v30  }
.Ltmp0:
0xf1: {  	[tilespmem:$0x1F390] =	vst @p1 v28;
	(pc) =	sbr.rel @p0 .LBB2_3-.Ltmp0, $4  }
0xf2: {  	_ = 	snop  }
0xf3: {  	v28 =	vadd.s32 s8, v2  }
0xf4: {  	v29, _, _ =	vpop @p1 (xrf0)  }
0xf5: {  	v27 =	vadd.s32 s8, v7;
	v29 =	vbroadcast @p1 v29, $0xF  }
0xf6: {  	_ =	sdelay $0x2  }
0xf7: {  	[tilespmem:$0x1F400] =	vst @p1 v29  }
0xf8: {  	v28 =	vld.idx.msk [tilespmem:v28+s23+$0x0], $0xffff  }
0xf9: {  	v29 =	vadd.s32 s8, v9  }
0xfa: {  	v30 =	vadd.s32 s8, v10;
	v27 =	vld.idx.msk [tilespmem:v27+s23+$0x0], $0xffff;
	_ =	sdelay $0x1  }
0xfb: {  	s1 =	sadd.s32 $0x10, s1;
	v31 =	vadd.s32 s8, v11;
	v26 =	vld.idx.msk [tilespmem:v26+s23+$0x0], $0xffff  }
0xfc: {  	v32 =	vld [tilespmem:s1+$0x0]  }
0xfd: {  	v33 =	vadd.s32 s8, v12;
	v29 =	vld.idx.msk [tilespmem:v29+s23+$0x0], $0xffff  }
0xfe: {  	v30 =	vld.idx.msk [tilespmem:v30+s23+$0x0], $0xffff  }
0xff: {  	v34 =	vadd.s32 s8, v13;
	v28 =	vld.idx.msk [tilespmem:v28+s6+$0x0], $0xffff  }
0x100: {  	v31 =	vld.idx.msk [tilespmem:v31+s23+$0x0], $0xffff  }
0x101: {  	v35 =	vadd.s32 s8, v14;
	v27 =	vld.idx.msk [tilespmem:v27+s6+$0x0], $0xffff  }
0x102: {  	v33 =	vld.idx.msk [tilespmem:v33+s23+$0x0], $0xffff  }
0x103: {  	v26 =	vld.idx.msk [tilespmem:v26+s6+$0x0], $0xffff  }
0x104: {  	v36 =	vadd.s32 s8, v15;
	v34 =	vld.idx.msk [tilespmem:v34+s23+$0x0], $0xffff;
	v28 =	vadd.f32 $0.0e+00, v28  }
0x105: {  	vm1 =	vgt.s32 v32, $0x0;
	vm2 =	vgt.s32 v32, $0x1;
	v29 =	vld.idx.msk [tilespmem:v29+s6+$0x0], $0xffff  }
0x106: {  	v37 =	vadd.s32 s8, v16;
	v35 =	vld.idx.msk [tilespmem:v35+s23+$0x0], $0xffff;
	v27 =	vnsel vm2, $0x0, v27;
	v28 =	vnsel vm1, $0x0, v28  }
0x107: {  	v30 =	vld.idx.msk [tilespmem:v30+s6+$0x0], $0xffff;
	vm1 =	vgt.s32 v32, $0x2;
	v27 =	vadd.f32 v27, v28  }
0x108: {  	v38 =	vadd.s32 s8, v17;
	v31 =	vld.idx.msk [tilespmem:v31+s6+$0x0], $0xffff;
	v26 =	vnsel vm1, $0x0, v26  }
0x109: {  	v28 =	vld.idx.msk [tilespmem:v36+s23+$0x0], $0xffff;
	vm1 =	vgt.s32 v32, $0x3;
	v26 =	vadd.f32 v26, v27  }
0x10a: {  	v59 =	vadd.s32 s8, v18;
	v33 =	vld.idx.msk [tilespmem:v33+s6+$0x0], $0xffff;
	v29 =	vnsel vm1, $0x0, v29  }
0x10b: {  	v60 =	vadd.s32 s8, v19;
	vm1 =	vgt.s32 v32, $0x4;
	v27 =	vld.idx.msk [tilespmem:v37+s23+$0x0], $0xffff;
	v26 =	vadd.f32 v29, v26  }
0x10c: {  	v34 =	vld.idx.msk [tilespmem:v34+s6+$0x0], $0xffff;
	v30 =	vnsel vm1, $0x0, v30  }
0x10d: {  	v61 =	vadd.s32 s8, v20;
	vm1 =	vgt.s32 v32, $0x5;
	v29 =	vld.idx.msk [tilespmem:v38+s23+$0x0], $0xffff;
	v26 =	vadd.f32 v30, v26  }
0x10e: {  	v35 =	vld.idx.msk [tilespmem:v35+s6+$0x0], $0xffff;
	v31 =	vnsel vm1, $0x0, v31  }
0x10f: {  	v62 =	vadd.s32 s8, v21;
	vm1 =	vgt.s32 v32, $0x6;
	v30 =	vld.idx.msk [tilespmem:v59+s23+$0x0], $0xffff;
	v26 =	vadd.f32 v31, v26  }
0x110: {  	v33 =	vnsel vm1, $0x0, v33;
	v31 =	vld.idx.msk [tilespmem:v60+s23+$0x0], $0xffff  }
0x111: {  	v63 =	vadd.s32 s8, v22;
	vm1 =	vgt.s32 v32, $0x7;
	v28 =	vld.idx.msk [tilespmem:v28+s6+$0x0], $0xffff;
	v26 =	vadd.f32 v33, v26  }
0x112: {  	v40 =	vld.idx.msk [tilespmem:v61+s23+$0x0], $0xffff;
	v34 =	vnsel vm1, $0x0, v34  }
0x113: {  	v41 =	vadd.s32 s8, v23;
	vm1 =	vgt.s32 v32, $0x8;
	v27 =	vld.idx.msk [tilespmem:v27+s6+$0x0], $0xffff;
	v26 =	vadd.f32 v34, v26  }
0x114: {  	v42 =	vld.idx.msk [tilespmem:v62+s23+$0x0], $0xffff;
	v35 =	vnsel vm1, $0x0, v35  }
0x115: {  	vm1 =	vgt.s32 v32, $0x9;
	v29 =	vld.idx.msk [tilespmem:v29+s6+$0x0], $0xffff;
	v26 =	vadd.f32 v35, v26  }
0x116: {  	v43 =	vadd.s32 s8, v24;
	v44 =	vld.idx.msk [tilespmem:v63+s23+$0x0], $0xffff;
	v28 =	vnsel vm1, $0x0, v28  }
0x117: {  	vm1 =	vgt.s32 v32, $0xA;
	v30 =	vld.idx.msk [tilespmem:v30+s6+$0x0], $0xffff;
	v26 =	vadd.f32 v28, v26  }
0x118: {  	v45 =	vadd.s32 s8, v25;
	v27 =	vnsel vm1, $0x0, v27;
	v28 =	vld.idx.msk [tilespmem:v41+s23+$0x0], $0xffff  }
0x119: {  	vm1 =	vgt.s32 v32, $0xB;
	v31 =	vld.idx.msk [tilespmem:v31+s6+$0x0], $0xffff;
	v26 =	vadd.f32 v27, v26  }
0x11a: {  	v33 =	vld.idx.msk [tilespmem:v40+s6+$0x0], $0xffff;
	v29 =	vnsel vm1, $0x0, v29  }
0x11b: {  	vm1 =	vgt.s32 v32, $0xC;
	v27 =	vld.idx.msk [tilespmem:v43+s23+$0x0], $0xffff;
	v26 =	vadd.f32 v29, v26  }
0x11c: {  	v34 =	vld.idx.msk [tilespmem:v42+s6+$0x0], $0xffff;
	v30 =	vnsel vm1, $0x0, v30  }
0x11d: {  	vm1 =	vgt.s32 v32, $0xD;
	v29 =	vld.idx.msk [tilespmem:v45+s23+$0x0], $0xffff;
	v26 =	vadd.f32 v30, v26  }
0x11e: {  	v30 =	vnsel vm1, $0x0, v31  }
0x11f: {  	v31 =	vld.idx.msk [tilespmem:v44+s6+$0x0], $0xffff;
	vm1 =	vgt.s32 v32, $0xE;
	v26 =	vadd.f32 v30, v26  }
0x120: {  	v30 =	vnsel vm1, $0x0, v33  }
0x121: {  	v28 =	vld.idx.msk [tilespmem:v28+s6+$0x0], $0xffff;
	vm1 =	vgt.s32 v32, $0xF;
	v26 =	vadd.f32 v30, v26  }
0x122: {  	v30 =	vnsel vm1, $0x0, v34  }
0x123: {  	v27 =	vld.idx.msk [tilespmem:v27+s6+$0x0], $0xffff;
	vm1 =	vgt.s32 v32, $0x10;
	v26 =	vadd.f32 v30, v26  }
0x124: {  	v30 =	vnsel vm1, $0x0, v31  }
0x125: {  	v29 =	vld.idx.msk [tilespmem:v29+s6+$0x0], $0xffff;
	vm1 =	vgt.s32 v32, $0x11;
	v26 =	vadd.f32 v30, v26  }
0x126: {  	v28 =	vnsel vm1, $0x0, v28  }
0x127: {  	vm1 =	vgt.s32 v32, $0x12;
	v26 =	vadd.f32 v28, v26  }
0x128: {  	v27 =	vnsel vm1, $0x0, v27;
	v28 =	vld.idx.msk [tilespmem:v32+s29+$0x0], $0xffff  }
0x129: {  	vm1 =	vgt.s32 v32, $0x13;
	v26 =	vadd.f32 v27, v26  }
0x12a: {  	v27 =	vnsel vm1, $0x0, v29;
	v29 =	vld [tilespmem:$0x1F400]  }
0x12b: {  	v26 =	vadd.f32 v27, v26;
	_ =	sdelay $0x1  }
0x12c: {  	v26 =	vadd.f32 v26, v28;
	_ =	sdelay $0x1  }
0x12d: {  	vm1 =	vgt.f32 v26, v29  }
0x12e: {  	v27 =	vsel vm1, $0x3F800000, v6  }
0x12f: {  	(xrf0) =	vmax.scan.msk.f32 $0xffff, v27;
	_ =	sdelay $0x5  }
0x130: {  	v27, _, _ =	vpop (xrf0)  }
0x131: {  	(v2sf) =	vpush v27, $0xF;
	_ =	sdelay $0xe  }
0x132: {  	s9 =	spop (v2sf)  }
0x133: {  	p1 =	sgt.f32 s9, $0.0e+00;
	_ =	sdelay $0x1  }
0x134: {  	s1 =	sadd.s32 $0x10, s16;
	v27 =	vlaneseq.u32 @p1  }
0x135: {  	v28 =	vor.u32 @p1 s1, v27  }
0x136: {  	(xrf1) =	vsort.dscd.msk.f32 @p1 $0xffff, v26, v28;
	_ =	sdelay $0xa  }
0x137: {  	v26 =	vld @p1 [tilespmem:$0x1F390]  }
0x138: {  	v27 =	vmul.u32 @p1 $0xFFFFFFFF, v27;
	v28 =	vld @p1 [tilespmem:$0x1F310];
	_ =	sdelay $0x1  }
0x139: {  	v27 =	vadd.s32 @p1 $0xF, v27;
	v29, v30, _ =	vpop @p1 (xrf1)  }
0x13a: {  	v29 =	vperm.xlane @p1 v29, v27;
	v30 =	vperm.xlane @p1 v30, v27;
	_ =	sdelay $0x1  }
0x13b: {  	vm1 =	veq.f32 @p1 v28, v29;
	vm2 =	vlt.s32 @p1 v26, v30  }
0x13c: {  	vm3 =	vgt.f32 @p1 v28, v29;
	vm1 =	vmand @p1 vm1, vm2  }
0x13d: {  	vm1 =	vmor @p1 vm3, vm1  }
0x13e: {  	v28 =	vsel @p1 vm1, v28, v29;
	v26 =	vsel @p1 vm1, v26, v30  }
0x13f: {  	(xrf1) =	vsort.dscd.msk.f32 @p1 $0xffff, v28, v26;
	_ =	sdelay $0xa  }
0x140: {  	v26 =	vld @p1 [tilespmem:$0x1F380]  }
0x141: {  	v28 =	vld @p1 [tilespmem:$0x1F300];
	_ =	sdelay $0x1  }
0x142: {  	v29, v30, _ =	vpop @p1 (xrf1)  }
0x143: {  	v29 =	vperm.xlane @p1 v29, v27;
	v27 =	vperm.xlane @p1 v30, v27;
	_ =	sdelay $0x1  }
0x144: {  	vm1 =	veq.f32 @p1 v28, v29;
	vm2 =	vlt.s32 @p1 v26, v27  }
0x145: {  	vm3 =	vgt.f32 @p1 v28, v29;
	vm1 =	vmand @p1 vm1, vm2  }
0x146: {  	vm1 =	vmor @p1 vm3, vm1  }
0x147: {  	v30 =	vsel @p1 vm1, v29, v28;
	v31 =	vsel @p1 vm1, v27, v26  }
0x148: {  	(xrf1) =	vsort.dscd.msk.f32 @p1 $0xffff, v30, v31;
	_ =	sdelay $0x4  }
0x149: {  	v28 =	vsel @p1 vm1, v28, v29;
	v26 =	vsel @p1 vm1, v26, v27  }
0x14a: {  	(xrf1) =	vsort.dscd.msk.f32 @p1 $0xffff, v28, v26;
	_ =	sdelay $0x7  }
0x14b: {  	v26, v27, _ =	vpop @p1 (xrf1)  }
0x14c: {  	(xrf0) =	vmin.scan.msk.f32 @p1 $0xffff, v26;
	_ =	sdelay $0x3  }
0x14d: {  	p0 =	seq.s32 s24, $0xE  }
0x14e: {  	s1 =	sadd.s32 @!p0 s5, s11;
	[tilespmem:$0x1F310] =	vst @p1 v26;
	v26, v28, _ =	vpop @p1 (xrf1)  }
0x14f: {  	s8 =	smul.u32 @!p0 $0x14, s1;
	[tilespmem:$0x1F300] =	vst @p1 v26;
	v26, _, _ =	vpop @p1 (xrf0)  }
0x150: {  	[tilespmem:$0x1F390] =	vst @p1 v27;
	v26 =	vbroadcast @p1 v26, $0xF  }
0x151: {  	s10 =	simm.s32 @!p0 $0x18700;
	s8 =	sshrl.u32 @!p0 s8, $0x3;
	[tilespmem:$0x1F380] =	vst @p1 v28  }
0x152: {  	s9 =	simm.s32 @!p0 $0x0;
	s1 =	sshrl.u32 @!p0 s1, $0x3;
	s8 =	sadd.s32 @!p0 s0, s8;
	[tilespmem:$0x1F400] =	vst @p1 v26  }
0x153: {  	[tilespmem:s10], [sflag:$0x1] =	stream.linear.gather @!p0 [hbm4b:s8+s9], $0x2800, $0x38;
	[tilespmem:$0x1F480] =	vst v63  }
0x154: {  	s1 =	sadd.s32 @!p0 s2, s1;
	s8 =	simm.s32 @!p0 $0x1D700  }
0x155: {  	[tilespmem:s8], [sflag:$0x1] =	stream.linear.gather @!p0 [hbm4b:s1+s9], $0x200, $0x38;
	[tilespmem:$0x1F480] =	vst v63  }
0x156: {  	s10 =	simm.s32 $0x0;
	_ =	swait.ge [sflag:s30], $0x2800  }
0x157: {  	v26 =	vadd.s32 s10, v2;
	[sflag:s30] =	ssyncset.done $0x0  }
0x158: {  	[sflag:s30] =	ssyncadd.s32 $0xFFFFD800  }
0x159: {  	v27 =	vadd.s32 s10, v7;
	_ =	swait.ge [sflag:s30], $0x200  }
0x15a: {  	[sflag:s30] =	ssyncset.done $0x0  }
0x15b: {  	v28 =	vadd.s32 s10, v8;
	[sflag:s30] =	ssyncadd.s32 $0xFFFFFE00  }
0x15c: {  	v26 =	vld.idx.msk [tilespmem:v26+s25+$0x0], $0xffff  }
0x15d: {  	v29 =	vadd.s32 s10, v9  }
0x15e: {  	v30 =	vadd.s32 s10, v10;
	v27 =	vld.idx.msk [tilespmem:v27+s25+$0x0], $0xffff;
	_ =	sdelay $0x1  }
0x15f: {  	v31 =	vadd.s32 s10, v11;
	s1 =	simm.s32 $0x1D900;
	v28 =	vld.idx.msk [tilespmem:v28+s25+$0x0], $0xffff  }
0x160: {  	v46 =	vld [tilespmem:s1+$0x0]  }
0x161: {  	v47 =	vadd.s32 s10, v12;
	v29 =	vld.idx.msk [tilespmem:v29+s25+$0x0], $0xffff  }
0x162: {  	v30 =	vld.idx.msk [tilespmem:v30+s25+$0x0], $0xffff  }
0x163: {  	v48 =	vadd.s32 s10, v13;
	v26 =	vld.idx.msk [tilespmem:v26+s6+$0x0], $0xffff  }
0x164: {  	v31 =	vld.idx.msk [tilespmem:v31+s25+$0x0], $0xffff  }
0x165: {  	v49 =	vadd.s32 s10, v14;
	v27 =	vld.idx.msk [tilespmem:v27+s6+$0x0], $0xffff  }
0x166: {  	v33 =	vld.idx.msk [tilespmem:v47+s25+$0x0], $0xffff  }
0x167: {  	v28 =	vld.idx.msk [tilespmem:v28+s6+$0x0], $0xffff  }
0x168: {  	v50 =	vadd.s32 s10, v15;
	v34 =	vld.idx.msk [tilespmem:v48+s25+$0x0], $0xffff;
	v26 =	vadd.f32 $0.0e+00, v26  }
0x169: {  	vm1 =	vgt.s32 v46, $0x0;
	vm2 =	vgt.s32 v46, $0x1;
	v29 =	vld.idx.msk [tilespmem:v29+s6+$0x0], $0xffff  }
0x16a: {  	v51 =	vadd.s32 s10, v16;
	v35 =	vld.idx.msk [tilespmem:v49+s25+$0x0], $0xffff;
	v27 =	vnsel vm2, $0x0, v27;
	v26 =	vnsel vm1, $0x0, v26  }
0x16b: {  	v30 =	vld.idx.msk [tilespmem:v30+s6+$0x0], $0xffff;
	vm1 =	vgt.s32 v46, $0x2;
	v26 =	vadd.f32 v27, v26  }
0x16c: {  	v52 =	vadd.s32 s10, v17;
	v31 =	vld.idx.msk [tilespmem:v31+s6+$0x0], $0xffff;
	v28 =	vnsel vm1, $0x0, v28  }
0x16d: {  	v27 =	vld.idx.msk [tilespmem:v50+s25+$0x0], $0xffff;
	vm1 =	vgt.s32 v46, $0x3;
	v26 =	vadd.f32 v28, v26  }
0x16e: {  	v53 =	vadd.s32 s10, v18;
	v33 =	vld.idx.msk [tilespmem:v33+s6+$0x0], $0xffff;
	v29 =	vnsel vm1, $0x0, v29  }
0x16f: {  	v54 =	vadd.s32 s10, v19;
	vm1 =	vgt.s32 v46, $0x4;
	v28 =	vld.idx.msk [tilespmem:v51+s25+$0x0], $0xffff;
	v26 =	vadd.f32 v29, v26  }
0x170: {  	v34 =	vld.idx.msk [tilespmem:v34+s6+$0x0], $0xffff;
	v30 =	vnsel vm1, $0x0, v30  }
0x171: {  	v55 =	vadd.s32 s10, v20;
	vm1 =	vgt.s32 v46, $0x5;
	v29 =	vld.idx.msk [tilespmem:v52+s25+$0x0], $0xffff;
	v26 =	vadd.f32 v30, v26  }
0x172: {  	v35 =	vld.idx.msk [tilespmem:v35+s6+$0x0], $0xffff;
	v31 =	vnsel vm1, $0x0, v31  }
0x173: {  	v56 =	vadd.s32 s10, v21;
	vm1 =	vgt.s32 v46, $0x6;
	v30 =	vld.idx.msk [tilespmem:v53+s25+$0x0], $0xffff;
	v26 =	vadd.f32 v31, v26  }
0x174: {  	v33 =	vnsel vm1, $0x0, v33;
	v31 =	vld.idx.msk [tilespmem:v54+s25+$0x0], $0xffff  }
0x175: {  	v57 =	vadd.s32 s10, v22;
	vm1 =	vgt.s32 v46, $0x7;
	v27 =	vld.idx.msk [tilespmem:v27+s6+$0x0], $0xffff;
	v26 =	vadd.f32 v33, v26  }
0x176: {  	v58 =	vld.idx.msk [tilespmem:v55+s25+$0x0], $0xffff;
	v34 =	vnsel vm1, $0x0, v34  }
0x177: {  	v59 =	vadd.s32 s10, v23;
	vm1 =	vgt.s32 v46, $0x8;
	v28 =	vld.idx.msk [tilespmem:v28+s6+$0x0], $0xffff;
	v26 =	vadd.f32 v34, v26  }
0x178: {  	v60 =	vld.idx.msk [tilespmem:v56+s25+$0x0], $0xffff;
	v35 =	vnsel vm1, $0x0, v35  }
0x179: {  	vm1 =	vgt.s32 v46, $0x9;
	v29 =	vld.idx.msk [tilespmem:v29+s6+$0x0], $0xffff;
	v26 =	vadd.f32 v35, v26  }
0x17a: {  	v61 =	vadd.s32 s10, v24;
	v62 =	vld.idx.msk [tilespmem:v57+s25+$0x0], $0xffff;
	v27 =	vnsel vm1, $0x0, v27  }
0x17b: {  	vm1 =	vgt.s32 v46, $0xA;
	v30 =	vld.idx.msk [tilespmem:v30+s6+$0x0], $0xffff;
	v26 =	vadd.f32 v27, v26  }
0x17c: {  	v63 =	vadd.s32 s10, v25;
	v28 =	vnsel vm1, $0x0, v28;
	v27 =	vld.idx.msk [tilespmem:v59+s25+$0x0], $0xffff  }
0x17d: {  	vm1 =	vgt.s32 v46, $0xB;
	v31 =	vld.idx.msk [tilespmem:v31+s6+$0x0], $0xffff;
	v26 =	vadd.f32 v28, v26  }
0x17e: {  	v33 =	vld.idx.msk [tilespmem:v58+s6+$0x0], $0xffff;
	v29 =	vnsel vm1, $0x0, v29  }
0x17f: {  	vm1 =	vgt.s32 v46, $0xC;
	v28 =	vld.idx.msk [tilespmem:v61+s25+$0x0], $0xffff;
	v26 =	vadd.f32 v29, v26  }
0x180: {  	v34 =	vld.idx.msk [tilespmem:v60+s6+$0x0], $0xffff;
	v30 =	vnsel vm1, $0x0, v30  }
0x181: {  	vm1 =	vgt.s32 v46, $0xD;
	v29 =	vld.idx.msk [tilespmem:v63+s25+$0x0], $0xffff;
	v26 =	vadd.f32 v30, v26  }
0x182: {  	v30 =	vnsel vm1, $0x0, v31  }
0x183: {  	v31 =	vld.idx.msk [tilespmem:v62+s6+$0x0], $0xffff;
	vm1 =	vgt.s32 v46, $0xE;
	v26 =	vadd.f32 v30, v26  }
0x184: {  	v30 =	vnsel vm1, $0x0, v33  }
0x185: {  	v27 =	vld.idx.msk [tilespmem:v27+s6+$0x0], $0xffff;
	vm1 =	vgt.s32 v46, $0xF;
	v26 =	vadd.f32 v30, v26  }
0x186: {  	v30 =	vnsel vm1, $0x0, v34  }
0x187: {  	v28 =	vld.idx.msk [tilespmem:v28+s6+$0x0], $0xffff;
	vm1 =	vgt.s32 v46, $0x10;
	v26 =	vadd.f32 v30, v26  }
0x188: {  	v30 =	vnsel vm1, $0x0, v31  }
0x189: {  	v29 =	vld.idx.msk [tilespmem:v29+s6+$0x0], $0xffff;
	vm1 =	vgt.s32 v46, $0x11;
	v26 =	vadd.f32 v30, v26  }
0x18a: {  	v27 =	vnsel vm1, $0x0, v27  }
0x18b: {  	vm1 =	vgt.s32 v46, $0x12;
	v26 =	vadd.f32 v27, v26  }
0x18c: {  	v28 =	vnsel vm1, $0x0, v28;
	v27 =	vld.idx.msk [tilespmem:v46+s29+$0x0], $0xffff  }
0x18d: {  	vm1 =	vgt.s32 v46, $0x13;
	v26 =	vadd.f32 v28, v26  }
0x18e: {  	v28 =	vnsel vm1, $0x0, v29;
	v29 =	vld [tilespmem:$0x1F400]  }
0x18f: {  	v26 =	vadd.f32 v28, v26;
	_ =	sdelay $0x1  }
0x190: {  	v26 =	vadd.f32 v26, v27;
	_ =	sdelay $0x1  }
0x191: {  	vm1 =	vgt.f32 v26, v29  }
0x192: {  	v27 =	vsel vm1, $0x3F800000, v6  }
0x193: {  	(xrf0) =	vmax.scan.msk.f32 $0xffff, v27;
	_ =	sdelay $0x5  }
0x194: {  	v27, _, _ =	vpop (xrf0)  }
0x195: {  	(v2sf) =	vpush v27, $0xF;
	_ =	sdelay $0xe  }
0x196: {  	s16 =	spop (v2sf)  }
0x197: {  	p2 =	sgt.f32 s16, $0.0e+00;
	_ =	sdelay $0x1  }
0x198: {  	v27 =	vlaneseq.u32 @p2  }
0x199: {  	v28 =	vor.u32 @p2 s19, v27  }
0x19a: {  	(xrf1) =	vsort.dscd.msk.f32 @p2 $0xffff, v26, v28;
	_ =	sdelay $0xa  }
0x19b: {  	v26 =	vld @p2 [tilespmem:$0x1F390]  }
0x19c: {  	v27 =	vmul.u32 @p2 $0xFFFFFFFF, v27;
	v28 =	vld @p2 [tilespmem:$0x1F310];
	_ =	sdelay $0x1  }
0x19d: {  	v27 =	vadd.s32 @p2 $0xF, v27;
	v29, v30, _ =	vpop @p2 (xrf1)  }
0x19e: {  	v29 =	vperm.xlane @p2 v29, v27;
	v30 =	vperm.xlane @p2 v30, v27;
	_ =	sdelay $0x1  }
0x19f: {  	vm1 =	veq.f32 @p2 v28, v29;
	vm2 =	vlt.s32 @p2 v26, v30  }
0x1a0: {  	vm3 =	vgt.f32 @p2 v28, v29;
	vm1 =	vmand @p2 vm1, vm2  }
0x1a1: {  	vm1 =	vmor @p2 vm3, vm1  }
0x1a2: {  	v28 =	vsel @p2 vm1, v28, v29;
	v26 =	vsel @p2 vm1, v26, v30  }
0x1a3: {  	(xrf1) =	vsort.dscd.msk.f32 @p2 $0xffff, v28, v26;
	_ =	sdelay $0xa  }
0x1a4: {  	v26 =	vld @p2 [tilespmem:$0x1F380]  }
0x1a5: {  	v28 =	vld @p2 [tilespmem:$0x1F300];
	_ =	sdelay $0x1  }
0x1a6: {  	v29, v30, _ =	vpop @p2 (xrf1)  }
0x1a7: {  	v29 =	vperm.xlane @p2 v29, v27;
	v27 =	vperm.xlane @p2 v30, v27;
	_ =	sdelay $0x1  }
0x1a8: {  	vm1 =	veq.f32 @p2 v28, v29;
	vm2 =	vlt.s32 @p2 v26, v27  }
0x1a9: {  	vm3 =	vgt.f32 @p2 v28, v29;
	vm1 =	vmand @p2 vm1, vm2  }
0x1aa: {  	vm1 =	vmor @p2 vm3, vm1  }
0x1ab: {  	v30 =	vsel @p2 vm1, v29, v28;
	v31 =	vsel @p2 vm1, v27, v26  }
0x1ac: {  	(xrf1) =	vsort.dscd.msk.f32 @p2 $0xffff, v30, v31;
	_ =	sdelay $0x3  }
0x1ad: {  	v28 =	vsel @p2 vm1, v28, v29;
	v26 =	vsel @p2 vm1, v26, v27  }
0x1ae: {  	(xrf1) =	vsort.dscd.msk.f32 @p2 $0xffff, v28, v26;
	_ =	sdelay $0x8  }
0x1af: {  	v26, v27, _ =	vpop @p2 (xrf1)  }
0x1b0: {  	(xrf0) =	vmin.scan.msk.f32 @p2 $0xffff, v26;
	_ =	sdelay $0x3  }
0x1b1: {  	s8 =	simm.s32 $0x140;
	[tilespmem:$0x1F310] =	vst @p2 v26;
	v26, v28, _ =	vpop @p2 (xrf1)  }
0x1b2: {  	[tilespmem:$0x1F380] =	vst @p2 v28;
	v28 =	vadd.s32 s8, v2  }
0x1b3: {  	[tilespmem:$0x1F390] =	vst @p2 v27;
	v29, _, _ =	vpop @p2 (xrf0)  }
0x1b4: {  	s9 =	simm.s32 $0x280;
	s16 =	smov.u32 s19;
	v27 =	vadd.s32 s8, v7;
	[tilespmem:$0x1F300] =	vst @p2 v26;
	v26 =	vadd.s32 s8, v8;
	v29 =	vbroadcast @p2 v29, $0xF  }
.LBB2_5:
0x1b5: {  	s1 =	sadd.s32 $0x10, s1  }
0x1b6: {  	v30 =	vadd.s32 s9, v8;
	s16 =	sadd.s32 $0x10, s16;
	s10 =	smov.u32 s9;
	s9 =	sadd.s32 $0x140, s9;
	[tilespmem:$0x1F400] =	vst @p2 v29  }
0x1b7: {  	p1 =	sne.s32 s9, $0x2800;
	v28 =	vld.idx.msk [tilespmem:v28+s25+$0x0], $0xffff  }
0x1b8: {  	v29 =	vadd.s32 s8, v9  }
0x1b9: {  	v32 =	vadd.s32 s8, v10;
	v31 =	vld.idx.msk [tilespmem:v27+s25+$0x0], $0xffff;
	_ =	sdelay $0x1  }
0x1ba: {  	v34 =	vadd.s32 s8, v11;
	v33 =	vld.idx.msk [tilespmem:v26+s25+$0x0], $0xffff;
	v26 =	vmov v30  }
0x1bb: {  	v27 =	vld [tilespmem:s1+$0x0]  }
0x1bc: {  	v30 =	vadd.s32 s8, v12;
	v29 =	vld.idx.msk [tilespmem:v29+s25+$0x0], $0xffff  }
0x1bd: {  	v32 =	vld.idx.msk [tilespmem:v32+s25+$0x0], $0xffff  }
0x1be: {  	v35 =	vadd.s32 s8, v13;
	v28 =	vld.idx.msk [tilespmem:v28+s6+$0x0], $0xffff  }
0x1bf: {  	v34 =	vld.idx.msk [tilespmem:v34+s25+$0x0], $0xffff  }
0x1c0: {  	v31 =	vld.idx.msk [tilespmem:v31+s6+$0x0], $0xffff  }
0x1c1: {  	v36 =	vadd.s32 s8, v14;
	v30 =	vld.idx.msk [tilespmem:v30+s25+$0x0], $0xffff  }
0x1c2: {  	v37 =	vadd.s32 s8, v15;
	v33 =	vld.idx.msk [tilespmem:v33+s6+$0x0], $0xffff  }
0x1c3: {  	v35 =	vld.idx.msk [tilespmem:v35+s25+$0x0], $0xffff  }
0x1c4: {  	v38 =	vadd.s32 s8, v16;
	v28 =	vadd.f32 $0.0e+00, v28;
	v29 =	vld.idx.msk [tilespmem:v29+s6+$0x0], $0xffff  }
0x1c5: {  	vm1 =	vgt.s32 v27, $0x0;
	vm2 =	vgt.s32 v27, $0x1;
	v32 =	vld.idx.msk [tilespmem:v32+s6+$0x0], $0xffff  }
0x1c6: {  	v39 =	vadd.s32 s8, v17;
	v28 =	vnsel vm1, $0x0, v28;
	v31 =	vnsel vm2, $0x0, v31;
	v36 =	vld.idx.msk [tilespmem:v36+s25+$0x0], $0xffff  }
0x1c7: {  	vm1 =	vgt.s32 v27, $0x2;
	v28 =	vadd.f32 v31, v28;
	v31 =	vld.idx.msk [tilespmem:v37+s25+$0x0], $0xffff  }
0x1c8: {  	v33 =	vnsel vm1, $0x0, v33;
	v37 =	vadd.s32 s8, v18;
	v34 =	vld.idx.msk [tilespmem:v34+s6+$0x0], $0xffff  }
0x1c9: {  	vm1 =	vgt.s32 v27, $0x3;
	v28 =	vadd.f32 v33, v28;
	v33 =	vld.idx.msk [tilespmem:v38+s25+$0x0], $0xffff  }
0x1ca: {  	v29 =	vnsel vm1, $0x0, v29;
	v38 =	vadd.s32 s8, v19;
	v30 =	vld.idx.msk [tilespmem:v30+s6+$0x0], $0xffff  }
0x1cb: {  	vm1 =	vgt.s32 v27, $0x4;
	v28 =	vadd.f32 v29, v28;
	v29 =	vld.idx.msk [tilespmem:v39+s25+$0x0], $0xffff  }
0x1cc: {  	v32 =	vnsel vm1, $0x0, v32;
	v39 =	vadd.s32 s8, v20;
	v35 =	vld.idx.msk [tilespmem:v35+s6+$0x0], $0xffff  }
0x1cd: {  	vm1 =	vgt.s32 v27, $0x5;
	v28 =	vadd.f32 v32, v28;
	v32 =	vld.idx.msk [tilespmem:v37+s25+$0x0], $0xffff  }
0x1ce: {  	v34 =	vnsel vm1, $0x0, v34;
	v37 =	vadd.s32 s8, v21;
	v36 =	vld.idx.msk [tilespmem:v36+s6+$0x0], $0xffff  }
0x1cf: {  	vm1 =	vgt.s32 v27, $0x6;
	v28 =	vadd.f32 v34, v28;
	v34 =	vld.idx.msk [tilespmem:v38+s25+$0x0], $0xffff  }
0x1d0: {  	v30 =	vnsel vm1, $0x0, v30;
	v38 =	vadd.s32 s8, v22;
	v31 =	vld.idx.msk [tilespmem:v31+s6+$0x0], $0xffff  }
0x1d1: {  	vm1 =	vgt.s32 v27, $0x7;
	v28 =	vadd.f32 v30, v28;
	v30 =	vld.idx.msk [tilespmem:v39+s25+$0x0], $0xffff  }
0x1d2: {  	v35 =	vnsel vm1, $0x0, v35;
	v39 =	vadd.s32 s8, v23;
	v33 =	vld.idx.msk [tilespmem:v33+s6+$0x0], $0xffff  }
0x1d3: {  	vm1 =	vgt.s32 v27, $0x8;
	v28 =	vadd.f32 v35, v28;
	v35 =	vld.idx.msk [tilespmem:v37+s25+$0x0], $0xffff  }
0x1d4: {  	v36 =	vnsel vm1, $0x0, v36;
	v37 =	vadd.s32 s8, v24;
	v29 =	vld.idx.msk [tilespmem:v29+s6+$0x0], $0xffff  }
0x1d5: {  	vm1 =	vgt.s32 v27, $0x9;
	v28 =	vadd.f32 v36, v28;
	v36 =	vld.idx.msk [tilespmem:v38+s25+$0x0], $0xffff  }
0x1d6: {  	v31 =	vnsel vm1, $0x0, v31;
	v38 =	vadd.s32 s8, v25;
	s8 =	smov.u32 s10;
	v32 =	vld.idx.msk [tilespmem:v32+s6+$0x0], $0xffff  }
0x1d7: {  	vm1 =	vgt.s32 v27, $0xA;
	v28 =	vadd.f32 v31, v28;
	v31 =	vld.idx.msk [tilespmem:v39+s25+$0x0], $0xffff  }
0x1d8: {  	v33 =	vnsel vm1, $0x0, v33;
	v34 =	vld.idx.msk [tilespmem:v34+s6+$0x0], $0xffff  }
0x1d9: {  	vm1 =	vgt.s32 v27, $0xB;
	v28 =	vadd.f32 v33, v28;
	v33 =	vld.idx.msk [tilespmem:v37+s25+$0x0], $0xffff  }
0x1da: {  	v29 =	vnsel vm1, $0x0, v29;
	v30 =	vld.idx.msk [tilespmem:v30+s6+$0x0], $0xffff  }
0x1db: {  	vm1 =	vgt.s32 v27, $0xC;
	v28 =	vadd.f32 v29, v28;
	v29 =	vld.idx.msk [tilespmem:v38+s25+$0x0], $0xffff  }
0x1dc: {  	v32 =	vnsel vm1, $0x0, v32;
	v35 =	vld.idx.msk [tilespmem:v35+s6+$0x0], $0xffff  }
0x1dd: {  	vm1 =	vgt.s32 v27, $0xD;
	v28 =	vadd.f32 v32, v28  }
0x1de: {  	v32 =	vnsel vm1, $0x0, v34;
	v34 =	vld.idx.msk [tilespmem:v36+s6+$0x0], $0xffff  }
0x1df: {  	vm1 =	vgt.s32 v27, $0xE;
	v28 =	vadd.f32 v32, v28  }
0x1e0: {  	v30 =	vnsel vm1, $0x0, v30;
	v31 =	vld.idx.msk [tilespmem:v31+s6+$0x0], $0xffff  }
0x1e1: {  	vm1 =	vgt.s32 v27, $0xF;
	v28 =	vadd.f32 v30, v28  }
0x1e2: {  	v30 =	vnsel vm1, $0x0, v35;
	v32 =	vld.idx.msk [tilespmem:v33+s6+$0x0], $0xffff  }
0x1e3: {  	vm1 =	vgt.s32 v27, $0x10;
	v28 =	vadd.f32 v30, v28  }
0x1e4: {  	v30 =	vnsel vm1, $0x0, v34;
	v29 =	vld.idx.msk [tilespmem:v29+s6+$0x0], $0xffff  }
0x1e5: {  	vm1 =	vgt.s32 v27, $0x11;
	v28 =	vadd.f32 v30, v28  }
0x1e6: {  	v30 =	vnsel vm1, $0x0, v31  }
0x1e7: {  	vm1 =	vgt.s32 v27, $0x12;
	v28 =	vadd.f32 v30, v28;
	v30 =	vld.idx.msk [tilespmem:v27+s29+$0x0], $0xffff  }
0x1e8: {  	v31 =	vnsel vm1, $0x0, v32  }
0x1e9: {  	vm1 =	vgt.s32 v27, $0x13;
	v28 =	vadd.f32 v31, v28  }
0x1ea: {  	v27 =	vnsel vm1, $0x0, v29;
	v29 =	vld [tilespmem:$0x1F400]  }
0x1eb: {  	v27 =	vadd.f32 v27, v28;
	_ =	sdelay $0x1  }
0x1ec: {  	v27 =	vadd.f32 v27, v30;
	_ =	sdelay $0x1  }
0x1ed: {  	vm1 =	vgt.f32 v27, v29  }
0x1ee: {  	v28 =	vsel vm1, $0x3F800000, v6  }
0x1ef: {  	(xrf0) =	vmax.scan.msk.f32 $0xffff, v28;
	_ =	sdelay $0x5  }
0x1f0: {  	v28, _, _ =	vpop (xrf0)  }
0x1f1: {  	(v2sf) =	vpush v28, $0xF;
	_ =	sdelay $0xe  }
0x1f2: {  	s10 =	spop (v2sf)  }
0x1f3: {  	p2 =	sgt.f32 s10, $0.0e+00;
	_ =	sdelay $0x1  }
0x1f4: {  	v28 =	vlaneseq.u32 @p2  }
0x1f5: {  	v29 =	vor.u32 @p2 s16, v28;
	v28 =	vmul.u32 @p2 $0xFFFFFFFF, v28  }
0x1f6: {  	(xrf1) =	vsort.dscd.msk.f32 @p2 $0xffff, v27, v29;
	_ =	sdelay $0xa  }
0x1f7: {  	v27 =	vld @p2 [tilespmem:$0x1F390]  }
0x1f8: {  	v29 =	vld @p2 [tilespmem:$0x1F310];
	_ =	sdelay $0x1  }
0x1f9: {  	v28 =	vadd.s32 @p2 $0xF, v28;
	v30, v31, _ =	vpop @p2 (xrf1)  }
0x1fa: {  	v30 =	vperm.xlane @p2 v30, v28;
	v31 =	vperm.xlane @p2 v31, v28;
	_ =	sdelay $0x1  }
0x1fb: {  	vm1 =	vgt.f32 @p2 v29, v30;
	vm2 =	veq.f32 @p2 v29, v30;
	vm3 =	vlt.s32 @p2 v27, v31  }
0x1fc: {  	vm2 =	vmand @p2 vm2, vm3  }
0x1fd: {  	vm1 =	vmor @p2 vm1, vm2  }
0x1fe: {  	v29 =	vsel @p2 vm1, v29, v30;
	v27 =	vsel @p2 vm1, v27, v31  }
0x1ff: {  	(xrf1) =	vsort.dscd.msk.f32 @p2 $0xffff, v29, v27;
	_ =	sdelay $0xa  }
0x200: {  	v27 =	vld @p2 [tilespmem:$0x1F380]  }
0x201: {  	v29 =	vld @p2 [tilespmem:$0x1F300];
	_ =	sdelay $0x1  }
0x202: {  	v30, v31, _ =	vpop @p2 (xrf1)  }
0x203: {  	v30 =	vperm.xlane @p2 v30, v28;
	v28 =	vperm.xlane @p2 v31, v28;
	_ =	sdelay $0x1  }
0x204: {  	vm1 =	vgt.f32 @p2 v29, v30;
	vm2 =	veq.f32 @p2 v29, v30;
	vm3 =	vlt.s32 @p2 v27, v28  }
0x205: {  	vm2 =	vmand @p2 vm2, vm3  }
0x206: {  	vm1 =	vmor @p2 vm1, vm2  }
0x207: {  	v31 =	vsel @p2 vm1, v29, v30;
	v29 =	vsel @p2 vm1, v30, v29;
	v30 =	vsel @p2 vm1, v28, v27  }
0x208: {  	v27 =	vsel @p2 vm1, v27, v28;
	(xrf1) =	vsort.dscd.msk.f32 @p2 $0xffff, v29, v30  }
0x209: {  	(xrf1) =	vsort.dscd.msk.f32 @p2 $0xffff, v31, v27;
	_ =	sdelay $0xc  }
0x20a: {  	v27, v28, _ =	vpop @p2 (xrf1)  }
0x20b: {  	[tilespmem:$0x1F310] =	vst @p2 v27;
	v29, v30, _ =	vpop @p2 (xrf1);
	(xrf0) =	vmin.scan.msk.f32 @p2 $0xffff, v27  }
0x20c: {  	[tilespmem:$0x1F300] =	vst @p2 v29  }
0x20d: {  	[tilespmem:$0x1F380] =	vst @p2 v30  }
.Ltmp1:
0x20e: {  	[tilespmem:$0x1F390] =	vst @p2 v28;
	(pc) =	sbr.rel @p1 .LBB2_5-.Ltmp1, $4  }
0x20f: {  	_ = 	snop  }
0x210: {  	v28 =	vadd.s32 s8, v2  }
0x211: {  	v29, _, _ =	vpop @p2 (xrf0)  }
0x212: {  	v27 =	vadd.s32 s8, v7;
	v29 =	vbroadcast @p2 v29, $0xF  }
0x213: {  	_ =	sdelay $0x2  }
0x214: {  	[tilespmem:$0x1F400] =	vst @p2 v29  }
0x215: {  	v28 =	vld.idx.msk [tilespmem:v28+s25+$0x0], $0xffff  }
0x216: {  	v39 =	vadd.s32 s8, v9  }
0x217: {  	v30 =	vadd.s32 s8, v10;
	v27 =	vld.idx.msk [tilespmem:v27+s25+$0x0], $0xffff;
	_ =	sdelay $0x1  }
0x218: {  	s1 =	sadd.s32 $0x10, s1;
	v31 =	vadd.s32 s8, v11;
	v26 =	vld.idx.msk [tilespmem:v26+s25+$0x0], $0xffff  }
0x219: {  	v32 =	vld [tilespmem:s1+$0x0]  }
0x21a: {  	v33 =	vadd.s32 s8, v12;
	v29 =	vld.idx.msk [tilespmem:v39+s25+$0x0], $0xffff  }
0x21b: {  	v30 =	vld.idx.msk [tilespmem:v30+s25+$0x0], $0xffff  }
0x21c: {  	v34 =	vadd.s32 s8, v13;
	v28 =	vld.idx.msk [tilespmem:v28+s6+$0x0], $0xffff  }
0x21d: {  	v31 =	vld.idx.msk [tilespmem:v31+s25+$0x0], $0xffff  }
0x21e: {  	v35 =	vadd.s32 s8, v14;
	v27 =	vld.idx.msk [tilespmem:v27+s6+$0x0], $0xffff  }
0x21f: {  	v33 =	vld.idx.msk [tilespmem:v33+s25+$0x0], $0xffff  }
0x220: {  	v36 =	vadd.s32 s8, v15;
	v26 =	vld.idx.msk [tilespmem:v26+s6+$0x0], $0xffff  }
0x221: {  	v34 =	vld.idx.msk [tilespmem:v34+s25+$0x0], $0xffff;
	v28 =	vadd.f32 $0.0e+00, v28  }
0x222: {  	vm1 =	vgt.s32 v32, $0x0;
	vm2 =	vgt.s32 v32, $0x1;
	v29 =	vld.idx.msk [tilespmem:v29+s6+$0x0], $0xffff  }
0x223: {  	v37 =	vadd.s32 s8, v16;
	v35 =	vld.idx.msk [tilespmem:v35+s25+$0x0], $0xffff;
	v27 =	vnsel vm2, $0x0, v27;
	v28 =	vnsel vm1, $0x0, v28  }
0x224: {  	v38 =	vadd.s32 s8, v17;
	v30 =	vld.idx.msk [tilespmem:v30+s6+$0x0], $0xffff;
	vm1 =	vgt.s32 v32, $0x2;
	v27 =	vadd.f32 v27, v28  }
0x225: {  	v40 =	vld.idx.msk [tilespmem:v36+s25+$0x0], $0xffff;
	v26 =	vnsel vm1, $0x0, v26  }
0x226: {  	v41 =	vadd.s32 s8, v18;
	v31 =	vld.idx.msk [tilespmem:v31+s6+$0x0], $0xffff;
	vm1 =	vgt.s32 v32, $0x3;
	v26 =	vadd.f32 v26, v27  }
0x227: {  	v33 =	vld.idx.msk [tilespmem:v33+s6+$0x0], $0xffff;
	v29 =	vnsel vm1, $0x0, v29  }
0x228: {  	v42 =	vadd.s32 s8, v19;
	vm1 =	vgt.s32 v32, $0x4;
	v27 =	vld.idx.msk [tilespmem:v37+s25+$0x0], $0xffff;
	v26 =	vadd.f32 v29, v26  }
0x229: {  	v43 =	vld.idx.msk [tilespmem:v38+s25+$0x0], $0xffff;
	v30 =	vnsel vm1, $0x0, v30  }
0x22a: {  	v44 =	vadd.s32 s8, v20;
	v34 =	vld.idx.msk [tilespmem:v34+s6+$0x0], $0xffff;
	vm1 =	vgt.s32 v32, $0x5;
	v26 =	vadd.f32 v30, v26  }
0x22b: {  	v45 =	vld.idx.msk [tilespmem:v41+s25+$0x0], $0xffff;
	v31 =	vnsel vm1, $0x0, v31  }
0x22c: {  	v46 =	vadd.s32 s8, v21;
	v35 =	vld.idx.msk [tilespmem:v35+s6+$0x0], $0xffff;
	vm1 =	vgt.s32 v32, $0x6;
	v26 =	vadd.f32 v31, v26  }
0x22d: {  	v47 =	vld.idx.msk [tilespmem:v42+s25+$0x0], $0xffff;
	v33 =	vnsel vm1, $0x0, v33  }
0x22e: {  	v48 =	vadd.s32 s8, v22;
	v28 =	vld.idx.msk [tilespmem:v40+s6+$0x0], $0xffff;
	vm1 =	vgt.s32 v32, $0x7;
	v26 =	vadd.f32 v33, v26  }
0x22f: {  	v49 =	vld.idx.msk [tilespmem:v44+s25+$0x0], $0xffff;
	v34 =	vnsel vm1, $0x0, v34  }
0x230: {  	v50 =	vadd.s32 s8, v23;
	vm1 =	vgt.s32 v32, $0x8;
	v27 =	vld.idx.msk [tilespmem:v27+s6+$0x0], $0xffff;
	v26 =	vadd.f32 v34, v26  }
0x231: {  	v51 =	vld.idx.msk [tilespmem:v46+s25+$0x0], $0xffff;
	v35 =	vnsel vm1, $0x0, v35  }
0x232: {  	v29 =	vld.idx.msk [tilespmem:v43+s6+$0x0], $0xffff;
	vm1 =	vgt.s32 v32, $0x9;
	v26 =	vadd.f32 v35, v26  }
0x233: {  	v52 =	vadd.s32 s8, v24;
	v53 =	vld.idx.msk [tilespmem:v48+s25+$0x0], $0xffff;
	v28 =	vnsel vm1, $0x0, v28  }
0x234: {  	v54 =	vadd.s32 s8, v25;
	v30 =	vld.idx.msk [tilespmem:v45+s6+$0x0], $0xffff;
	vm1 =	vgt.s32 v32, $0xA;
	v26 =	vadd.f32 v28, v26  }
0x235: {  	v55 =	vld.idx.msk [tilespmem:v50+s25+$0x0], $0xffff;
	v27 =	vnsel vm1, $0x0, v27  }
0x236: {  	v31 =	vld.idx.msk [tilespmem:v47+s6+$0x0], $0xffff;
	vm1 =	vgt.s32 v32, $0xB;
	v26 =	vadd.f32 v27, v26  }
0x237: {  	v33 =	vld.idx.msk [tilespmem:v49+s6+$0x0], $0xffff;
	v29 =	vnsel vm1, $0x0, v29  }
0x238: {  	vm1 =	vgt.s32 v32, $0xC;
	v27 =	vld.idx.msk [tilespmem:v52+s25+$0x0], $0xffff;
	v26 =	vadd.f32 v29, v26  }
0x239: {  	v56 =	vld.idx.msk [tilespmem:v54+s25+$0x0], $0xffff;
	v30 =	vnsel vm1, $0x0, v30  }
0x23a: {  	v34 =	vld.idx.msk [tilespmem:v51+s6+$0x0], $0xffff;
	vm1 =	vgt.s32 v32, $0xD;
	v26 =	vadd.f32 v30, v26  }
0x23b: {  	v57 =	vnsel vm1, $0x0, v31  }
0x23c: {  	v58 =	vld.idx.msk [tilespmem:v53+s6+$0x0], $0xffff;
	vm1 =	vgt.s32 v32, $0xE;
	v26 =	vadd.f32 v57, v26  }
0x23d: {  	v59 =	vnsel vm1, $0x0, v33  }
0x23e: {  	v28 =	vld.idx.msk [tilespmem:v55+s6+$0x0], $0xffff;
	vm1 =	vgt.s32 v32, $0xF;
	v26 =	vadd.f32 v59, v26  }
0x23f: {  	v60 =	vnsel vm1, $0x0, v34  }
0x240: {  	vm1 =	vgt.s32 v32, $0x10;
	v27 =	vld.idx.msk [tilespmem:v27+s6+$0x0], $0xffff;
	v26 =	vadd.f32 v60, v26  }
0x241: {  	v61 =	vnsel vm1, $0x0, v58  }
0x242: {  	v29 =	vld.idx.msk [tilespmem:v56+s6+$0x0], $0xffff;
	vm1 =	vgt.s32 v32, $0x11;
	v26 =	vadd.f32 v61, v26  }
0x243: {  	v28 =	vnsel vm1, $0x0, v28  }
0x244: {  	vm1 =	vgt.s32 v32, $0x12;
	v26 =	vadd.f32 v28, v26  }
0x245: {  	v62 =	vld.idx.msk [tilespmem:v32+s29+$0x0], $0xffff;
	v27 =	vnsel vm1, $0x0, v27  }
0x246: {  	vm1 =	vgt.s32 v32, $0x13;
	v26 =	vadd.f32 v27, v26  }
0x247: {  	v63 =	vld [tilespmem:$0x1F400];
	v27 =	vnsel vm1, $0x0, v29  }
0x248: {  	v26 =	vadd.f32 v27, v26;
	_ =	sdelay $0x1  }
0x249: {  	v26 =	vadd.f32 v26, v62;
	_ =	sdelay $0x1  }
0x24a: {  	vm1 =	vgt.f32 v26, v63  }
0x24b: {  	v27 =	vsel vm1, $0x3F800000, v6  }
0x24c: {  	(xrf0) =	vmax.scan.msk.f32 $0xffff, v27;
	_ =	sdelay $0x5  }
0x24d: {  	v27, _, _ =	vpop (xrf0)  }
0x24e: {  	(v2sf) =	vpush v27, $0xF;
	_ =	sdelay $0xe  }
0x24f: {  	s10 =	spop (v2sf)  }
0x250: {  	p1 =	sgt.f32 s10, $0.0e+00;
	_ =	sdelay $0x1  }
0x251: {  	s1 =	sadd.s32 $0x10, s16;
	v27 =	vlaneseq.u32 @p1  }
0x252: {  	v28 =	vor.u32 @p1 s1, v27  }
0x253: {  	(xrf1) =	vsort.dscd.msk.f32 @p1 $0xffff, v26, v28;
	_ =	sdelay $0xa  }
0x254: {  	v26 =	vld @p1 [tilespmem:$0x1F390]  }
0x255: {  	v27 =	vmul.u32 @p1 $0xFFFFFFFF, v27;
	v28 =	vld @p1 [tilespmem:$0x1F310];
	_ =	sdelay $0x1  }
0x256: {  	v27 =	vadd.s32 @p1 $0xF, v27;
	v29, v30, _ =	vpop @p1 (xrf1)  }
0x257: {  	v29 =	vperm.xlane @p1 v29, v27;
	v30 =	vperm.xlane @p1 v30, v27;
	_ =	sdelay $0x1  }
0x258: {  	vm1 =	veq.f32 @p1 v28, v29;
	vm2 =	vlt.s32 @p1 v26, v30  }
0x259: {  	vm3 =	vgt.f32 @p1 v28, v29;
	vm1 =	vmand @p1 vm1, vm2  }
0x25a: {  	vm1 =	vmor @p1 vm3, vm1  }
0x25b: {  	v28 =	vsel @p1 vm1, v28, v29;
	v26 =	vsel @p1 vm1, v26, v30  }
0x25c: {  	(xrf1) =	vsort.dscd.msk.f32 @p1 $0xffff, v28, v26;
	_ =	sdelay $0xa  }
0x25d: {  	v26 =	vld @p1 [tilespmem:$0x1F380]  }
0x25e: {  	v28 =	vld @p1 [tilespmem:$0x1F300];
	_ =	sdelay $0x1  }
0x25f: {  	v29, v30, _ =	vpop @p1 (xrf1)  }
0x260: {  	v29 =	vperm.xlane @p1 v29, v27;
	v27 =	vperm.xlane @p1 v30, v27;
	_ =	sdelay $0x1  }
0x261: {  	vm1 =	veq.f32 @p1 v28, v29;
	vm2 =	vlt.s32 @p1 v26, v27  }
0x262: {  	vm3 =	vgt.f32 @p1 v28, v29;
	vm1 =	vmand @p1 vm1, vm2  }
0x263: {  	vm1 =	vmor @p1 vm3, vm1  }
0x264: {  	v30 =	vsel @p1 vm1, v29, v28;
	v31 =	vsel @p1 vm1, v27, v26  }
0x265: {  	(xrf1) =	vsort.dscd.msk.f32 @p1 $0xffff, v30, v31;
	_ =	sdelay $0x4  }
0x266: {  	v28 =	vsel @p1 vm1, v28, v29;
	v26 =	vsel @p1 vm1, v26, v27  }
0x267: {  	(xrf1) =	vsort.dscd.msk.f32 @p1 $0xffff, v28, v26;
	_ =	sdelay $0x7  }
0x268: {  	v26, v27, _ =	vpop @p1 (xrf1)  }
0x269: {  	(xrf0) =	vmin.scan.msk.f32 @p1 $0xffff, v26;
	_ =	sdelay $0x4  }
.Ltmp2:
0x26a: {  	[tilespmem:$0x1F310] =	vst @p1 v26;
	v26, v28, _ =	vpop @p1 (xrf1);
	(pc) =	sbr.rel @p0 .LBB2_8-.Ltmp2, $4  }
0x26b: {  	[tilespmem:$0x1F300] =	vst @p1 v26;
	v26, _, _ =	vpop @p1 (xrf0)  }
0x26c: {  	[tilespmem:$0x1F390] =	vst @p1 v27;
	v26 =	vbroadcast @p1 v26, $0xF  }
0x26d: {  	[tilespmem:$0x1F380] =	vst @p1 v28  }
0x26e: {  	[tilespmem:$0x1F400] =	vst @p1 v26  }
0x26f: {  	s1 =	sadd.s32 s5, s12  }
0x270: {  	s5 =	smul.u32 $0x14, s1;
	_ =	sdelay $0x1  }
.Ltmp3:
0x271: {  	s5 =	sshrl.u32 s5, $0x3;
	(pc) =	sbr.rel .LBB2_2-.Ltmp3, $4  }
0x272: {  	s24 =	sadd.s32 $0x1, s24;
	s1 =	sshrl.u32 s1, $0x3;
	s5 =	sadd.s32 s0, s5  }
0x273: {  	[tilespmem:s25], [sflag:$0x2] =	stream.linear.gather [hbm4b:s5+s6], $0x2800, $0x38;
	[tilespmem:$0x1F480] =	vst v63  }
0x274: {  	s22 =	sadd.s32 $0x400, s22;
	s19 =	sadd.s32 $0x400, s19;
	s1 =	sadd.s32 s2, s1  }
0x275: {  	[tilespmem:s26], [sflag:$0x2] =	stream.linear.gather [hbm4b:s1+s6], $0x200, $0x38;
	[tilespmem:$0x1F480] =	vst v63  }
.LBB2_8:
0x276: {  	s1 =	simm.s32 $0x0  }
0x277: {  	[tilespmem:s31], [sflag:$0x3] =	stream.linear.gather [hbm4b:s13+s1], $0x1540, $0x38;
	[tilespmem:$0x1F480] =	vst v63  }
0x278: {  	_ =	swait.ge [sflag:s21], $0x1540  }
0x279: {  	[sflag:s21] =	ssyncset.done $0x0  }
0x27a: {  	s5 =	simm.s32 $0x1F080;
	v26 =	vadd.s32 s1, v2;
	[sflag:s21] =	ssyncadd.s32 $0xFFFFEAC0  }
0x27b: {  	[tilespmem:s5], [sflag:$0x3] =	stream.linear.gather [hbm4b:s14+s1], $0x110, $0x38;
	[tilespmem:$0x1F480] =	vst v63  }
0x27c: {  	v27 =	vadd.s32 s1, v7;
	_ =	swait.ge [sflag:s21], $0x110  }
0x27d: {  	[sflag:s21] =	ssyncset.done $0x0  }
0x27e: {  	v28 =	vadd.s32 s1, v8;
	[sflag:s21] =	ssyncadd.s32 $0xFFFFFEF0  }
0x27f: {  	v26 =	vld.idx.msk [tilespmem:v26+s31+$0x0], $0xffff  }
0x280: {  	v29 =	vadd.s32 s1, v9  }
0x281: {  	v30 =	vadd.s32 s1, v10;
	v27 =	vld.idx.msk [tilespmem:v27+s31+$0x0], $0xffff;
	_ =	sdelay $0x1  }
0x282: {  	v31 =	vadd.s32 s1, v11;
	v28 =	vld.idx.msk [tilespmem:v28+s31+$0x0], $0xffff  }
0x283: {  	v32 =	vld [tilespmem:s5+$0x0]  }
0x284: {  	v33 =	vadd.s32 s1, v12;
	v29 =	vld.idx.msk [tilespmem:v29+s31+$0x0], $0xffff  }
0x285: {  	v30 =	vld.idx.msk [tilespmem:v30+s31+$0x0], $0xffff  }
0x286: {  	v34 =	vadd.s32 s1, v13;
	v26 =	vld.idx.msk [tilespmem:v26+s6+$0x0], $0xffff  }
0x287: {  	v31 =	vld.idx.msk [tilespmem:v31+s31+$0x0], $0xffff  }
0x288: {  	v35 =	vadd.s32 s1, v14;
	v27 =	vld.idx.msk [tilespmem:v27+s6+$0x0], $0xffff  }
0x289: {  	v33 =	vld.idx.msk [tilespmem:v33+s31+$0x0], $0xffff  }
0x28a: {  	v28 =	vld.idx.msk [tilespmem:v28+s6+$0x0], $0xffff  }
0x28b: {  	v36 =	vadd.s32 s1, v15;
	v34 =	vld.idx.msk [tilespmem:v34+s31+$0x0], $0xffff;
	v26 =	vadd.f32 $0.0e+00, v26  }
0x28c: {  	vm1 =	vgt.s32 v32, $0x0;
	vm2 =	vgt.s32 v32, $0x1;
	v29 =	vld.idx.msk [tilespmem:v29+s6+$0x0], $0xffff  }
0x28d: {  	v37 =	vadd.s32 s1, v16;
	v35 =	vld.idx.msk [tilespmem:v35+s31+$0x0], $0xffff;
	v27 =	vnsel vm2, $0x0, v27;
	v26 =	vnsel vm1, $0x0, v26  }
0x28e: {  	v30 =	vld.idx.msk [tilespmem:v30+s6+$0x0], $0xffff;
	vm1 =	vgt.s32 v32, $0x2;
	v26 =	vadd.f32 v27, v26  }
0x28f: {  	v38 =	vadd.s32 s1, v17;
	v31 =	vld.idx.msk [tilespmem:v31+s6+$0x0], $0xffff;
	v28 =	vnsel vm1, $0x0, v28  }
0x290: {  	v27 =	vld.idx.msk [tilespmem:v36+s31+$0x0], $0xffff;
	vm1 =	vgt.s32 v32, $0x3;
	v26 =	vadd.f32 v28, v26  }
0x291: {  	v53 =	vadd.s32 s1, v18;
	v33 =	vld.idx.msk [tilespmem:v33+s6+$0x0], $0xffff;
	v29 =	vnsel vm1, $0x0, v29  }
0x292: {  	v54 =	vadd.s32 s1, v19;
	vm1 =	vgt.s32 v32, $0x4;
	v28 =	vld.idx.msk [tilespmem:v37+s31+$0x0], $0xffff;
	v26 =	vadd.f32 v29, v26  }
0x293: {  	v34 =	vld.idx.msk [tilespmem:v34+s6+$0x0], $0xffff;
	v30 =	vnsel vm1, $0x0, v30  }
0x294: {  	v55 =	vadd.s32 s1, v20;
	vm1 =	vgt.s32 v32, $0x5;
	v29 =	vld.idx.msk [tilespmem:v38+s31+$0x0], $0xffff;
	v26 =	vadd.f32 v30, v26  }
0x295: {  	v35 =	vld.idx.msk [tilespmem:v35+s6+$0x0], $0xffff;
	v31 =	vnsel vm1, $0x0, v31  }
0x296: {  	v56 =	vadd.s32 s1, v21;
	vm1 =	vgt.s32 v32, $0x6;
	v30 =	vld.idx.msk [tilespmem:v53+s31+$0x0], $0xffff;
	v26 =	vadd.f32 v31, v26  }
0x297: {  	v33 =	vnsel vm1, $0x0, v33;
	v31 =	vld.idx.msk [tilespmem:v54+s31+$0x0], $0xffff  }
0x298: {  	v57 =	vadd.s32 s1, v22;
	vm1 =	vgt.s32 v32, $0x7;
	v27 =	vld.idx.msk [tilespmem:v27+s6+$0x0], $0xffff;
	v26 =	vadd.f32 v33, v26  }
0x299: {  	v58 =	vld.idx.msk [tilespmem:v55+s31+$0x0], $0xffff;
	v34 =	vnsel vm1, $0x0, v34  }
0x29a: {  	v59 =	vadd.s32 s1, v23;
	vm1 =	vgt.s32 v32, $0x8;
	v28 =	vld.idx.msk [tilespmem:v28+s6+$0x0], $0xffff;
	v26 =	vadd.f32 v34, v26  }
0x29b: {  	v60 =	vld.idx.msk [tilespmem:v56+s31+$0x0], $0xffff;
	v35 =	vnsel vm1, $0x0, v35  }
0x29c: {  	vm1 =	vgt.s32 v32, $0x9;
	v29 =	vld.idx.msk [tilespmem:v29+s6+$0x0], $0xffff;
	v26 =	vadd.f32 v35, v26  }
0x29d: {  	v61 =	vadd.s32 s1, v24;
	v62 =	vld.idx.msk [tilespmem:v57+s31+$0x0], $0xffff;
	v27 =	vnsel vm1, $0x0, v27  }
0x29e: {  	vm1 =	vgt.s32 v32, $0xA;
	v30 =	vld.idx.msk [tilespmem:v30+s6+$0x0], $0xffff;
	v26 =	vadd.f32 v27, v26  }
0x29f: {  	v63 =	vadd.s32 s1, v25;
	v28 =	vnsel vm1, $0x0, v28;
	v27 =	vld.idx.msk [tilespmem:v59+s31+$0x0], $0xffff  }
0x2a0: {  	vm1 =	vgt.s32 v32, $0xB;
	v31 =	vld.idx.msk [tilespmem:v31+s6+$0x0], $0xffff;
	v26 =	vadd.f32 v28, v26  }
0x2a1: {  	v33 =	vld.idx.msk [tilespmem:v58+s6+$0x0], $0xffff;
	v29 =	vnsel vm1, $0x0, v29  }
0x2a2: {  	vm1 =	vgt.s32 v32, $0xC;
	v28 =	vld.idx.msk [tilespmem:v61+s31+$0x0], $0xffff;
	v26 =	vadd.f32 v29, v26  }
0x2a3: {  	v34 =	vld.idx.msk [tilespmem:v60+s6+$0x0], $0xffff;
	v30 =	vnsel vm1, $0x0, v30  }
0x2a4: {  	vm1 =	vgt.s32 v32, $0xD;
	v29 =	vld.idx.msk [tilespmem:v63+s31+$0x0], $0xffff;
	v26 =	vadd.f32 v30, v26  }
0x2a5: {  	v30 =	vnsel vm1, $0x0, v31  }
0x2a6: {  	v31 =	vld.idx.msk [tilespmem:v62+s6+$0x0], $0xffff;
	vm1 =	vgt.s32 v32, $0xE;
	v26 =	vadd.f32 v30, v26  }
0x2a7: {  	v30 =	vnsel vm1, $0x0, v33  }
0x2a8: {  	v27 =	vld.idx.msk [tilespmem:v27+s6+$0x0], $0xffff;
	vm1 =	vgt.s32 v32, $0xF;
	v26 =	vadd.f32 v30, v26  }
0x2a9: {  	v30 =	vnsel vm1, $0x0, v34  }
0x2aa: {  	v28 =	vld.idx.msk [tilespmem:v28+s6+$0x0], $0xffff;
	vm1 =	vgt.s32 v32, $0x10;
	v26 =	vadd.f32 v30, v26  }
0x2ab: {  	v30 =	vnsel vm1, $0x0, v31  }
0x2ac: {  	v29 =	vld.idx.msk [tilespmem:v29+s6+$0x0], $0xffff;
	vm1 =	vgt.s32 v32, $0x11;
	v26 =	vadd.f32 v30, v26  }
0x2ad: {  	v27 =	vnsel vm1, $0x0, v27  }
0x2ae: {  	vm1 =	vgt.s32 v32, $0x12;
	v26 =	vadd.f32 v27, v26  }
0x2af: {  	v28 =	vnsel vm1, $0x0, v28;
	v27 =	vld.idx.msk [tilespmem:v32+s29+$0x0], $0xffff  }
0x2b0: {  	vm1 =	vgt.s32 v32, $0x13;
	v26 =	vadd.f32 v28, v26  }
0x2b1: {  	v28 =	vnsel vm1, $0x0, v29  }
0x2b2: {  	v26 =	vadd.f32 v28, v26;
	v28 =	vld [tilespmem:$0x1F400];
	_ =	sdelay $0x1  }
0x2b3: {  	v26 =	vadd.f32 v26, v27;
	v27 =	vor.u32 s20, v0  }
0x2b4: {  	vm1 =	vlt.u32 v27, v1  }
0x2b5: {  	v26 =	vsel vm1, $0xFF800000, v26  }
0x2b6: {  	vm1 =	vgt.f32 v26, v28  }
0x2b7: {  	v28 =	vsel vm1, $0x3F800000, v6  }
0x2b8: {  	(xrf0) =	vmax.scan.msk.f32 $0xffff, v28;
	_ =	sdelay $0x5  }
0x2b9: {  	v28, _, _ =	vpop (xrf0)  }
0x2ba: {  	(v2sf) =	vpush v28, $0xF;
	_ =	sdelay $0xe  }
0x2bb: {  	s24 =	spop (v2sf)  }
0x2bc: {  	p1 =	sgt.f32 s24, $0.0e+00;
	_ =	sdelay $0x1  }
0x2bd: {  	(xrf1) =	vsort.dscd.msk.f32 @p1 $0xffff, v26, v27;
	_ =	sdelay $0xa  }
0x2be: {  	v26 =	vlaneseq.u32 @p1;
	v27 =	vld @p1 [tilespmem:$0x1F390]  }
0x2bf: {  	v28 =	vld @p1 [tilespmem:$0x1F310];
	v26 =	vmul.u32 @p1 $0xFFFFFFFF, v26;
	_ =	sdelay $0x1  }
0x2c0: {  	v26 =	vadd.s32 @p1 $0xF, v26;
	v29, v30, _ =	vpop @p1 (xrf1)  }
0x2c1: {  	v29 =	vperm.xlane @p1 v29, v26;
	v30 =	vperm.xlane @p1 v30, v26;
	_ =	sdelay $0x1  }
0x2c2: {  	vm1 =	veq.f32 @p1 v28, v29;
	vm2 =	vlt.s32 @p1 v27, v30  }
0x2c3: {  	vm3 =	vgt.f32 @p1 v28, v29;
	vm1 =	vmand @p1 vm1, vm2  }
0x2c4: {  	vm1 =	vmor @p1 vm3, vm1  }
0x2c5: {  	v28 =	vsel @p1 vm1, v28, v29;
	v27 =	vsel @p1 vm1, v27, v30  }
0x2c6: {  	(xrf1) =	vsort.dscd.msk.f32 @p1 $0xffff, v28, v27;
	_ =	sdelay $0xa  }
0x2c7: {  	v27 =	vld @p1 [tilespmem:$0x1F380]  }
0x2c8: {  	v28 =	vld @p1 [tilespmem:$0x1F300];
	_ =	sdelay $0x1  }
0x2c9: {  	v29, v30, _ =	vpop @p1 (xrf1)  }
0x2ca: {  	v29 =	vperm.xlane @p1 v29, v26;
	v26 =	vperm.xlane @p1 v30, v26;
	_ =	sdelay $0x1  }
0x2cb: {  	vm1 =	veq.f32 @p1 v28, v29;
	vm2 =	vlt.s32 @p1 v27, v26  }
0x2cc: {  	vm3 =	vgt.f32 @p1 v28, v29;
	vm1 =	vmand @p1 vm1, vm2  }
0x2cd: {  	vm1 =	vmor @p1 vm3, vm1  }
0x2ce: {  	v30 =	vsel @p1 vm1, v29, v28;
	v31 =	vsel @p1 vm1, v26, v27  }
0x2cf: {  	(xrf1) =	vsort.dscd.msk.f32 @p1 $0xffff, v30, v31;
	_ =	sdelay $0x3  }
0x2d0: {  	v28 =	vsel @p1 vm1, v28, v29;
	v26 =	vsel @p1 vm1, v27, v26  }
0x2d1: {  	(xrf1) =	vsort.dscd.msk.f32 @p1 $0xffff, v28, v26;
	_ =	sdelay $0x8  }
0x2d2: {  	v26, v27, _ =	vpop @p1 (xrf1)  }
0x2d3: {  	(xrf0) =	vmin.scan.msk.f32 @p1 $0xffff, v26;
	_ =	sdelay $0x3  }
0x2d4: {  	s8 =	simm.s32 $0x140;
	[tilespmem:$0x1F310] =	vst @p1 v26;
	v26, v28, _ =	vpop @p1 (xrf1)  }
0x2d5: {  	[tilespmem:$0x1F380] =	vst @p1 v28;
	v28 =	vadd.s32 s8, v2  }
0x2d6: {  	[tilespmem:$0x1F390] =	vst @p1 v27;
	v29, _, _ =	vpop @p1 (xrf0)  }
0x2d7: {  	s16 =	simm.s32 $0x280;
	s1 =	smov.u32 s20;
	v27 =	vadd.s32 s8, v7;
	[tilespmem:$0x1F300] =	vst @p1 v26;
	v26 =	vadd.s32 s8, v8;
	v29 =	vbroadcast @p1 v29, $0xF  }
.LBB2_9:
0x2d8: {  	s5 =	sadd.s32 $0x10, s5  }
0x2d9: {  	v30 =	vadd.s32 s16, v8;
	s1 =	sadd.s32 $0x10, s1;
	s9 =	smov.u32 s16;
	s16 =	sadd.s32 $0x140, s16;
	[tilespmem:$0x1F400] =	vst @p1 v29  }
0x2da: {  	p0 =	sne.s32 s16, $0x1540;
	v28 =	vld.idx.msk [tilespmem:v28+s31+$0x0], $0xffff  }
0x2db: {  	v29 =	vadd.s32 s8, v9  }
0x2dc: {  	v32 =	vadd.s32 s8, v10;
	v31 =	vld.idx.msk [tilespmem:v27+s31+$0x0], $0xffff;
	_ =	sdelay $0x1  }
0x2dd: {  	v34 =	vadd.s32 s8, v11;
	v33 =	vld.idx.msk [tilespmem:v26+s31+$0x0], $0xffff;
	v26 =	vmov v30  }
0x2de: {  	v27 =	vld [tilespmem:s5+$0x0]  }
0x2df: {  	v30 =	vadd.s32 s8, v12;
	v29 =	vld.idx.msk [tilespmem:v29+s31+$0x0], $0xffff  }
0x2e0: {  	v32 =	vld.idx.msk [tilespmem:v32+s31+$0x0], $0xffff  }
0x2e1: {  	v35 =	vadd.s32 s8, v13;
	v28 =	vld.idx.msk [tilespmem:v28+s6+$0x0], $0xffff  }
0x2e2: {  	v34 =	vld.idx.msk [tilespmem:v34+s31+$0x0], $0xffff  }
0x2e3: {  	v31 =	vld.idx.msk [tilespmem:v31+s6+$0x0], $0xffff  }
0x2e4: {  	v36 =	vadd.s32 s8, v14;
	v30 =	vld.idx.msk [tilespmem:v30+s31+$0x0], $0xffff  }
0x2e5: {  	v37 =	vadd.s32 s8, v15;
	v33 =	vld.idx.msk [tilespmem:v33+s6+$0x0], $0xffff  }
0x2e6: {  	v35 =	vld.idx.msk [tilespmem:v35+s31+$0x0], $0xffff  }
0x2e7: {  	v38 =	vadd.s32 s8, v16;
	v28 =	vadd.f32 $0.0e+00, v28;
	v29 =	vld.idx.msk [tilespmem:v29+s6+$0x0], $0xffff  }
0x2e8: {  	vm1 =	vgt.s32 v27, $0x0;
	vm2 =	vgt.s32 v27, $0x1;
	v32 =	vld.idx.msk [tilespmem:v32+s6+$0x0], $0xffff  }
0x2e9: {  	v39 =	vadd.s32 s8, v17;
	v28 =	vnsel vm1, $0x0, v28;
	v31 =	vnsel vm2, $0x0, v31;
	v36 =	vld.idx.msk [tilespmem:v36+s31+$0x0], $0xffff  }
0x2ea: {  	vm1 =	vgt.s32 v27, $0x2;
	v28 =	vadd.f32 v31, v28;
	v31 =	vld.idx.msk [tilespmem:v37+s31+$0x0], $0xffff  }
0x2eb: {  	v33 =	vnsel vm1, $0x0, v33;
	v37 =	vadd.s32 s8, v18;
	v34 =	vld.idx.msk [tilespmem:v34+s6+$0x0], $0xffff  }
0x2ec: {  	vm1 =	vgt.s32 v27, $0x3;
	v28 =	vadd.f32 v33, v28;
	v33 =	vld.idx.msk [tilespmem:v38+s31+$0x0], $0xffff  }
0x2ed: {  	v29 =	vnsel vm1, $0x0, v29;
	v38 =	vadd.s32 s8, v19;
	v30 =	vld.idx.msk [tilespmem:v30+s6+$0x0], $0xffff  }
0x2ee: {  	vm1 =	vgt.s32 v27, $0x4;
	v28 =	vadd.f32 v29, v28;
	v29 =	vld.idx.msk [tilespmem:v39+s31+$0x0], $0xffff  }
0x2ef: {  	v32 =	vnsel vm1, $0x0, v32;
	v39 =	vadd.s32 s8, v20;
	v35 =	vld.idx.msk [tilespmem:v35+s6+$0x0], $0xffff  }
0x2f0: {  	vm1 =	vgt.s32 v27, $0x5;
	v28 =	vadd.f32 v32, v28;
	v32 =	vld.idx.msk [tilespmem:v37+s31+$0x0], $0xffff  }
0x2f1: {  	v34 =	vnsel vm1, $0x0, v34;
	v37 =	vadd.s32 s8, v21;
	v36 =	vld.idx.msk [tilespmem:v36+s6+$0x0], $0xffff  }
0x2f2: {  	vm1 =	vgt.s32 v27, $0x6;
	v28 =	vadd.f32 v34, v28;
	v34 =	vld.idx.msk [tilespmem:v38+s31+$0x0], $0xffff  }
0x2f3: {  	v30 =	vnsel vm1, $0x0, v30;
	v38 =	vadd.s32 s8, v22;
	v31 =	vld.idx.msk [tilespmem:v31+s6+$0x0], $0xffff  }
0x2f4: {  	vm1 =	vgt.s32 v27, $0x7;
	v28 =	vadd.f32 v30, v28;
	v30 =	vld.idx.msk [tilespmem:v39+s31+$0x0], $0xffff  }
0x2f5: {  	v35 =	vnsel vm1, $0x0, v35;
	v39 =	vadd.s32 s8, v23;
	v33 =	vld.idx.msk [tilespmem:v33+s6+$0x0], $0xffff  }
0x2f6: {  	vm1 =	vgt.s32 v27, $0x8;
	v28 =	vadd.f32 v35, v28;
	v35 =	vld.idx.msk [tilespmem:v37+s31+$0x0], $0xffff  }
0x2f7: {  	v36 =	vnsel vm1, $0x0, v36;
	v37 =	vadd.s32 s8, v24;
	v29 =	vld.idx.msk [tilespmem:v29+s6+$0x0], $0xffff  }
0x2f8: {  	vm1 =	vgt.s32 v27, $0x9;
	v28 =	vadd.f32 v36, v28;
	v36 =	vld.idx.msk [tilespmem:v38+s31+$0x0], $0xffff  }
0x2f9: {  	v31 =	vnsel vm1, $0x0, v31;
	v38 =	vadd.s32 s8, v25;
	s8 =	smov.u32 s9;
	v32 =	vld.idx.msk [tilespmem:v32+s6+$0x0], $0xffff  }
0x2fa: {  	vm1 =	vgt.s32 v27, $0xA;
	v28 =	vadd.f32 v31, v28;
	v31 =	vld.idx.msk [tilespmem:v39+s31+$0x0], $0xffff  }
0x2fb: {  	v33 =	vnsel vm1, $0x0, v33;
	v34 =	vld.idx.msk [tilespmem:v34+s6+$0x0], $0xffff  }
0x2fc: {  	vm1 =	vgt.s32 v27, $0xB;
	v28 =	vadd.f32 v33, v28;
	v33 =	vld.idx.msk [tilespmem:v37+s31+$0x0], $0xffff  }
0x2fd: {  	v29 =	vnsel vm1, $0x0, v29;
	v30 =	vld.idx.msk [tilespmem:v30+s6+$0x0], $0xffff  }
0x2fe: {  	vm1 =	vgt.s32 v27, $0xC;
	v28 =	vadd.f32 v29, v28;
	v29 =	vld.idx.msk [tilespmem:v38+s31+$0x0], $0xffff  }
0x2ff: {  	v32 =	vnsel vm1, $0x0, v32;
	v35 =	vld.idx.msk [tilespmem:v35+s6+$0x0], $0xffff  }
0x300: {  	vm1 =	vgt.s32 v27, $0xD;
	v28 =	vadd.f32 v32, v28  }
0x301: {  	v32 =	vnsel vm1, $0x0, v34;
	v34 =	vld.idx.msk [tilespmem:v36+s6+$0x0], $0xffff  }
0x302: {  	vm1 =	vgt.s32 v27, $0xE;
	v28 =	vadd.f32 v32, v28  }
0x303: {  	v30 =	vnsel vm1, $0x0, v30;
	v31 =	vld.idx.msk [tilespmem:v31+s6+$0x0], $0xffff  }
0x304: {  	vm1 =	vgt.s32 v27, $0xF;
	v28 =	vadd.f32 v30, v28  }
0x305: {  	v30 =	vnsel vm1, $0x0, v35;
	v32 =	vld.idx.msk [tilespmem:v33+s6+$0x0], $0xffff  }
0x306: {  	vm1 =	vgt.s32 v27, $0x10;
	v28 =	vadd.f32 v30, v28  }
0x307: {  	v30 =	vnsel vm1, $0x0, v34;
	v29 =	vld.idx.msk [tilespmem:v29+s6+$0x0], $0xffff  }
0x308: {  	vm1 =	vgt.s32 v27, $0x11;
	v28 =	vadd.f32 v30, v28  }
0x309: {  	v30 =	vnsel vm1, $0x0, v31  }
0x30a: {  	vm1 =	vgt.s32 v27, $0x12;
	v28 =	vadd.f32 v30, v28;
	v30 =	vld.idx.msk [tilespmem:v27+s29+$0x0], $0xffff  }
0x30b: {  	v31 =	vnsel vm1, $0x0, v32  }
0x30c: {  	vm1 =	vgt.s32 v27, $0x13;
	v28 =	vadd.f32 v31, v28  }
0x30d: {  	v27 =	vnsel vm1, $0x0, v29  }
0x30e: {  	v27 =	vadd.f32 v27, v28;
	v28 =	vld [tilespmem:$0x1F400];
	_ =	sdelay $0x1  }
0x30f: {  	v29 =	vor.u32 s1, v0;
	v27 =	vadd.f32 v27, v30  }
0x310: {  	vm1 =	vlt.u32 v29, v1  }
0x311: {  	v27 =	vsel vm1, $0xFF800000, v27  }
0x312: {  	vm1 =	vgt.f32 v27, v28  }
0x313: {  	v28 =	vsel vm1, $0x3F800000, v6  }
0x314: {  	(xrf0) =	vmax.scan.msk.f32 $0xffff, v28;
	_ =	sdelay $0x5  }
0x315: {  	v28, _, _ =	vpop (xrf0)  }
0x316: {  	(v2sf) =	vpush v28, $0xF;
	_ =	sdelay $0xe  }
0x317: {  	s9 =	spop (v2sf)  }
0x318: {  	p1 =	sgt.f32 s9, $0.0e+00;
	_ =	sdelay $0x1  }
0x319: {  	v28 =	vlaneseq.u32 @p1;
	(xrf1) =	vsort.dscd.msk.f32 @p1 $0xffff, v27, v29  }
0x31a: {  	v27 =	vmul.u32 @p1 $0xFFFFFFFF, v28;
	_ =	sdelay $0x9  }
0x31b: {  	v28 =	vld @p1 [tilespmem:$0x1F390]  }
0x31c: {  	v29 =	vld @p1 [tilespmem:$0x1F310];
	_ =	sdelay $0x1  }
0x31d: {  	v27 =	vadd.s32 @p1 $0xF, v27;
	v30, v31, _ =	vpop @p1 (xrf1)  }
0x31e: {  	v30 =	vperm.xlane @p1 v30, v27;
	v31 =	vperm.xlane @p1 v31, v27;
	_ =	sdelay $0x1  }
0x31f: {  	vm1 =	vgt.f32 @p1 v29, v30;
	vm2 =	veq.f32 @p1 v29, v30;
	vm3 =	vlt.s32 @p1 v28, v31  }
0x320: {  	vm2 =	vmand @p1 vm2, vm3  }
0x321: {  	vm1 =	vmor @p1 vm1, vm2  }
0x322: {  	v29 =	vsel @p1 vm1, v29, v30;
	v28 =	vsel @p1 vm1, v28, v31  }
0x323: {  	(xrf1) =	vsort.dscd.msk.f32 @p1 $0xffff, v29, v28;
	_ =	sdelay $0xa  }
0x324: {  	v28 =	vld @p1 [tilespmem:$0x1F380]  }
0x325: {  	v29 =	vld @p1 [tilespmem:$0x1F300];
	_ =	sdelay $0x1  }
0x326: {  	v30, v31, _ =	vpop @p1 (xrf1)  }
0x327: {  	v30 =	vperm.xlane @p1 v30, v27;
	v27 =	vperm.xlane @p1 v31, v27;
	_ =	sdelay $0x1  }
0x328: {  	vm1 =	vgt.f32 @p1 v29, v30;
	vm2 =	veq.f32 @p1 v29, v30;
	vm3 =	vlt.s32 @p1 v28, v27  }
0x329: {  	vm2 =	vmand @p1 vm2, vm3  }
0x32a: {  	vm1 =	vmor @p1 vm1, vm2  }
0x32b: {  	v31 =	vsel @p1 vm1, v29, v30;
	v29 =	vsel @p1 vm1, v30, v29;
	v30 =	vsel @p1 vm1, v27, v28  }
0x32c: {  	v27 =	vsel @p1 vm1, v28, v27;
	(xrf1) =	vsort.dscd.msk.f32 @p1 $0xffff, v29, v30  }
0x32d: {  	(xrf1) =	vsort.dscd.msk.f32 @p1 $0xffff, v31, v27;
	_ =	sdelay $0xc  }
0x32e: {  	v27, v28, _ =	vpop @p1 (xrf1)  }
0x32f: {  	[tilespmem:$0x1F310] =	vst @p1 v27;
	v29, v30, _ =	vpop @p1 (xrf1);
	(xrf0) =	vmin.scan.msk.f32 @p1 $0xffff, v27  }
0x330: {  	[tilespmem:$0x1F300] =	vst @p1 v29  }
0x331: {  	[tilespmem:$0x1F380] =	vst @p1 v30  }
.Ltmp4:
0x332: {  	[tilespmem:$0x1F390] =	vst @p1 v28;
	(pc) =	sbr.rel @p0 .LBB2_9-.Ltmp4, $4  }
0x333: {  	_ = 	snop  }
0x334: {  	v28 =	vadd.s32 s8, v2  }
0x335: {  	v29, _, _ =	vpop @p1 (xrf0)  }
0x336: {  	v27 =	vadd.s32 s8, v7;
	v29 =	vbroadcast @p1 v29, $0xF  }
0x337: {  	_ =	sdelay $0x2  }
0x338: {  	[tilespmem:$0x1F400] =	vst @p1 v29  }
0x339: {  	v28 =	vld.idx.msk [tilespmem:v28+s31+$0x0], $0xffff  }
0x33a: {  	v40 =	vadd.s32 s8, v9  }
0x33b: {  	v30 =	vadd.s32 s8, v10;
	v27 =	vld.idx.msk [tilespmem:v27+s31+$0x0], $0xffff;
	_ =	sdelay $0x1  }
0x33c: {  	s5 =	sadd.s32 $0x10, s5;
	v31 =	vadd.s32 s8, v11;
	v26 =	vld.idx.msk [tilespmem:v26+s31+$0x0], $0xffff  }
0x33d: {  	v32 =	vld [tilespmem:s5+$0x0]  }
0x33e: {  	v33 =	vadd.s32 s8, v12;
	v29 =	vld.idx.msk [tilespmem:v40+s31+$0x0], $0xffff  }
0x33f: {  	v30 =	vld.idx.msk [tilespmem:v30+s31+$0x0], $0xffff  }
0x340: {  	v34 =	vadd.s32 s8, v13;
	v28 =	vld.idx.msk [tilespmem:v28+s6+$0x0], $0xffff  }
0x341: {  	v31 =	vld.idx.msk [tilespmem:v31+s31+$0x0], $0xffff  }
0x342: {  	v35 =	vadd.s32 s8, v14;
	v27 =	vld.idx.msk [tilespmem:v27+s6+$0x0], $0xffff  }
0x343: {  	v33 =	vld.idx.msk [tilespmem:v33+s31+$0x0], $0xffff  }
0x344: {  	v36 =	vadd.s32 s8, v15;
	v26 =	vld.idx.msk [tilespmem:v26+s6+$0x0], $0xffff  }
0x345: {  	v34 =	vld.idx.msk [tilespmem:v34+s31+$0x0], $0xffff;
	v28 =	vadd.f32 $0.0e+00, v28  }
0x346: {  	vm1 =	vgt.s32 v32, $0x0;
	vm2 =	vgt.s32 v32, $0x1;
	v29 =	vld.idx.msk [tilespmem:v29+s6+$0x0], $0xffff  }
0x347: {  	v37 =	vadd.s32 s8, v16;
	v35 =	vld.idx.msk [tilespmem:v35+s31+$0x0], $0xffff;
	v27 =	vnsel vm2, $0x0, v27;
	v28 =	vnsel vm1, $0x0, v28  }
0x348: {  	v38 =	vadd.s32 s8, v17;
	v30 =	vld.idx.msk [tilespmem:v30+s6+$0x0], $0xffff;
	vm1 =	vgt.s32 v32, $0x2;
	v27 =	vadd.f32 v27, v28  }
0x349: {  	v41 =	vld.idx.msk [tilespmem:v36+s31+$0x0], $0xffff;
	v26 =	vnsel vm1, $0x0, v26  }
0x34a: {  	v42 =	vadd.s32 s8, v18;
	v31 =	vld.idx.msk [tilespmem:v31+s6+$0x0], $0xffff;
	vm1 =	vgt.s32 v32, $0x3;
	v26 =	vadd.f32 v26, v27  }
0x34b: {  	v33 =	vld.idx.msk [tilespmem:v33+s6+$0x0], $0xffff;
	v29 =	vnsel vm1, $0x0, v29  }
0x34c: {  	v43 =	vadd.s32 s8, v19;
	vm1 =	vgt.s32 v32, $0x4;
	v27 =	vld.idx.msk [tilespmem:v37+s31+$0x0], $0xffff;
	v26 =	vadd.f32 v29, v26  }
0x34d: {  	v44 =	vld.idx.msk [tilespmem:v38+s31+$0x0], $0xffff;
	v30 =	vnsel vm1, $0x0, v30  }
0x34e: {  	v45 =	vadd.s32 s8, v20;
	v34 =	vld.idx.msk [tilespmem:v34+s6+$0x0], $0xffff;
	vm1 =	vgt.s32 v32, $0x5;
	v26 =	vadd.f32 v30, v26  }
0x34f: {  	v46 =	vld.idx.msk [tilespmem:v42+s31+$0x0], $0xffff;
	v31 =	vnsel vm1, $0x0, v31  }
0x350: {  	v47 =	vadd.s32 s8, v21;
	v35 =	vld.idx.msk [tilespmem:v35+s6+$0x0], $0xffff;
	vm1 =	vgt.s32 v32, $0x6;
	v26 =	vadd.f32 v31, v26  }
0x351: {  	v48 =	vld.idx.msk [tilespmem:v43+s31+$0x0], $0xffff;
	v33 =	vnsel vm1, $0x0, v33  }
0x352: {  	v49 =	vadd.s32 s8, v22;
	v28 =	vld.idx.msk [tilespmem:v41+s6+$0x0], $0xffff;
	vm1 =	vgt.s32 v32, $0x7;
	v26 =	vadd.f32 v33, v26  }
0x353: {  	v50 =	vld.idx.msk [tilespmem:v45+s31+$0x0], $0xffff;
	v34 =	vnsel vm1, $0x0, v34  }
0x354: {  	v51 =	vadd.s32 s8, v23;
	vm1 =	vgt.s32 v32, $0x8;
	v27 =	vld.idx.msk [tilespmem:v27+s6+$0x0], $0xffff;
	v26 =	vadd.f32 v34, v26  }
0x355: {  	v52 =	vld.idx.msk [tilespmem:v47+s31+$0x0], $0xffff;
	v35 =	vnsel vm1, $0x0, v35  }
0x356: {  	v29 =	vld.idx.msk [tilespmem:v44+s6+$0x0], $0xffff;
	vm1 =	vgt.s32 v32, $0x9;
	v26 =	vadd.f32 v35, v26  }
0x357: {  	v53 =	vadd.s32 s8, v24;
	v54 =	vld.idx.msk [tilespmem:v49+s31+$0x0], $0xffff;
	v28 =	vnsel vm1, $0x0, v28  }
0x358: {  	v55 =	vadd.s32 s8, v25;
	v30 =	vld.idx.msk [tilespmem:v46+s6+$0x0], $0xffff;
	vm1 =	vgt.s32 v32, $0xA;
	v26 =	vadd.f32 v28, v26  }
0x359: {  	v56 =	vld.idx.msk [tilespmem:v51+s31+$0x0], $0xffff;
	v27 =	vnsel vm1, $0x0, v27  }
0x35a: {  	v31 =	vld.idx.msk [tilespmem:v48+s6+$0x0], $0xffff;
	vm1 =	vgt.s32 v32, $0xB;
	v26 =	vadd.f32 v27, v26  }
0x35b: {  	v33 =	vld.idx.msk [tilespmem:v50+s6+$0x0], $0xffff;
	v29 =	vnsel vm1, $0x0, v29  }
0x35c: {  	vm1 =	vgt.s32 v32, $0xC;
	v27 =	vld.idx.msk [tilespmem:v53+s31+$0x0], $0xffff;
	v26 =	vadd.f32 v29, v26  }
0x35d: {  	v57 =	vld.idx.msk [tilespmem:v55+s31+$0x0], $0xffff;
	v30 =	vnsel vm1, $0x0, v30  }
0x35e: {  	v34 =	vld.idx.msk [tilespmem:v52+s6+$0x0], $0xffff;
	vm1 =	vgt.s32 v32, $0xD;
	v26 =	vadd.f32 v30, v26  }
0x35f: {  	v58 =	vnsel vm1, $0x0, v31  }
0x360: {  	v59 =	vld.idx.msk [tilespmem:v54+s6+$0x0], $0xffff;
	vm1 =	vgt.s32 v32, $0xE;
	v26 =	vadd.f32 v58, v26  }
0x361: {  	v60 =	vnsel vm1, $0x0, v33  }
0x362: {  	v28 =	vld.idx.msk [tilespmem:v56+s6+$0x0], $0xffff;
	vm1 =	vgt.s32 v32, $0xF;
	v26 =	vadd.f32 v60, v26  }
0x363: {  	v61 =	vnsel vm1, $0x0, v34  }
0x364: {  	vm1 =	vgt.s32 v32, $0x10;
	v27 =	vld.idx.msk [tilespmem:v27+s6+$0x0], $0xffff;
	v26 =	vadd.f32 v61, v26  }
0x365: {  	v62 =	vnsel vm1, $0x0, v59  }
0x366: {  	v29 =	vld.idx.msk [tilespmem:v57+s6+$0x0], $0xffff;
	vm1 =	vgt.s32 v32, $0x11;
	v26 =	vadd.f32 v62, v26  }
0x367: {  	v28 =	vnsel vm1, $0x0, v28  }
0x368: {  	vm1 =	vgt.s32 v32, $0x12;
	v26 =	vadd.f32 v28, v26  }
0x369: {  	v63 =	vld.idx.msk [tilespmem:v32+s29+$0x0], $0xffff;
	v27 =	vnsel vm1, $0x0, v27  }
0x36a: {  	vm1 =	vgt.s32 v32, $0x13;
	v26 =	vadd.f32 v27, v26  }
0x36b: {  	v27 =	vnsel vm1, $0x0, v29  }
0x36c: {  	v26 =	vadd.f32 v27, v26;
	v27 =	vld [tilespmem:$0x1F400]  }
0x36d: {  	s1 =	sadd.s32 $0x10, s1  }
0x36e: {  	v28 =	vor.u32 s1, v0;
	v26 =	vadd.f32 v26, v63  }
0x36f: {  	vm1 =	vlt.u32 v28, v1  }
0x370: {  	v26 =	vsel vm1, $0xFF800000, v26  }
0x371: {  	vm1 =	vgt.f32 v26, v27  }
0x372: {  	v27 =	vsel vm1, $0x3F800000, v6  }
0x373: {  	(xrf0) =	vmax.scan.msk.f32 $0xffff, v27;
	_ =	sdelay $0x5  }
0x374: {  	v27, _, _ =	vpop (xrf0)  }
0x375: {  	(v2sf) =	vpush v27, $0xF;
	_ =	sdelay $0xe  }
0x376: {  	s19 =	spop (v2sf)  }
0x377: {  	p0 =	sgt.f32 s19, $0.0e+00;
	_ =	sdelay $0x1  }
0x378: {  	(xrf1) =	vsort.dscd.msk.f32 @p0 $0xffff, v26, v28;
	_ =	sdelay $0xa  }
0x379: {  	v26 =	vlaneseq.u32 @p0;
	v27 =	vld @p0 [tilespmem:$0x1F390]  }
0x37a: {  	v28 =	vld @p0 [tilespmem:$0x1F310];
	v26 =	vmul.u32 @p0 $0xFFFFFFFF, v26;
	_ =	sdelay $0x1  }
0x37b: {  	v26 =	vadd.s32 @p0 $0xF, v26;
	v29, v30, _ =	vpop @p0 (xrf1)  }
0x37c: {  	v29 =	vperm.xlane @p0 v29, v26;
	v30 =	vperm.xlane @p0 v30, v26;
	_ =	sdelay $0x1  }
0x37d: {  	vm1 =	veq.f32 @p0 v28, v29;
	vm2 =	vlt.s32 @p0 v27, v30  }
0x37e: {  	vm3 =	vgt.f32 @p0 v28, v29;
	vm1 =	vmand @p0 vm1, vm2  }
0x37f: {  	vm1 =	vmor @p0 vm3, vm1  }
0x380: {  	v28 =	vsel @p0 vm1, v28, v29;
	v27 =	vsel @p0 vm1, v27, v30  }
0x381: {  	(xrf1) =	vsort.dscd.msk.f32 @p0 $0xffff, v28, v27;
	_ =	sdelay $0xa  }
0x382: {  	v27 =	vld @p0 [tilespmem:$0x1F380]  }
0x383: {  	v28 =	vld @p0 [tilespmem:$0x1F300];
	_ =	sdelay $0x1  }
0x384: {  	v29, v30, _ =	vpop @p0 (xrf1)  }
0x385: {  	v29 =	vperm.xlane @p0 v29, v26;
	v26 =	vperm.xlane @p0 v30, v26;
	_ =	sdelay $0x1  }
0x386: {  	vm1 =	veq.f32 @p0 v28, v29;
	vm2 =	vlt.s32 @p0 v27, v26  }
0x387: {  	vm3 =	vgt.f32 @p0 v28, v29;
	vm1 =	vmand @p0 vm1, vm2  }
0x388: {  	vm1 =	vmor @p0 vm3, vm1  }
0x389: {  	v30 =	vsel @p0 vm1, v29, v28;
	v31 =	vsel @p0 vm1, v26, v27  }
0x38a: {  	(xrf1) =	vsort.dscd.msk.f32 @p0 $0xffff, v30, v31;
	_ =	sdelay $0x4  }
0x38b: {  	v28 =	vsel @p0 vm1, v28, v29;
	v26 =	vsel @p0 vm1, v27, v26  }
0x38c: {  	(xrf1) =	vsort.dscd.msk.f32 @p0 $0xffff, v28, v26;
	_ =	sdelay $0x7  }
0x38d: {  	v26, v27, _ =	vpop @p0 (xrf1)  }
0x38e: {  	(xrf0) =	vmin.scan.msk.f32 @p0 $0xffff, v26;
	_ =	sdelay $0x4  }
0x38f: {  	[tilespmem:$0x1F310] =	vst @p0 v26;
	v26, v28, _ =	vpop @p0 (xrf1)  }
0x390: {  	[tilespmem:$0x1F300] =	vst @p0 v26;
	v26, _, _ =	vpop @p0 (xrf0)  }
0x391: {  	[tilespmem:$0x1F390] =	vst @p0 v27;
	v26 =	vbroadcast @p0 v26, $0xF  }
0x392: {  	[tilespmem:$0x1F380] =	vst @p0 v28  }
0x393: {  	s22 =	simm.s32 $0x1F300;
	[tilespmem:$0x1F400] =	vst @p0 v26  }
0x394: {  	[hbm4b:s15+s6] =	stream.linear.scatter [tilespmem:s22], [sflag:$0x3], $0x80, $0x38;
	[tilespmem:$0x1F480] =	vst v63  }
0x395: {  	s3 =	sadd.s32 $0x1, s3;
	_ =	swait.ge [sflag:s21], $0x80  }
0x396: {  	p0 =	sne.s32 s3, s18;
	[sflag:s21] =	ssyncset.done $0x0  }
.Ltmp5:
0x397: {  	s24 =	simm.s32 $0x1F380;
	[sflag:s21] =	ssyncadd.s32 $0xFFFFFF80;
	(pc) =	sbr.rel @p0 .LBB2_1-.Ltmp5, $4  }
0x398: {  	[hbm4b:s17+s6] =	stream.linear.scatter [tilespmem:s24], [sflag:$0x3], $0x80, $0x38;
	[tilespmem:$0x1F480] =	vst v63  }
0x399: {  	_ =	swait.ge [sflag:s21], $0x80  }
0x39a: {  	[sflag:s21] =	ssyncset.done $0x0  }
0x39b: {  	[sflag:s21] =	ssyncadd.s32 $0xFFFFFF80  }
0x39c: {  	_ =	sfence.sel $0x180000  }
0x39d: {  	[bflag:$0x0] =	sbarrier.arrive $0xFFFF  }
0x39e: {  	_ =	strace $0x90000047  }
0x39f: {  	s0 =	stileid.u32;
	[bflag:$0x2] =	sbarrier.arrive $0xFFFF  }
0x3a0: {  	p0 =	sne.s32 s0, $0x0;
	s0 =	rddreg [dreg:$0x6]  }
0x3a1: {  	s0 =	sadd.s32 @!p0 $0x100000, s0  }
0x3a2: {  	[sflag:s0] =	ssyncadd.tile.s32 @!p0 $0x1;
	_ =	shalt  }
.Lfunc_end2:
_tile_overlayer_lowered:
.L_overlay_start_2:
0x3a3: {  	(tag) =	ssettag $0x2  }
0x3a4: {  	s0 =	rddreg [dreg:$0x0];
	s2 =	stileid.u32  }
0x3a5: {  	s1 =	rddreg [dreg:$0x1];
	p0 =	sne.s32 s2, $0x0  }
0x3a6: {  	s3 =	rddreg [dreg:$0x2];
	[bflag:$0x3] =	sbarrier.arrive $0xFFFF;
	s2 =	simm.s32 @!p0 $0x1C03  }
0x3a7: {  	[timem:s3], [sflag:s2] =	dma.local @!p0 [hbm:s0], s1  }
0x3a8: {  	s0 =	simm.s32 @!p0 $0x3  }
0x3a9: {  	_ =	swait.ge @!p0 [sflag:s0], s1  }
0x3aa: {  	s1 =	ssub.s32 @!p0 $0x0, s1;
	[sflag:s0] =	ssyncset.done @!p0 $0x0  }
0x3ab: {  	[sflag:s0] =	ssyncadd.s32 @!p0 s1  }
0x3ac: {  	[bflag:$0x3] =	sbarrier.arrive $0xFFFF  }
0x3ad: {  	_ =	shalt  }

</sc_bundles>
